<compile_context>
chip_gen: v7x
topology: tpu7x:2x2x1
jax: 0.10.2.dev20260603
libtpu: 0.0.44.dev20260713+nightly
codegen_flags: <defaults>
</compile_context>

<pallas_src>
import functools

import jax
import jax.numpy as jnp
from jax import lax
from jax.experimental import pallas as pl
from jax.experimental.pallas import tpu as pltpu
from jax.experimental.pallas import tpu_sc as plsc

_N = 10000
_E = 320000
_NFEAT = 128
_NHID = 128
_NCLASS = 64

_NC = 2
_NS = 16
_NT = _NC * _NS
_CH = 128
_CPT = 80
_CHUNKS_PAD = _CPT * _NT
_E_PAD = _CHUNKS_PAD * _CH
_ACH = 64
_ACPT = _E_PAD // (_NT * _ACH)
_NBUF = 4
_ACC_ROWS = 10240
_RPT = _ACC_ROWS // _NS
_ACC_A = 10112
_RPA = _ACC_A // _NS

@functools.cache
def _mesh():
    return plsc.VectorSubcoreMesh(
        core_axis_name="c", subcore_axis_name="s", num_cores=_NC, num_subcores=_NS
    )


def _deg_body(dst_hbm, out_hbm, idx_v, ones_v, zero_v, acc, dsem):
    cid = lax.axis_index("c")
    sid = lax.axis_index("s")
    tid = cid * _NS + sid
    for i in range(_CH // 16):
        ones_v[pl.ds(i * 16, 16)] = jnp.ones((16,), jnp.float32)
    for i in range(_RPT // 16):
        zero_v[pl.ds(i * 16, 16)] = jnp.zeros((16,), jnp.float32)
    pltpu.sync_copy(zero_v, acc.at[pl.ds(sid * _RPT, _RPT)])
    plsc.subcore_barrier()
    pltpu.sync_copy(dst_hbm.at[pl.ds(tid * _CPT, _CPT)], idx_v)

    _DEPTH = 8

    def prime(i, carry):
        pltpu.async_copy(ones_v, acc.at[idx_v.at[i]], dsem, add=True)
        return carry

    lax.fori_loop(0, _DEPTH, prime, 0)

    def body(i, carry):
        pltpu.make_async_copy(ones_v, acc.at[idx_v.at[0]], dsem).wait()
        pltpu.async_copy(ones_v, acc.at[idx_v.at[i + _DEPTH]], dsem, add=True)
        return carry

    lax.fori_loop(0, _CPT - _DEPTH, body, 0)

    def drain(i, carry):
        pltpu.make_async_copy(ones_v, acc.at[idx_v.at[0]], dsem).wait()
        return carry

    lax.fori_loop(0, _DEPTH, drain, 0)
    plsc.subcore_barrier()
    pltpu.sync_copy(
        acc.at[pl.ds(sid * _RPT, _RPT)],
        out_hbm.at[pl.ds(cid * _ACC_ROWS + sid * _RPT, _RPT)],
    )


@functools.cache
def _deg_call():
    return functools.partial(
        pl.kernel,
        out_type=jax.ShapeDtypeStruct((_NC * _ACC_ROWS,), jnp.float32),
        mesh=_mesh(),
        scratch_types=[
            pltpu.VMEM((_CPT, _CH), jnp.int32),
            pltpu.VMEM((_CH,), jnp.float32),
            pltpu.VMEM((_RPT,), jnp.float32),
            pltpu.VMEM_SHARED((_ACC_ROWS,), jnp.float32),
            pltpu.SemaphoreType.DMA,
        ],
    )(_deg_body)


def _agg_body(f, y_hbm, src_hbm, dst_hbm, out_hbm, srcv, dstv, rows, acc, sems):
    cid = lax.axis_index("c")
    sid = lax.axis_index("s")
    tid = cid * _NS + sid

    def zfill(r, carry):
        for c in range(f // 16):
            rows[0][r, pl.ds(c * 16, 16)] = jnp.zeros((16,), jnp.float32)
        return carry

    lax.fori_loop(0, _ACH, zfill, 0)
    for k in range(_RPA // _ACH):
        pltpu.async_copy(rows[0], acc.at[pl.ds(sid * _RPA + k * _ACH, _ACH)],
                         sems[k % _NBUF])
    rem = _RPA % _ACH
    if rem:
        pltpu.async_copy(
            rows[0].at[pl.ds(0, rem)],
            acc.at[pl.ds(sid * _RPA + (_RPA // _ACH) * _ACH, rem)],
            sems[(_RPA // _ACH) % _NBUF],
        )
    for k in range(_RPA // _ACH):
        pltpu.make_async_copy(
            rows[0], acc.at[pl.ds(sid * _RPA + k * _ACH, _ACH)],
            sems[k % _NBUF]).wait()
    if rem:
        pltpu.make_async_copy(
            rows[0].at[pl.ds(0, rem)],
            acc.at[pl.ds(sid * _RPA + (_RPA // _ACH) * _ACH, rem)],
            sems[(_RPA // _ACH) % _NBUF]).wait()
    plsc.subcore_barrier()

    half_n = _ACPT // 4

    def stage_body(half, carry0):
        base = pl.multiple_of(tid * _ACPT + half * half_n, 8)
        pltpu.async_copy(src_hbm.at[pl.ds(base, half_n)], srcv, sems[0])
        pltpu.async_copy(dst_hbm.at[pl.ds(base, half_n)], dstv, sems[1])
        pltpu.make_async_copy(src_hbm.at[pl.ds(base, half_n)], srcv,
                              sems[0]).wait()
        pltpu.make_async_copy(dst_hbm.at[pl.ds(base, half_n)], dstv,
                              sems[1]).wait()

        for b in range(_NBUF):
            pltpu.async_copy(y_hbm.at[srcv.at[b]], rows[b], sems[b])

        def step(k, carry):
            g = k * _NBUF
            for b in range(_NBUF):
                c = g + b
                pltpu.make_async_copy(y_hbm.at[srcv.at[c]], rows[b],
                                      sems[b]).wait()
                pltpu.sync_copy(rows[b], acc.at[dstv.at[c]], add=True)

                @pl.when(c + _NBUF < half_n)
                def _():
                    pltpu.async_copy(y_hbm.at[srcv.at[c + _NBUF]], rows[b],
                                     sems[b])

            return carry

        lax.fori_loop(0, half_n // _NBUF, step, 0)
        return carry0

    lax.fori_loop(0, 4, stage_body, 0)

    plsc.subcore_barrier()
    pltpu.sync_copy(
        acc.at[pl.ds(sid * _RPA, _RPA)],
        out_hbm.at[cid, pl.ds(sid * _RPA, _RPA)],
    )


@functools.cache
def _make_agg(f):
    return functools.partial(
        pl.kernel,
        out_type=jax.ShapeDtypeStruct((_NC, _ACC_A, f), jnp.float32),
        mesh=_mesh(),
        scratch_types=[
            pltpu.VMEM((_ACPT // 4, _ACH), jnp.int32),
            pltpu.VMEM((_ACPT // 4, _ACH), jnp.int32),
            [pltpu.VMEM((_ACH, f), jnp.float32) for _ in range(_NBUF)],
            pltpu.VMEM_SHARED((_ACC_A, f), jnp.float32),
            [pltpu.SemaphoreType.DMA for _ in range(_NBUF)],
        ],
    )(functools.partial(_agg_body, f))

_BLK = 5000
_GRID = _N // _BLK


def _dense1_body(x_ref, w_ref, deg_ref, y_ref):
    dinv = lax.rsqrt(deg_ref[0] + deg_ref[1] + 1.0)
    y_ref[...] = dinv * jnp.dot(
        x_ref[...], w_ref[...], preferred_element_type=jnp.float32
    )


def _dense2_body(agg_ref, y1_ref, deg_ref, b1_ref, q_ref):
    dinv = lax.rsqrt(deg_ref[0] + deg_ref[1] + 1.0)
    s = agg_ref[0] + agg_ref[1] + y1_ref[...]
    q_ref[...] = dinv * jnp.maximum(dinv * s + b1_ref[...], 0.0)


def _dense3_body(agg_ref, q_ref, deg_ref, w2_ref, b2_ref, out_ref):
    dinv = lax.rsqrt(deg_ref[0] + deg_ref[1] + 1.0)
    s = agg_ref[0] + agg_ref[1] + q_ref[...]
    out_ref[...] = dinv * jnp.dot(
        s, w2_ref[...], preferred_element_type=jnp.float32
    ) + b2_ref[...]


def _row_spec(f):
    return pl.BlockSpec((_BLK, f), lambda i: (i, 0))


def _full_spec(shape):
    return pl.BlockSpec(shape, lambda i: tuple(0 for _ in shape))


_deg_spec = pl.BlockSpec((_NC, _BLK, 1), lambda i: (0, i, 0))
_agg_spec_h = pl.BlockSpec((_NC, _BLK, _NHID), lambda i: (0, i, 0))

_dense1 = pl.pallas_call(
    _dense1_body,
    grid=(_GRID,),
    in_specs=[_row_spec(_NFEAT), _full_spec((_NFEAT, _NHID)), _deg_spec],
    out_specs=_row_spec(_NHID),
    out_shape=jax.ShapeDtypeStruct((_N, _NHID), jnp.float32),
)

_dense2 = pl.pallas_call(
    _dense2_body,
    grid=(_GRID,),
    in_specs=[
        _agg_spec_h,
        _row_spec(_NHID),
        _deg_spec,
        _full_spec((1, _NHID)),
    ],
    out_specs=_row_spec(_NHID),
    out_shape=jax.ShapeDtypeStruct((_N, _NHID), jnp.float32),
)

_dense3 = pl.pallas_call(
    _dense3_body,
    grid=(_GRID,),
    in_specs=[
        _agg_spec_h,
        _row_spec(_NHID),
        _deg_spec,
        _full_spec((_NHID, _NCLASS)),
        _full_spec((1, _NCLASS)),
    ],
    out_specs=_row_spec(_NCLASS),
    out_shape=jax.ShapeDtypeStruct((_N, _NCLASS), jnp.float32),
)


def kernel(x, edge_index, W1, b1, W2, b2):
    src = edge_index[0]
    dst = edge_index[1]
    pad = _E_PAD - _E
    pad_idx = jnp.arange(pad, dtype=jnp.int32)
    src_f = jnp.concatenate([src, pad_idx % _N])
    dst_f = jnp.concatenate([dst, _N + (pad_idx % 16)])
    dst2d = dst_f.reshape(_CHUNKS_PAD, _CH)
    src_a = src_f.reshape(_NT * _ACPT, _ACH)
    dst_a = dst_f.reshape(_NT * _ACPT, _ACH)

    deg_p = _deg_call()(dst2d).reshape(_NC, _ACC_ROWS)
    deg_col = deg_p[:, :, None]

    y1 = _dense1(x, W1, deg_col)
    agg1 = _make_agg(_NHID)(y1, src_a, dst_a)
    q = _dense2(agg1, y1, deg_col, b1.reshape(1, _NHID))
    agg2 = _make_agg(_NHID)(q, src_a, dst_a)
    return _dense3(agg2, q, deg_col, W2, b2.reshape(1, _NCLASS))

# --- scband reference (transcript-rebuilt; emitter-appended) ---
"""Pipeline reference for scband-gcn-80126909874310 (READ-ONLY COPY).

The authoritative reference and input builder live on the scoring server;
editing this copy changes nothing except your own understanding.
"""

import jax, jax.numpy as jnp
import numpy as np

N = 10000
E = 320000
NFEAT = 128
NHID = 128
NCLASS = 64


def setup_inputs(seed: int = 0) -> dict:
    key = jax.random.key(seed)
    k1, k2, k3, k4 = jax.random.split(key, 4)
    x = jax.random.normal(k1, (N, NFEAT), dtype=jnp.float32)
    edge_index = jax.random.randint(k2, (2, E), 0, N, dtype=jnp.int32)
    W1 = jax.random.normal(k3, (NFEAT, NHID), dtype=jnp.float32) * (1.0 / np.sqrt(NFEAT))
    b1 = jnp.zeros((NHID,), dtype=jnp.float32)
    W2 = jax.random.normal(k4, (NHID, NCLASS), dtype=jnp.float32) * (1.0 / np.sqrt(NHID))
    b2 = jnp.zeros((NCLASS,), dtype=jnp.float32)
    return {"x": x, "edge_index": edge_index, "W1": W1, "b1": b1, "W2": W2, "b2": b2}


def _gcn_conv(x, edge_index, W, b):
    # PyG-style GCNConv: add self-loops, symmetric degree normalization, sum aggregation.
    loop = jnp.arange(N, dtype=edge_index.dtype)
    src = jnp.concatenate([edge_index[0], loop])
    dst = jnp.concatenate([edge_index[1], loop])
    xw = x @ W
    deg = jnp.zeros((N,), dtype=x.dtype).at[dst].add(1.0)
    dinv = jnp.where(deg > 0, 1.0 / jnp.sqrt(deg), 0.0)
    norm = dinv[src] * dinv[dst]
    msg = xw[src] * norm[:, None]
    out = jnp.zeros((N, W.shape[1]), dtype=x.dtype).at[dst].add(msg)
    return out + b


def reference(x, edge_index, W1, b1, W2, b2):
    h = _gcn_conv(x, edge_index, W1, b1)
    h = jax.nn.relu(h)
    out = _gcn_conv(h, edge_index, W2, b2)
    return out

if __name__ == "__main__":
    import jax
    _d = setup_inputs()
    print(jax.jit(kernel)(*tuple(_d.values())))

</pallas_src>

<mosaic_0001>
#map = affine_map<(d0, d1) -> (0, 0)>
#map1 = affine_map<(d0, d1) -> (0, 0, 0)>
module attributes {stable_mosaic.version = 14 : i64} {
  func.func @_agg_body(%arg0: i32, %arg1: i32, %arg2: memref<10000x128xf32, #tpu.memory_space<hbm>>, %arg3: memref<5120x64xi32, #tpu.memory_space<hbm>>, %arg4: memref<5120x64xi32, #tpu.memory_space<hbm>>, %arg5: memref<2x10112x128xf32, #tpu.memory_space<hbm>>, %arg6: memref<40x64xi32, #tpu.memory_space<vmem>>, %arg7: memref<40x64xi32, #tpu.memory_space<vmem>>, %arg8: memref<64x128xf32, #tpu.memory_space<vmem>>, %arg9: memref<64x128xf32, #tpu.memory_space<vmem>>, %arg10: memref<64x128xf32, #tpu.memory_space<vmem>>, %arg11: memref<64x128xf32, #tpu.memory_space<vmem>>, %arg12: memref<10112x128xf32, #tpu.memory_space<vmem_shared>>, %arg13: memref<!tpu.dma_semaphore, #tpu.memory_space<semaphore_mem>>, %arg14: memref<!tpu.dma_semaphore, #tpu.memory_space<semaphore_mem>>, %arg15: memref<!tpu.dma_semaphore, #tpu.memory_space<semaphore_mem>>, %arg16: memref<!tpu.dma_semaphore, #tpu.memory_space<semaphore_mem>>) attributes {dimension_semantics = [#tpu.dimension_semantics<core_parallel>, #tpu.dimension_semantics<subcore_parallel>], iteration_bounds = array<i64: 2, 16>, scalar_prefetch = 0 : i64, scratch_operands = 11 : i64, tpu.core_type = #tpu.core_type<sc_vector_subcore>, window_params = [{transform_indices = #map}, {transform_indices = #map}, {transform_indices = #map}, {transform_indices = #map1}]} {
    %mul3A = arith.constant 16 : i32
    %mul3A_0 = arith.muli %arg0, %mul3A : i32
    %add3A = arith.addi %mul3A_0, %arg1 : i32
    %scan3A = arith.constant 0 : i32
    %scan3A_1 = arith.constant 0 : i32
    %scan3A_2 = arith.constant 64 : i32
    %scan3A_3 = arith.addi %scan3A_1, %scan3A_2 : i32
    %scan3A_4 = arith.constant 1 : i32
    scf.for %scan3A_187 = %scan3A_1 to %scan3A_3 step %scan3A_4  : i32 {
      %broadcast_in_dim3A = arith.constant 0.000000e+00 : f32
      %broadcast_in_dim3A_188 = vector.broadcast %broadcast_in_dim3A : f32 to vector<16xf32>
      %swap3A = arith.index_cast %scan3A_187 : i32 to index
      %swap3A_189 = arith.constant 0 : index
      %swap3A_190 = tpu.vector_load %arg8[%swap3A, %swap3A_189] {strides = array<i32>} : memref<64x128xf32, #tpu.memory_space<vmem>>, vector<1x16xf32>,
      %swap3A_191 = vector.shape_cast %swap3A_190 : vector<1x16xf32> to vector<16xf32>
      %swap3A_192 = vector.shape_cast %broadcast_in_dim3A_188 : vector<16xf32> to vector<1x16xf32>
      tpu.vector_store %arg8[%swap3A, %swap3A_189], %swap3A_192 {strides = array<i32>} : memref<64x128xf32, #tpu.memory_space<vmem>>, vector<1x16xf32>,
      %broadcast_in_dim3A_193 = arith.constant 0.000000e+00 : f32
      %broadcast_in_dim3A_194 = vector.broadcast %broadcast_in_dim3A_193 : f32 to vector<16xf32>
      %swap3A_195 = arith.index_cast %scan3A_187 : i32 to index
      %swap3A_196 = arith.constant 16 : index
      %swap3A_197 = tpu.vector_load %arg8[%swap3A_195, %swap3A_196] {strides = array<i32>} : memref<64x128xf32, #tpu.memory_space<vmem>>, vector<1x16xf32>,
      %swap3A_198 = vector.shape_cast %swap3A_197 : vector<1x16xf32> to vector<16xf32>
      %swap3A_199 = vector.shape_cast %broadcast_in_dim3A_194 : vector<16xf32> to vector<1x16xf32>
      tpu.vector_store %arg8[%swap3A_195, %swap3A_196], %swap3A_199 {strides = array<i32>} : memref<64x128xf32, #tpu.memory_space<vmem>>, vector<1x16xf32>,
      %broadcast_in_dim3A_200 = arith.constant 0.000000e+00 : f32
      %broadcast_in_dim3A_201 = vector.broadcast %broadcast_in_dim3A_200 : f32 to vector<16xf32>
      %swap3A_202 = arith.index_cast %scan3A_187 : i32 to index
      %swap3A_203 = arith.constant 32 : index
      %swap3A_204 = tpu.vector_load %arg8[%swap3A_202, %swap3A_203] {strides = array<i32>} : memref<64x128xf32, #tpu.memory_space<vmem>>, vector<1x16xf32>,
      %swap3A_205 = vector.shape_cast %swap3A_204 : vector<1x16xf32> to vector<16xf32>
      %swap3A_206 = vector.shape_cast %broadcast_in_dim3A_201 : vector<16xf32> to vector<1x16xf32>
      tpu.vector_store %arg8[%swap3A_202, %swap3A_203], %swap3A_206 {strides = array<i32>} : memref<64x128xf32, #tpu.memory_space<vmem>>, vector<1x16xf32>,
      %broadcast_in_dim3A_207 = arith.constant 0.000000e+00 : f32
      %broadcast_in_dim3A_208 = vector.broadcast %broadcast_in_dim3A_207 : f32 to vector<16xf32>
      %swap3A_209 = arith.index_cast %scan3A_187 : i32 to index
      %swap3A_210 = arith.constant 48 : index
      %swap3A_211 = tpu.vector_load %arg8[%swap3A_209, %swap3A_210] {strides = array<i32>} : memref<64x128xf32, #tpu.memory_space<vmem>>, vector<1x16xf32>,
      %swap3A_212 = vector.shape_cast %swap3A_211 : vector<1x16xf32> to vector<16xf32>
      %swap3A_213 = vector.shape_cast %broadcast_in_dim3A_208 : vector<16xf32> to vector<1x16xf32>
      tpu.vector_store %arg8[%swap3A_209, %swap3A_210], %swap3A_213 {strides = array<i32>} : memref<64x128xf32, #tpu.memory_space<vmem>>, vector<1x16xf32>,
      %broadcast_in_dim3A_214 = arith.constant 0.000000e+00 : f32
      %broadcast_in_dim3A_215 = vector.broadcast %broadcast_in_dim3A_214 : f32 to vector<16xf32>
      %swap3A_216 = arith.index_cast %scan3A_187 : i32 to index
      %swap3A_217 = arith.constant 64 : index
      %swap3A_218 = tpu.vector_load %arg8[%swap3A_216, %swap3A_217] {strides = array<i32>} : memref<64x128xf32, #tpu.memory_space<vmem>>, vector<1x16xf32>,
      %swap3A_219 = vector.shape_cast %swap3A_218 : vector<1x16xf32> to vector<16xf32>
      %swap3A_220 = vector.shape_cast %broadcast_in_dim3A_215 : vector<16xf32> to vector<1x16xf32>
      tpu.vector_store %arg8[%swap3A_216, %swap3A_217], %swap3A_220 {strides = array<i32>} : memref<64x128xf32, #tpu.memory_space<vmem>>, vector<1x16xf32>,
      %broadcast_in_dim3A_221 = arith.constant 0.000000e+00 : f32
      %broadcast_in_dim3A_222 = vector.broadcast %broadcast_in_dim3A_221 : f32 to vector<16xf32>
      %swap3A_223 = arith.index_cast %scan3A_187 : i32 to index
      %swap3A_224 = arith.constant 80 : index
      %swap3A_225 = tpu.vector_load %arg8[%swap3A_223, %swap3A_224] {strides = array<i32>} : memref<64x128xf32, #tpu.memory_space<vmem>>, vector<1x16xf32>,
      %swap3A_226 = vector.shape_cast %swap3A_225 : vector<1x16xf32> to vector<16xf32>
      %swap3A_227 = vector.shape_cast %broadcast_in_dim3A_222 : vector<16xf32> to vector<1x16xf32>
      tpu.vector_store %arg8[%swap3A_223, %swap3A_224], %swap3A_227 {strides = array<i32>} : memref<64x128xf32, #tpu.memory_space<vmem>>, vector<1x16xf32>,
      %broadcast_in_dim3A_228 = arith.constant 0.000000e+00 : f32
      %broadcast_in_dim3A_229 = vector.broadcast %broadcast_in_dim3A_228 : f32 to vector<16xf32>
      %swap3A_230 = arith.index_cast %scan3A_187 : i32 to index
      %swap3A_231 = arith.constant 96 : index
      %swap3A_232 = tpu.vector_load %arg8[%swap3A_230, %swap3A_231] {strides = array<i32>} : memref<64x128xf32, #tpu.memory_space<vmem>>, vector<1x16xf32>,
      %swap3A_233 = vector.shape_cast %swap3A_232 : vector<1x16xf32> to vector<16xf32>
      %swap3A_234 = vector.shape_cast %broadcast_in_dim3A_229 : vector<16xf32> to vector<1x16xf32>
      tpu.vector_store %arg8[%swap3A_230, %swap3A_231], %swap3A_234 {strides = array<i32>} : memref<64x128xf32, #tpu.memory_space<vmem>>, vector<1x16xf32>,
      %broadcast_in_dim3A_235 = arith.constant 0.000000e+00 : f32
      %broadcast_in_dim3A_236 = vector.broadcast %broadcast_in_dim3A_235 : f32 to vector<16xf32>
      %swap3A_237 = arith.index_cast %scan3A_187 : i32 to index
      %swap3A_238 = arith.constant 112 : index
      %swap3A_239 = tpu.vector_load %arg8[%swap3A_237, %swap3A_238] {strides = array<i32>} : memref<64x128xf32, #tpu.memory_space<vmem>>, vector<1x16xf32>,
      %swap3A_240 = vector.shape_cast %swap3A_239 : vector<1x16xf32> to vector<16xf32>
      %swap3A_241 = vector.shape_cast %broadcast_in_dim3A_236 : vector<16xf32> to vector<1x16xf32>
      tpu.vector_store %arg8[%swap3A_237, %swap3A_238], %swap3A_241 {strides = array<i32>} : memref<64x128xf32, #tpu.memory_space<vmem>>, vector<1x16xf32>,
    }
    %scan3A_5 = arith.constant 64 : i32
    %mul3A_6 = arith.constant 632 : i32
    %mul3A_7 = arith.muli %arg1, %mul3A_6 : i32
    %add3A_8 = arith.constant 0 : i32
    %add3A_9 = arith.addi %mul3A_7, %add3A_8 : i32
    %dma_start3A = arith.constant 0 : i32
    %dma_start3A_10 = tpu.memref_slice %arg12[%add3A_9, %dma_start3A] : memref<10112x128xf32, #tpu.memory_space<vmem_shared>> -> memref<64x128xf32, #tpu.memory_space<vmem_shared>>
    %dma_start3A_11 = arith.constant 0 : i32
    %dma_start3A_12 = tpu.memref_slice %arg12[%add3A_9, %dma_start3A_11] : memref<10112x128xf32, #tpu.memory_space<vmem_shared>> -> memref<64x128xf32, #tpu.memory_space<vmem_shared>>
    tpu.enqueue_dma source(%arg8 : memref<64x128xf32, #tpu.memory_space<vmem>>) target(%dma_start3A_12 : memref<64x128xf32, #tpu.memory_space<vmem_shared>>) target_semaphore(%arg13 : memref<!tpu.dma_semaphore, #tpu.memory_space<semaphore_mem>>)
    %mul3A_13 = arith.constant 632 : i32
    %mul3A_14 = arith.muli %arg1, %mul3A_13 : i32
    %add3A_15 = arith.constant 64 : i32
    %add3A_16 = arith.addi %mul3A_14, %add3A_15 : i32
    %dma_start3A_17 = arith.constant 0 : i32
    %dma_start3A_18 = tpu.memref_slice %arg12[%add3A_16, %dma_start3A_17] : memref<10112x128xf32, #tpu.memory_space<vmem_shared>> -> memref<64x128xf32, #tpu.memory_space<vmem_shared>>
    %dma_start3A_19 = arith.constant 0 : i32
    %dma_start3A_20 = tpu.memref_slice %arg12[%add3A_16, %dma_start3A_19] : memref<10112x128xf32, #tpu.memory_space<vmem_shared>> -> memref<64x128xf32, #tpu.memory_space<vmem_shared>>
    tpu.enqueue_dma source(%arg8 : memref<64x128xf32, #tpu.memory_space<vmem>>) target(%dma_start3A_20 : memref<64x128xf32, #tpu.memory_space<vmem_shared>>) target_semaphore(%arg14 : memref<!tpu.dma_semaphore, #tpu.memory_space<semaphore_mem>>)
    %mul3A_21 = arith.constant 632 : i32
    %mul3A_22 = arith.muli %arg1, %mul3A_21 : i32
    %add3A_23 = arith.constant 128 : i32
    %add3A_24 = arith.addi %mul3A_22, %add3A_23 : i32
    %dma_start3A_25 = arith.constant 0 : i32
    %dma_start3A_26 = tpu.memref_slice %arg12[%add3A_24, %dma_start3A_25] : memref<10112x128xf32, #tpu.memory_space<vmem_shared>> -> memref<64x128xf32, #tpu.memory_space<vmem_shared>>
    %dma_start3A_27 = arith.constant 0 : i32
    %dma_start3A_28 = tpu.memref_slice %arg12[%add3A_24, %dma_start3A_27] : memref<10112x128xf32, #tpu.memory_space<vmem_shared>> -> memref<64x128xf32, #tpu.memory_space<vmem_shared>>
    tpu.enqueue_dma source(%arg8 : memref<64x128xf32, #tpu.memory_space<vmem>>) target(%dma_start3A_28 : memref<64x128xf32, #tpu.memory_space<vmem_shared>>) target_semaphore(%arg15 : memref<!tpu.dma_semaphore, #tpu.memory_space<semaphore_mem>>)
    %mul3A_29 = arith.constant 632 : i32
    %mul3A_30 = arith.muli %arg1, %mul3A_29 : i32
    %add3A_31 = arith.constant 192 : i32
    %add3A_32 = arith.addi %mul3A_30, %add3A_31 : i32
    %dma_start3A_33 = arith.constant 0 : i32
    %dma_start3A_34 = tpu.memref_slice %arg12[%add3A_32, %dma_start3A_33] : memref<10112x128xf32, #tpu.memory_space<vmem_shared>> -> memref<64x128xf32, #tpu.memory_space<vmem_shared>>
    %dma_start3A_35 = arith.constant 0 : i32
    %dma_start3A_36 = tpu.memref_slice %arg12[%add3A_32, %dma_start3A_35] : memref<10112x128xf32, #tpu.memory_space<vmem_shared>> -> memref<64x128xf32, #tpu.memory_space<vmem_shared>>
    tpu.enqueue_dma source(%arg8 : memref<64x128xf32, #tpu.memory_space<vmem>>) target(%dma_start3A_36 : memref<64x128xf32, #tpu.memory_space<vmem_shared>>) target_semaphore(%arg16 : memref<!tpu.dma_semaphore, #tpu.memory_space<semaphore_mem>>)
    %mul3A_37 = arith.constant 632 : i32
    %mul3A_38 = arith.muli %arg1, %mul3A_37 : i32
    %add3A_39 = arith.constant 256 : i32
    %add3A_40 = arith.addi %mul3A_38, %add3A_39 : i32
    %dma_start3A_41 = arith.constant 0 : i32
    %dma_start3A_42 = tpu.memref_slice %arg12[%add3A_40, %dma_start3A_41] : memref<10112x128xf32, #tpu.memory_space<vmem_shared>> -> memref<64x128xf32, #tpu.memory_space<vmem_shared>>
    %dma_start3A_43 = arith.constant 0 : i32
    %dma_start3A_44 = tpu.memref_slice %arg12[%add3A_40, %dma_start3A_43] : memref<10112x128xf32, #tpu.memory_space<vmem_shared>> -> memref<64x128xf32, #tpu.memory_space<vmem_shared>>
    tpu.enqueue_dma source(%arg8 : memref<64x128xf32, #tpu.memory_space<vmem>>) target(%dma_start3A_44 : memref<64x128xf32, #tpu.memory_space<vmem_shared>>) target_semaphore(%arg13 : memref<!tpu.dma_semaphore, #tpu.memory_space<semaphore_mem>>)
    %mul3A_45 = arith.constant 632 : i32
    %mul3A_46 = arith.muli %arg1, %mul3A_45 : i32
    %add3A_47 = arith.constant 320 : i32
    %add3A_48 = arith.addi %mul3A_46, %add3A_47 : i32
    %dma_start3A_49 = arith.constant 0 : i32
    %dma_start3A_50 = tpu.memref_slice %arg12[%add3A_48, %dma_start3A_49] : memref<10112x128xf32, #tpu.memory_space<vmem_shared>> -> memref<64x128xf32, #tpu.memory_space<vmem_shared>>
    %dma_start3A_51 = arith.constant 0 : i32
    %dma_start3A_52 = tpu.memref_slice %arg12[%add3A_48, %dma_start3A_51] : memref<10112x128xf32, #tpu.memory_space<vmem_shared>> -> memref<64x128xf32, #tpu.memory_space<vmem_shared>>
    tpu.enqueue_dma source(%arg8 : memref<64x128xf32, #tpu.memory_space<vmem>>) target(%dma_start3A_52 : memref<64x128xf32, #tpu.memory_space<vmem_shared>>) target_semaphore(%arg14 : memref<!tpu.dma_semaphore, #tpu.memory_space<semaphore_mem>>)
    %mul3A_53 = arith.constant 632 : i32
    %mul3A_54 = arith.muli %arg1, %mul3A_53 : i32
    %add3A_55 = arith.constant 384 : i32
    %add3A_56 = arith.addi %mul3A_54, %add3A_55 : i32
    %dma_start3A_57 = arith.constant 0 : i32
    %dma_start3A_58 = tpu.memref_slice %arg12[%add3A_56, %dma_start3A_57] : memref<10112x128xf32, #tpu.memory_space<vmem_shared>> -> memref<64x128xf32, #tpu.memory_space<vmem_shared>>
    %dma_start3A_59 = arith.constant 0 : i32
    %dma_start3A_60 = tpu.memref_slice %arg12[%add3A_56, %dma_start3A_59] : memref<10112x128xf32, #tpu.memory_space<vmem_shared>> -> memref<64x128xf32, #tpu.memory_space<vmem_shared>>
    tpu.enqueue_dma source(%arg8 : memref<64x128xf32, #tpu.memory_space<vmem>>) target(%dma_start3A_60 : memref<64x128xf32, #tpu.memory_space<vmem_shared>>) target_semaphore(%arg15 : memref<!tpu.dma_semaphore, #tpu.memory_space<semaphore_mem>>)
    %mul3A_61 = arith.constant 632 : i32
    %mul3A_62 = arith.muli %arg1, %mul3A_61 : i32
    %add3A_63 = arith.constant 448 : i32
    %add3A_64 = arith.addi %mul3A_62, %add3A_63 : i32
    %dma_start3A_65 = arith.constant 0 : i32
    %dma_start3A_66 = tpu.memref_slice %arg12[%add3A_64, %dma_start3A_65] : memref<10112x128xf32, #tpu.memory_space<vmem_shared>> -> memref<64x128xf32, #tpu.memory_space<vmem_shared>>
    %dma_start3A_67 = arith.constant 0 : i32
    %dma_start3A_68 = tpu.memref_slice %arg12[%add3A_64, %dma_start3A_67] : memref<10112x128xf32, #tpu.memory_space<vmem_shared>> -> memref<64x128xf32, #tpu.memory_space<vmem_shared>>
    tpu.enqueue_dma source(%arg8 : memref<64x128xf32, #tpu.memory_space<vmem>>) target(%dma_start3A_68 : memref<64x128xf32, #tpu.memory_space<vmem_shared>>) target_semaphore(%arg16 : memref<!tpu.dma_semaphore, #tpu.memory_space<semaphore_mem>>)
    %mul3A_69 = arith.constant 632 : i32
    %mul3A_70 = arith.muli %arg1, %mul3A_69 : i32
    %add3A_71 = arith.constant 512 : i32
    %add3A_72 = arith.addi %mul3A_70, %add3A_71 : i32
    %dma_start3A_73 = arith.constant 0 : i32
    %dma_start3A_74 = tpu.memref_slice %arg12[%add3A_72, %dma_start3A_73] : memref<10112x128xf32, #tpu.memory_space<vmem_shared>> -> memref<64x128xf32, #tpu.memory_space<vmem_shared>>
    %dma_start3A_75 = arith.constant 0 : i32
    %dma_start3A_76 = tpu.memref_slice %arg12[%add3A_72, %dma_start3A_75] : memref<10112x128xf32, #tpu.memory_space<vmem_shared>> -> memref<64x128xf32, #tpu.memory_space<vmem_shared>>
    tpu.enqueue_dma source(%arg8 : memref<64x128xf32, #tpu.memory_space<vmem>>) target(%dma_start3A_76 : memref<64x128xf32, #tpu.memory_space<vmem_shared>>) target_semaphore(%arg13 : memref<!tpu.dma_semaphore, #tpu.memory_space<semaphore_mem>>)
    %mul3A_77 = arith.constant 632 : i32
    %mul3A_78 = arith.muli %arg1, %mul3A_77 : i32
    %add3A_79 = arith.constant 576 : i32
    %add3A_80 = arith.addi %mul3A_78, %add3A_79 : i32
    %dma_start3A_81 = arith.constant 0 : i32
    %dma_start3A_82 = arith.constant 0 : i32
    %dma_start3A_83 = tpu.memref_slice %arg8[%dma_start3A_81, %dma_start3A_82] : memref<64x128xf32, #tpu.memory_space<vmem>> -> memref<56x128xf32, #tpu.memory_space<vmem>>
    %dma_start3A_84 = arith.constant 0 : i32
    %dma_start3A_85 = tpu.memref_slice %arg12[%add3A_80, %dma_start3A_84] : memref<10112x128xf32, #tpu.memory_space<vmem_shared>> -> memref<56x128xf32, #tpu.memory_space<vmem_shared>>
    %dma_start3A_86 = arith.constant 0 : i32
    %dma_start3A_87 = tpu.memref_slice %arg12[%add3A_80, %dma_start3A_86] : memref<10112x128xf32, #tpu.memory_space<vmem_shared>> -> memref<56x128xf32, #tpu.memory_space<vmem_shared>>
    %dma_start3A_88 = arith.constant 0 : i32
    %dma_start3A_89 = arith.constant 0 : i32
    %dma_start3A_90 = tpu.memref_slice %arg8[%dma_start3A_88, %dma_start3A_89] : memref<64x128xf32, #tpu.memory_space<vmem>> -> memref<56x128xf32, #tpu.memory_space<vmem>>
    tpu.enqueue_dma source(%dma_start3A_90 : memref<56x128xf32, #tpu.memory_space<vmem>>) target(%dma_start3A_87 : memref<56x128xf32, #tpu.memory_space<vmem_shared>>) target_semaphore(%arg14 : memref<!tpu.dma_semaphore, #tpu.memory_space<semaphore_mem>>)
    %mul3A_91 = arith.constant 632 : i32
    %mul3A_92 = arith.muli %arg1, %mul3A_91 : i32
    %add3A_93 = arith.constant 0 : i32
    %add3A_94 = arith.addi %mul3A_92, %add3A_93 : i32
    %dma_wait3A = arith.constant 0 : i32
    %dma_wait3A_95 = tpu.memref_slice %arg12[%add3A_94, %dma_wait3A] : memref<10112x128xf32, #tpu.memory_space<vmem_shared>> -> memref<64x128xf32, #tpu.memory_space<vmem_shared>>
    %dma_wait3A_96 = arith.constant 0 : i32
    %dma_wait3A_97 = tpu.memref_slice %arg12[%add3A_94, %dma_wait3A_96] : memref<10112x128xf32, #tpu.memory_space<vmem_shared>> -> memref<64x128xf32, #tpu.memory_space<vmem_shared>>
    tpu.wait_dma2 semaphore(%arg13 : memref<!tpu.dma_semaphore, #tpu.memory_space<semaphore_mem>>) src(%arg8 : memref<64x128xf32, #tpu.memory_space<vmem>>) dst(%dma_wait3A_97 : memref<64x128xf32, #tpu.memory_space<vmem_shared>>)
    %mul3A_98 = arith.constant 632 : i32
    %mul3A_99 = arith.muli %arg1, %mul3A_98 : i32
    %add3A_100 = arith.constant 64 : i32
    %add3A_101 = arith.addi %mul3A_99, %add3A_100 : i32
    %dma_wait3A_102 = arith.constant 0 : i32
    %dma_wait3A_103 = tpu.memref_slice %arg12[%add3A_101, %dma_wait3A_102] : memref<10112x128xf32, #tpu.memory_space<vmem_shared>> -> memref<64x128xf32, #tpu.memory_space<vmem_shared>>
    %dma_wait3A_104 = arith.constant 0 : i32
    %dma_wait3A_105 = tpu.memref_slice %arg12[%add3A_101, %dma_wait3A_104] : memref<10112x128xf32, #tpu.memory_space<vmem_shared>> -> memref<64x128xf32, #tpu.memory_space<vmem_shared>>
    tpu.wait_dma2 semaphore(%arg14 : memref<!tpu.dma_semaphore, #tpu.memory_space<semaphore_mem>>) src(%arg8 : memref<64x128xf32, #tpu.memory_space<vmem>>) dst(%dma_wait3A_105 : memref<64x128xf32, #tpu.memory_space<vmem_shared>>)
    %mul3A_106 = arith.constant 632 : i32
    %mul3A_107 = arith.muli %arg1, %mul3A_106 : i32
    %add3A_108 = arith.constant 128 : i32
    %add3A_109 = arith.addi %mul3A_107, %add3A_108 : i32
    %dma_wait3A_110 = arith.constant 0 : i32
    %dma_wait3A_111 = tpu.memref_slice %arg12[%add3A_109, %dma_wait3A_110] : memref<10112x128xf32, #tpu.memory_space<vmem_shared>> -> memref<64x128xf32, #tpu.memory_space<vmem_shared>>
    %dma_wait3A_112 = arith.constant 0 : i32
    %dma_wait3A_113 = tpu.memref_slice %arg12[%add3A_109, %dma_wait3A_112] : memref<10112x128xf32, #tpu.memory_space<vmem_shared>> -> memref<64x128xf32, #tpu.memory_space<vmem_shared>>
    tpu.wait_dma2 semaphore(%arg15 : memref<!tpu.dma_semaphore, #tpu.memory_space<semaphore_mem>>) src(%arg8 : memref<64x128xf32, #tpu.memory_space<vmem>>) dst(%dma_wait3A_113 : memref<64x128xf32, #tpu.memory_space<vmem_shared>>)
    %mul3A_114 = arith.constant 632 : i32
    %mul3A_115 = arith.muli %arg1, %mul3A_114 : i32
    %add3A_116 = arith.constant 192 : i32
    %add3A_117 = arith.addi %mul3A_115, %add3A_116 : i32
    %dma_wait3A_118 = arith.constant 0 : i32
    %dma_wait3A_119 = tpu.memref_slice %arg12[%add3A_117, %dma_wait3A_118] : memref<10112x128xf32, #tpu.memory_space<vmem_shared>> -> memref<64x128xf32, #tpu.memory_space<vmem_shared>>
    %dma_wait3A_120 = arith.constant 0 : i32
    %dma_wait3A_121 = tpu.memref_slice %arg12[%add3A_117, %dma_wait3A_120] : memref<10112x128xf32, #tpu.memory_space<vmem_shared>> -> memref<64x128xf32, #tpu.memory_space<vmem_shared>>
    tpu.wait_dma2 semaphore(%arg16 : memref<!tpu.dma_semaphore, #tpu.memory_space<semaphore_mem>>) src(%arg8 : memref<64x128xf32, #tpu.memory_space<vmem>>) dst(%dma_wait3A_121 : memref<64x128xf32, #tpu.memory_space<vmem_shared>>)
    %mul3A_122 = arith.constant 632 : i32
    %mul3A_123 = arith.muli %arg1, %mul3A_122 : i32
    %add3A_124 = arith.constant 256 : i32
    %add3A_125 = arith.addi %mul3A_123, %add3A_124 : i32
    %dma_wait3A_126 = arith.constant 0 : i32
    %dma_wait3A_127 = tpu.memref_slice %arg12[%add3A_125, %dma_wait3A_126] : memref<10112x128xf32, #tpu.memory_space<vmem_shared>> -> memref<64x128xf32, #tpu.memory_space<vmem_shared>>
    %dma_wait3A_128 = arith.constant 0 : i32
    %dma_wait3A_129 = tpu.memref_slice %arg12[%add3A_125, %dma_wait3A_128] : memref<10112x128xf32, #tpu.memory_space<vmem_shared>> -> memref<64x128xf32, #tpu.memory_space<vmem_shared>>
    tpu.wait_dma2 semaphore(%arg13 : memref<!tpu.dma_semaphore, #tpu.memory_space<semaphore_mem>>) src(%arg8 : memref<64x128xf32, #tpu.memory_space<vmem>>) dst(%dma_wait3A_129 : memref<64x128xf32, #tpu.memory_space<vmem_shared>>)
    %mul3A_130 = arith.constant 632 : i32
    %mul3A_131 = arith.muli %arg1, %mul3A_130 : i32
    %add3A_132 = arith.constant 320 : i32
    %add3A_133 = arith.addi %mul3A_131, %add3A_132 : i32
    %dma_wait3A_134 = arith.constant 0 : i32
    %dma_wait3A_135 = tpu.memref_slice %arg12[%add3A_133, %dma_wait3A_134] : memref<10112x128xf32, #tpu.memory_space<vmem_shared>> -> memref<64x128xf32, #tpu.memory_space<vmem_shared>>
    %dma_wait3A_136 = arith.constant 0 : i32
    %dma_wait3A_137 = tpu.memref_slice %arg12[%add3A_133, %dma_wait3A_136] : memref<10112x128xf32, #tpu.memory_space<vmem_shared>> -> memref<64x128xf32, #tpu.memory_space<vmem_shared>>
    tpu.wait_dma2 semaphore(%arg14 : memref<!tpu.dma_semaphore, #tpu.memory_space<semaphore_mem>>) src(%arg8 : memref<64x128xf32, #tpu.memory_space<vmem>>) dst(%dma_wait3A_137 : memref<64x128xf32, #tpu.memory_space<vmem_shared>>)
    %mul3A_138 = arith.constant 632 : i32
    %mul3A_139 = arith.muli %arg1, %mul3A_138 : i32
    %add3A_140 = arith.constant 384 : i32
    %add3A_141 = arith.addi %mul3A_139, %add3A_140 : i32
    %dma_wait3A_142 = arith.constant 0 : i32
    %dma_wait3A_143 = tpu.memref_slice %arg12[%add3A_141, %dma_wait3A_142] : memref<10112x128xf32, #tpu.memory_space<vmem_shared>> -> memref<64x128xf32, #tpu.memory_space<vmem_shared>>
    %dma_wait3A_144 = arith.constant 0 : i32
    %dma_wait3A_145 = tpu.memref_slice %arg12[%add3A_141, %dma_wait3A_144] : memref<10112x128xf32, #tpu.memory_space<vmem_shared>> -> memref<64x128xf32, #tpu.memory_space<vmem_shared>>
    tpu.wait_dma2 semaphore(%arg15 : memref<!tpu.dma_semaphore, #tpu.memory_space<semaphore_mem>>) src(%arg8 : memref<64x128xf32, #tpu.memory_space<vmem>>) dst(%dma_wait3A_145 : memref<64x128xf32, #tpu.memory_space<vmem_shared>>)
    %mul3A_146 = arith.constant 632 : i32
    %mul3A_147 = arith.muli %arg1, %mul3A_146 : i32
    %add3A_148 = arith.constant 448 : i32
    %add3A_149 = arith.addi %mul3A_147, %add3A_148 : i32
    %dma_wait3A_150 = arith.constant 0 : i32
    %dma_wait3A_151 = tpu.memref_slice %arg12[%add3A_149, %dma_wait3A_150] : memref<10112x128xf32, #tpu.memory_space<vmem_shared>> -> memref<64x128xf32, #tpu.memory_space<vmem_shared>>
    %dma_wait3A_152 = arith.constant 0 : i32
    %dma_wait3A_153 = tpu.memref_slice %arg12[%add3A_149, %dma_wait3A_152] : memref<10112x128xf32, #tpu.memory_space<vmem_shared>> -> memref<64x128xf32, #tpu.memory_space<vmem_shared>>
    tpu.wait_dma2 semaphore(%arg16 : memref<!tpu.dma_semaphore, #tpu.memory_space<semaphore_mem>>) src(%arg8 : memref<64x128xf32, #tpu.memory_space<vmem>>) dst(%dma_wait3A_153 : memref<64x128xf32, #tpu.memory_space<vmem_shared>>)
    %mul3A_154 = arith.constant 632 : i32
    %mul3A_155 = arith.muli %arg1, %mul3A_154 : i32
    %add3A_156 = arith.constant 512 : i32
    %add3A_157 = arith.addi %mul3A_155, %add3A_156 : i32
    %dma_wait3A_158 = arith.constant 0 : i32
    %dma_wait3A_159 = tpu.memref_slice %arg12[%add3A_157, %dma_wait3A_158] : memref<10112x128xf32, #tpu.memory_space<vmem_shared>> -> memref<64x128xf32, #tpu.memory_space<vmem_shared>>
    %dma_wait3A_160 = arith.constant 0 : i32
    %dma_wait3A_161 = tpu.memref_slice %arg12[%add3A_157, %dma_wait3A_160] : memref<10112x128xf32, #tpu.memory_space<vmem_shared>> -> memref<64x128xf32, #tpu.memory_space<vmem_shared>>
    tpu.wait_dma2 semaphore(%arg13 : memref<!tpu.dma_semaphore, #tpu.memory_space<semaphore_mem>>) src(%arg8 : memref<64x128xf32, #tpu.memory_space<vmem>>) dst(%dma_wait3A_161 : memref<64x128xf32, #tpu.memory_space<vmem_shared>>)
    %mul3A_162 = arith.constant 632 : i32
    %mul3A_163 = arith.muli %arg1, %mul3A_162 : i32
    %add3A_164 = arith.constant 576 : i32
    %add3A_165 = arith.addi %mul3A_163, %add3A_164 : i32
    %dma_wait3A_166 = arith.constant 0 : i32
    %dma_wait3A_167 = arith.constant 0 : i32
    %dma_wait3A_168 = tpu.memref_slice %arg8[%dma_wait3A_166, %dma_wait3A_167] : memref<64x128xf32, #tpu.memory_space<vmem>> -> memref<56x128xf32, #tpu.memory_space<vmem>>
    %dma_wait3A_169 = arith.constant 0 : i32
    %dma_wait3A_170 = tpu.memref_slice %arg12[%add3A_165, %dma_wait3A_169] : memref<10112x128xf32, #tpu.memory_space<vmem_shared>> -> memref<56x128xf32, #tpu.memory_space<vmem_shared>>
    %dma_wait3A_171 = arith.constant 0 : i32
    %dma_wait3A_172 = tpu.memref_slice %arg12[%add3A_165, %dma_wait3A_171] : memref<10112x128xf32, #tpu.memory_space<vmem_shared>> -> memref<56x128xf32, #tpu.memory_space<vmem_shared>>
    %dma_wait3A_173 = arith.constant 0 : i32
    %dma_wait3A_174 = arith.constant 0 : i32
    %dma_wait3A_175 = tpu.memref_slice %arg8[%dma_wait3A_173, %dma_wait3A_174] : memref<64x128xf32, #tpu.memory_space<vmem>> -> memref<56x128xf32, #tpu.memory_space<vmem>>
    tpu.wait_dma2 semaphore(%arg14 : memref<!tpu.dma_semaphore, #tpu.memory_space<semaphore_mem>>) src(%dma_wait3A_175 : memref<56x128xf32, #tpu.memory_space<vmem>>) dst(%dma_wait3A_172 : memref<56x128xf32, #tpu.memory_space<vmem_shared>>)
    %barrier3A = arith.constant 0 : index
    tpu.barrier barrier_id(%barrier3A)
    %scan3A_176 = arith.constant 0 : i32
    %scan3A_177 = arith.constant 0 : i32
    %scan3A_178 = arith.constant 4 : i32
    %scan3A_179 = arith.addi %scan3A_177, %scan3A_178 : i32
    %scan3A_180 = arith.constant 1 : i32
    scf.for %scan3A_187 = %scan3A_177 to %scan3A_179 step %scan3A_180  : i32 {
      %mul3A_188 = arith.constant 160 : i32
      %mul3A_189 = arith.muli %add3A, %mul3A_188 : i32
      %mul3A_190 = arith.constant 40 : i32
      %mul3A_191 = arith.muli %scan3A_187, %mul3A_190 : i32
      %add3A_192 = arith.addi %mul3A_189, %mul3A_191 : i32
      %multiple_of3A = tpu.assume_multiple %add3A_192, 8 : i32
      %dma_start3A_193 = arith.constant 0 : i32
      %dma_start3A_194 = tpu.memref_slice %arg3[%multiple_of3A, %dma_start3A_193] : memref<5120x64xi32, #tpu.memory_space<hbm>> -> memref<40x64xi32, #tpu.memory_space<hbm>>
      %dma_start3A_195 = arith.constant 0 : i32
      %dma_start3A_196 = tpu.memref_slice %arg3[%multiple_of3A, %dma_start3A_195] : memref<5120x64xi32, #tpu.memory_space<hbm>> -> memref<40x64xi32, #tpu.memory_space<hbm>>
      tpu.enqueue_dma source(%dma_start3A_196 : memref<40x64xi32, #tpu.memory_space<hbm>>) target(%arg6 : memref<40x64xi32, #tpu.memory_space<vmem>>) target_semaphore(%arg13 : memref<!tpu.dma_semaphore, #tpu.memory_space<semaphore_mem>>)
      %dma_start3A_197 = arith.constant 0 : i32
      %dma_start3A_198 = tpu.memref_slice %arg4[%multiple_of3A, %dma_start3A_197] : memref<5120x64xi32, #tpu.memory_space<hbm>> -> memref<40x64xi32, #tpu.memory_space<hbm>>
      %dma_start3A_199 = arith.constant 0 : i32
      %dma_start3A_200 = tpu.memref_slice %arg4[%multiple_of3A, %dma_start3A_199] : memref<5120x64xi32, #tpu.memory_space<hbm>> -> memref<40x64xi32, #tpu.memory_space<hbm>>
      tpu.enqueue_dma source(%dma_start3A_200 : memref<40x64xi32, #tpu.memory_space<hbm>>) target(%arg7 : memref<40x64xi32, #tpu.memory_space<vmem>>) target_semaphore(%arg14 : memref<!tpu.dma_semaphore, #tpu.memory_space<semaphore_mem>>)
      %dma_wait3A_201 = arith.constant 0 : i32
      %dma_wait3A_202 = tpu.memref_slice %arg3[%multiple_of3A, %dma_wait3A_201] : memref<5120x64xi32, #tpu.memory_space<hbm>> -> memref<40x64xi32, #tpu.memory_space<hbm>>
      %dma_wait3A_203 = arith.constant 0 : i32
      %dma_wait3A_204 = tpu.memref_slice %arg3[%multiple_of3A, %dma_wait3A_203] : memref<5120x64xi32, #tpu.memory_space<hbm>> -> memref<40x64xi32, #tpu.memory_space<hbm>>
      tpu.wait_dma2 semaphore(%arg13 : memref<!tpu.dma_semaphore, #tpu.memory_space<semaphore_mem>>) src(%dma_wait3A_204 : memref<40x64xi32, #tpu.memory_space<hbm>>) dst(%arg6 : memref<40x64xi32, #tpu.memory_space<vmem>>)
      %dma_wait3A_205 = arith.constant 0 : i32
      %dma_wait3A_206 = tpu.memref_slice %arg4[%multiple_of3A, %dma_wait3A_205] : memref<5120x64xi32, #tpu.memory_space<hbm>> -> memref<40x64xi32, #tpu.memory_space<hbm>>
      %dma_wait3A_207 = arith.constant 0 : i32
      %dma_wait3A_208 = tpu.memref_slice %arg4[%multiple_of3A, %dma_wait3A_207] : memref<5120x64xi32, #tpu.memory_space<hbm>> -> memref<40x64xi32, #tpu.memory_space<hbm>>
      tpu.wait_dma2 semaphore(%arg14 : memref<!tpu.dma_semaphore, #tpu.memory_space<semaphore_mem>>) src(%dma_wait3A_208 : memref<40x64xi32, #tpu.memory_space<hbm>>) dst(%arg7 : memref<40x64xi32, #tpu.memory_space<vmem>>)
      %dma_start3A_209 = arith.constant 0 : i32
      %dma_start3A_210 = arith.constant 0 : i32
      %dma_start3A_211 = tpu.memref_slice %arg6[%dma_start3A_209, %dma_start3A_210] : memref<40x64xi32, #tpu.memory_space<vmem>> -> memref<1x64xi32, #tpu.memory_space<vmem>>
      %dma_start3A_212 = tpu.memref_squeeze %dma_start3A_211 : memref<1x64xi32, #tpu.memory_space<vmem>> -> memref<64xi32, #tpu.memory_space<vmem>>
      %dma_start3A_213 = arith.constant 0 : i32
      %dma_start3A_214 = arith.constant 0 : i32
      %dma_start3A_215 = tpu.memref_slice %arg2[%dma_start3A_213, %dma_start3A_214] : memref<10000x128xf32, #tpu.memory_space<hbm>> -> memref<10000x128xf32, #tpu.memory_space<hbm>>
      tpu.enqueue_indirect_dma source(%dma_start3A_215 : memref<10000x128xf32, #tpu.memory_space<hbm>>) target(%arg8 : memref<64x128xf32, #tpu.memory_space<vmem>>) offsets(%dma_start3A_212 : memref<64xi32, #tpu.memory_space<vmem>>) semaphore(%arg13 : memref<!tpu.dma_semaphore, #tpu.memory_space<semaphore_mem>>)
      %dma_start3A_216 = arith.constant 1 : i32
      %dma_start3A_217 = arith.constant 0 : i32
      %dma_start3A_218 = tpu.memref_slice %arg6[%dma_start3A_216, %dma_start3A_217] : memref<40x64xi32, #tpu.memory_space<vmem>> -> memref<1x64xi32, #tpu.memory_space<vmem>>
      %dma_start3A_219 = tpu.memref_squeeze %dma_start3A_218 : memref<1x64xi32, #tpu.memory_space<vmem>> -> memref<64xi32, #tpu.memory_space<vmem>>
      %dma_start3A_220 = arith.constant 0 : i32
      %dma_start3A_221 = arith.constant 0 : i32
      %dma_start3A_222 = tpu.memref_slice %arg2[%dma_start3A_220, %dma_start3A_221] : memref<10000x128xf32, #tpu.memory_space<hbm>> -> memref<10000x128xf32, #tpu.memory_space<hbm>>
      tpu.enqueue_indirect_dma source(%dma_start3A_222 : memref<10000x128xf32, #tpu.memory_space<hbm>>) target(%arg9 : memref<64x128xf32, #tpu.memory_space<vmem>>) offsets(%dma_start3A_219 : memref<64xi32, #tpu.memory_space<vmem>>) semaphore(%arg14 : memref<!tpu.dma_semaphore, #tpu.memory_space<semaphore_mem>>)
      %dma_start3A_223 = arith.constant 2 : i32
      %dma_start3A_224 = arith.constant 0 : i32
      %dma_start3A_225 = tpu.memref_slice %arg6[%dma_start3A_223, %dma_start3A_224] : memref<40x64xi32, #tpu.memory_space<vmem>> -> memref<1x64xi32, #tpu.memory_space<vmem>>
      %dma_start3A_226 = tpu.memref_squeeze %dma_start3A_225 : memref<1x64xi32, #tpu.memory_space<vmem>> -> memref<64xi32, #tpu.memory_space<vmem>>
      %dma_start3A_227 = arith.constant 0 : i32
      %dma_start3A_228 = arith.constant 0 : i32
      %dma_start3A_229 = tpu.memref_slice %arg2[%dma_start3A_227, %dma_start3A_228] : memref<10000x128xf32, #tpu.memory_space<hbm>> -> memref<10000x128xf32, #tpu.memory_space<hbm>>
      tpu.enqueue_indirect_dma source(%dma_start3A_229 : memref<10000x128xf32, #tpu.memory_space<hbm>>) target(%arg10 : memref<64x128xf32, #tpu.memory_space<vmem>>) offsets(%dma_start3A_226 : memref<64xi32, #tpu.memory_space<vmem>>) semaphore(%arg15 : memref<!tpu.dma_semaphore, #tpu.memory_space<semaphore_mem>>)
      %dma_start3A_230 = arith.constant 3 : i32
      %dma_start3A_231 = arith.constant 0 : i32
      %dma_start3A_232 = tpu.memref_slice %arg6[%dma_start3A_230, %dma_start3A_231] : memref<40x64xi32, #tpu.memory_space<vmem>> -> memref<1x64xi32, #tpu.memory_space<vmem>>
      %dma_start3A_233 = tpu.memref_squeeze %dma_start3A_232 : memref<1x64xi32, #tpu.memory_space<vmem>> -> memref<64xi32, #tpu.memory_space<vmem>>
      %dma_start3A_234 = arith.constant 0 : i32
      %dma_start3A_235 = arith.constant 0 : i32
      %dma_start3A_236 = tpu.memref_slice %arg2[%dma_start3A_234, %dma_start3A_235] : memref<10000x128xf32, #tpu.memory_space<hbm>> -> memref<10000x128xf32, #tpu.memory_space<hbm>>
      tpu.enqueue_indirect_dma source(%dma_start3A_236 : memref<10000x128xf32, #tpu.memory_space<hbm>>) target(%arg11 : memref<64x128xf32, #tpu.memory_space<vmem>>) offsets(%dma_start3A_233 : memref<64xi32, #tpu.memory_space<vmem>>) semaphore(%arg16 : memref<!tpu.dma_semaphore, #tpu.memory_space<semaphore_mem>>)
      %scan3A_237 = arith.constant 0 : i32
      %scan3A_238 = arith.constant 0 : i32
      %scan3A_239 = arith.constant 10 : i32
      %scan3A_240 = arith.addi %scan3A_238, %scan3A_239 : i32
      %scan3A_241 = arith.constant 1 : i32
      scf.for %scan3A_243 = %scan3A_238 to %scan3A_240 step %scan3A_241  : i32 {
        %mul3A_244 = arith.constant 4 : i32
        %mul3A_245 = arith.muli %scan3A_243, %mul3A_244 : i32
        %add3A_246 = arith.constant 0 : i32
        %add3A_247 = arith.addi %mul3A_245, %add3A_246 : i32
        %dma_wait3A_248 = arith.constant 0 : i32
        %dma_wait3A_249 = tpu.memref_slice %arg6[%add3A_247, %dma_wait3A_248] : memref<40x64xi32, #tpu.memory_space<vmem>> -> memref<1x64xi32, #tpu.memory_space<vmem>>
        %dma_wait3A_250 = tpu.memref_squeeze %dma_wait3A_249 : memref<1x64xi32, #tpu.memory_space<vmem>> -> memref<64xi32, #tpu.memory_space<vmem>>
        %dma_wait3A_251 = arith.constant 0 : i32
        %dma_wait3A_252 = arith.constant 0 : i32
        %dma_wait3A_253 = tpu.memref_slice %arg2[%dma_wait3A_251, %dma_wait3A_252] : memref<10000x128xf32, #tpu.memory_space<hbm>> -> memref<10000x128xf32, #tpu.memory_space<hbm>>
        tpu.wait_indirect_dma semaphore(%arg13 : memref<!tpu.dma_semaphore, #tpu.memory_space<semaphore_mem>>) src(%dma_wait3A_253 : memref<10000x128xf32, #tpu.memory_space<hbm>>) dst(%arg8 : memref<64x128xf32, #tpu.memory_space<vmem>>)
        "tpu.region"() ({
          %run_scoped3A = tpu.sem_alloc : memref<!tpu.dma_semaphore, #tpu.memory_space<semaphore_mem>>
          %dma_start3A_303 = arith.constant 0 : i32
          %dma_start3A_304 = tpu.memref_slice %arg7[%add3A_247, %dma_start3A_303] : memref<40x64xi32, #tpu.memory_space<vmem>> -> memref<1x64xi32, #tpu.memory_space<vmem>>
          %dma_start3A_305 = tpu.memref_squeeze %dma_start3A_304 : memref<1x64xi32, #tpu.memory_space<vmem>> -> memref<64xi32, #tpu.memory_space<vmem>>
          %dma_start3A_306 = arith.constant 0 : i32
          %dma_start3A_307 = arith.constant 0 : i32
          %dma_start3A_308 = tpu.memref_slice %arg12[%dma_start3A_306, %dma_start3A_307] : memref<10112x128xf32, #tpu.memory_space<vmem_shared>> -> memref<10112x128xf32, #tpu.memory_space<vmem_shared>>
          tpu.enqueue_indirect_dma source(%arg8 : memref<64x128xf32, #tpu.memory_space<vmem>>) target(%dma_start3A_308 : memref<10112x128xf32, #tpu.memory_space<vmem_shared>>) offsets(%dma_start3A_305 : memref<64xi32, #tpu.memory_space<vmem>>) semaphore(%run_scoped3A : memref<!tpu.dma_semaphore, #tpu.memory_space<semaphore_mem>>) {add = true}
          %dma_wait3A_309 = arith.constant 0 : i32
          %dma_wait3A_310 = tpu.memref_slice %arg7[%add3A_247, %dma_wait3A_309] : memref<40x64xi32, #tpu.memory_space<vmem>> -> memref<1x64xi32, #tpu.memory_space<vmem>>
          %dma_wait3A_311 = tpu.memref_squeeze %dma_wait3A_310 : memref<1x64xi32, #tpu.memory_space<vmem>> -> memref<64xi32, #tpu.memory_space<vmem>>
          %dma_wait3A_312 = arith.constant 0 : i32
          %dma_wait3A_313 = arith.constant 0 : i32
          %dma_wait3A_314 = tpu.memref_slice %arg12[%dma_wait3A_312, %dma_wait3A_313] : memref<10112x128xf32, #tpu.memory_space<vmem_shared>> -> memref<10112x128xf32, #tpu.memory_space<vmem_shared>>
          tpu.wait_indirect_dma semaphore(%run_scoped3A : memref<!tpu.dma_semaphore, #tpu.memory_space<semaphore_mem>>) src(%arg8 : memref<64x128xf32, #tpu.memory_space<vmem>>) dst(%dma_wait3A_314 : memref<10112x128xf32, #tpu.memory_space<vmem_shared>>)
          tpu.yield
        }) : () -> ()
        %add3A_254 = arith.constant 4 : i32
        %add3A_255 = arith.addi %add3A_247, %add3A_254 : i32
        %lt3A = arith.constant 40 : i32
        %lt3A_256 = arith.cmpi slt, %add3A_255, %lt3A : i32
        %convert_element_type3A = arith.extui %lt3A_256 : i1 to i32
        %cond3A = arith.constant 0 : i32
        %cond3A_257 = arith.cmpi ne, %convert_element_type3A, %cond3A : i32
        scf.if %cond3A_257 {
          %add3A_303 = arith.constant 4 : i32
          %add3A_304 = arith.addi %add3A_247, %add3A_303 : i32
          %dma_start3A_305 = arith.constant 0 : i32
          %dma_start3A_306 = tpu.memref_slice %arg6[%add3A_304, %dma_start3A_305] : memref<40x64xi32, #tpu.memory_space<vmem>> -> memref<1x64xi32, #tpu.memory_space<vmem>>
          %dma_start3A_307 = tpu.memref_squeeze %dma_start3A_306 : memref<1x64xi32, #tpu.memory_space<vmem>> -> memref<64xi32, #tpu.memory_space<vmem>>
          %dma_start3A_308 = arith.constant 0 : i32
          %dma_start3A_309 = arith.constant 0 : i32
          %dma_start3A_310 = tpu.memref_slice %arg2[%dma_start3A_308, %dma_start3A_309] : memref<10000x128xf32, #tpu.memory_space<hbm>> -> memref<10000x128xf32, #tpu.memory_space<hbm>>
          tpu.enqueue_indirect_dma source(%dma_start3A_310 : memref<10000x128xf32, #tpu.memory_space<hbm>>) target(%arg8 : memref<64x128xf32, #tpu.memory_space<vmem>>) offsets(%dma_start3A_307 : memref<64xi32, #tpu.memory_space<vmem>>) semaphore(%arg13 : memref<!tpu.dma_semaphore, #tpu.memory_space<semaphore_mem>>)
        } else {
        }
        %add3A_258 = arith.constant 1 : i32
        %add3A_259 = arith.addi %mul3A_245, %add3A_258 : i32
        %dma_wait3A_260 = arith.constant 0 : i32
        %dma_wait3A_261 = tpu.memref_slice %arg6[%add3A_259, %dma_wait3A_260] : memref<40x64xi32, #tpu.memory_space<vmem>> -> memref<1x64xi32, #tpu.memory_space<vmem>>
        %dma_wait3A_262 = tpu.memref_squeeze %dma_wait3A_261 : memref<1x64xi32, #tpu.memory_space<vmem>> -> memref<64xi32, #tpu.memory_space<vmem>>
        %dma_wait3A_263 = arith.constant 0 : i32
        %dma_wait3A_264 = arith.constant 0 : i32
        %dma_wait3A_265 = tpu.memref_slice %arg2[%dma_wait3A_263, %dma_wait3A_264] : memref<10000x128xf32, #tpu.memory_space<hbm>> -> memref<10000x128xf32, #tpu.memory_space<hbm>>
        tpu.wait_indirect_dma semaphore(%arg14 : memref<!tpu.dma_semaphore, #tpu.memory_space<semaphore_mem>>) src(%dma_wait3A_265 : memref<10000x128xf32, #tpu.memory_space<hbm>>) dst(%arg9 : memref<64x128xf32, #tpu.memory_space<vmem>>)
        "tpu.region"() ({
          %run_scoped3A = tpu.sem_alloc : memref<!tpu.dma_semaphore, #tpu.memory_space<semaphore_mem>>
          %dma_start3A_303 = arith.constant 0 : i32
          %dma_start3A_304 = tpu.memref_slice %arg7[%add3A_259, %dma_start3A_303] : memref<40x64xi32, #tpu.memory_space<vmem>> -> memref<1x64xi32, #tpu.memory_space<vmem>>
          %dma_start3A_305 = tpu.memref_squeeze %dma_start3A_304 : memref<1x64xi32, #tpu.memory_space<vmem>> -> memref<64xi32, #tpu.memory_space<vmem>>
          %dma_start3A_306 = arith.constant 0 : i32
          %dma_start3A_307 = arith.constant 0 : i32
          %dma_start3A_308 = tpu.memref_slice %arg12[%dma_start3A_306, %dma_start3A_307] : memref<10112x128xf32, #tpu.memory_space<vmem_shared>> -> memref<10112x128xf32, #tpu.memory_space<vmem_shared>>
          tpu.enqueue_indirect_dma source(%arg9 : memref<64x128xf32, #tpu.memory_space<vmem>>) target(%dma_start3A_308 : memref<10112x128xf32, #tpu.memory_space<vmem_shared>>) offsets(%dma_start3A_305 : memref<64xi32, #tpu.memory_space<vmem>>) semaphore(%run_scoped3A : memref<!tpu.dma_semaphore, #tpu.memory_space<semaphore_mem>>) {add = true}
          %dma_wait3A_309 = arith.constant 0 : i32
          %dma_wait3A_310 = tpu.memref_slice %arg7[%add3A_259, %dma_wait3A_309] : memref<40x64xi32, #tpu.memory_space<vmem>> -> memref<1x64xi32, #tpu.memory_space<vmem>>
          %dma_wait3A_311 = tpu.memref_squeeze %dma_wait3A_310 : memref<1x64xi32, #tpu.memory_space<vmem>> -> memref<64xi32, #tpu.memory_space<vmem>>
          %dma_wait3A_312 = arith.constant 0 : i32
          %dma_wait3A_313 = arith.constant 0 : i32
          %dma_wait3A_314 = tpu.memref_slice %arg12[%dma_wait3A_312, %dma_wait3A_313] : memref<10112x128xf32, #tpu.memory_space<vmem_shared>> -> memref<10112x128xf32, #tpu.memory_space<vmem_shared>>
          tpu.wait_indirect_dma semaphore(%run_scoped3A : memref<!tpu.dma_semaphore, #tpu.memory_space<semaphore_mem>>) src(%arg9 : memref<64x128xf32, #tpu.memory_space<vmem>>) dst(%dma_wait3A_314 : memref<10112x128xf32, #tpu.memory_space<vmem_shared>>)
          tpu.yield
        }) : () -> ()
        %add3A_266 = arith.constant 4 : i32
        %add3A_267 = arith.addi %add3A_259, %add3A_266 : i32
        %lt3A_268 = arith.constant 40 : i32
        %lt3A_269 = arith.cmpi slt, %add3A_267, %lt3A_268 : i32
        %convert_element_type3A_270 = arith.extui %lt3A_269 : i1 to i32
        %cond3A_271 = arith.constant 0 : i32
        %cond3A_272 = arith.cmpi ne, %convert_element_type3A_270, %cond3A_271 : i32
        scf.if %cond3A_272 {
          %add3A_303 = arith.constant 4 : i32
          %add3A_304 = arith.addi %add3A_259, %add3A_303 : i32
          %dma_start3A_305 = arith.constant 0 : i32
          %dma_start3A_306 = tpu.memref_slice %arg6[%add3A_304, %dma_start3A_305] : memref<40x64xi32, #tpu.memory_space<vmem>> -> memref<1x64xi32, #tpu.memory_space<vmem>>
          %dma_start3A_307 = tpu.memref_squeeze %dma_start3A_306 : memref<1x64xi32, #tpu.memory_space<vmem>> -> memref<64xi32, #tpu.memory_space<vmem>>
          %dma_start3A_308 = arith.constant 0 : i32
          %dma_start3A_309 = arith.constant 0 : i32
          %dma_start3A_310 = tpu.memref_slice %arg2[%dma_start3A_308, %dma_start3A_309] : memref<10000x128xf32, #tpu.memory_space<hbm>> -> memref<10000x128xf32, #tpu.memory_space<hbm>>
          tpu.enqueue_indirect_dma source(%dma_start3A_310 : memref<10000x128xf32, #tpu.memory_space<hbm>>) target(%arg9 : memref<64x128xf32, #tpu.memory_space<vmem>>) offsets(%dma_start3A_307 : memref<64xi32, #tpu.memory_space<vmem>>) semaphore(%arg14 : memref<!tpu.dma_semaphore, #tpu.memory_space<semaphore_mem>>)
        } else {
        }
        %add3A_273 = arith.constant 2 : i32
        %add3A_274 = arith.addi %mul3A_245, %add3A_273 : i32
        %dma_wait3A_275 = arith.constant 0 : i32
        %dma_wait3A_276 = tpu.memref_slice %arg6[%add3A_274, %dma_wait3A_275] : memref<40x64xi32, #tpu.memory_space<vmem>> -> memref<1x64xi32, #tpu.memory_space<vmem>>
        %dma_wait3A_277 = tpu.memref_squeeze %dma_wait3A_276 : memref<1x64xi32, #tpu.memory_space<vmem>> -> memref<64xi32, #tpu.memory_space<vmem>>
        %dma_wait3A_278 = arith.constant 0 : i32
        %dma_wait3A_279 = arith.constant 0 : i32
        %dma_wait3A_280 = tpu.memref_slice %arg2[%dma_wait3A_278, %dma_wait3A_279] : memref<10000x128xf32, #tpu.memory_space<hbm>> -> memref<10000x128xf32, #tpu.memory_space<hbm>>
        tpu.wait_indirect_dma semaphore(%arg15 : memref<!tpu.dma_semaphore, #tpu.memory_space<semaphore_mem>>) src(%dma_wait3A_280 : memref<10000x128xf32, #tpu.memory_space<hbm>>) dst(%arg10 : memref<64x128xf32, #tpu.memory_space<vmem>>)
        "tpu.region"() ({
          %run_scoped3A = tpu.sem_alloc : memref<!tpu.dma_semaphore, #tpu.memory_space<semaphore_mem>>
          %dma_start3A_303 = arith.constant 0 : i32
          %dma_start3A_304 = tpu.memref_slice %arg7[%add3A_274, %dma_start3A_303] : memref<40x64xi32, #tpu.memory_space<vmem>> -> memref<1x64xi32, #tpu.memory_space<vmem>>
          %dma_start3A_305 = tpu.memref_squeeze %dma_start3A_304 : memref<1x64xi32, #tpu.memory_space<vmem>> -> memref<64xi32, #tpu.memory_space<vmem>>
          %dma_start3A_306 = arith.constant 0 : i32
          %dma_start3A_307 = arith.constant 0 : i32
          %dma_start3A_308 = tpu.memref_slice %arg12[%dma_start3A_306, %dma_start3A_307] : memref<10112x128xf32, #tpu.memory_space<vmem_shared>> -> memref<10112x128xf32, #tpu.memory_space<vmem_shared>>
          tpu.enqueue_indirect_dma source(%arg10 : memref<64x128xf32, #tpu.memory_space<vmem>>) target(%dma_start3A_308 : memref<10112x128xf32, #tpu.memory_space<vmem_shared>>) offsets(%dma_start3A_305 : memref<64xi32, #tpu.memory_space<vmem>>) semaphore(%run_scoped3A : memref<!tpu.dma_semaphore, #tpu.memory_space<semaphore_mem>>) {add = true}
          %dma_wait3A_309 = arith.constant 0 : i32
          %dma_wait3A_310 = tpu.memref_slice %arg7[%add3A_274, %dma_wait3A_309] : memref<40x64xi32, #tpu.memory_space<vmem>> -> memref<1x64xi32, #tpu.memory_space<vmem>>
          %dma_wait3A_311 = tpu.memref_squeeze %dma_wait3A_310 : memref<1x64xi32, #tpu.memory_space<vmem>> -> memref<64xi32, #tpu.memory_space<vmem>>
          %dma_wait3A_312 = arith.constant 0 : i32
          %dma_wait3A_313 = arith.constant 0 : i32
          %dma_wait3A_314 = tpu.memref_slice %arg12[%dma_wait3A_312, %dma_wait3A_313] : memref<10112x128xf32, #tpu.memory_space<vmem_shared>> -> memref<10112x128xf32, #tpu.memory_space<vmem_shared>>
          tpu.wait_indirect_dma semaphore(%run_scoped3A : memref<!tpu.dma_semaphore, #tpu.memory_space<semaphore_mem>>) src(%arg10 : memref<64x128xf32, #tpu.memory_space<vmem>>) dst(%dma_wait3A_314 : memref<10112x128xf32, #tpu.memory_space<vmem_shared>>)
          tpu.yield
        }) : () -> ()
        %add3A_281 = arith.constant 4 : i32
        %add3A_282 = arith.addi %add3A_274, %add3A_281 : i32
        %lt3A_283 = arith.constant 40 : i32
        %lt3A_284 = arith.cmpi slt, %add3A_282, %lt3A_283 : i32
        %convert_element_type3A_285 = arith.extui %lt3A_284 : i1 to i32
        %cond3A_286 = arith.constant 0 : i32
        %cond3A_287 = arith.cmpi ne, %convert_element_type3A_285, %cond3A_286 : i32
        scf.if %cond3A_287 {
          %add3A_303 = arith.constant 4 : i32
          %add3A_304 = arith.addi %add3A_274, %add3A_303 : i32
          %dma_start3A_305 = arith.constant 0 : i32
          %dma_start3A_306 = tpu.memref_slice %arg6[%add3A_304, %dma_start3A_305] : memref<40x64xi32, #tpu.memory_space<vmem>> -> memref<1x64xi32, #tpu.memory_space<vmem>>
          %dma_start3A_307 = tpu.memref_squeeze %dma_start3A_306 : memref<1x64xi32, #tpu.memory_space<vmem>> -> memref<64xi32, #tpu.memory_space<vmem>>
          %dma_start3A_308 = arith.constant 0 : i32
          %dma_start3A_309 = arith.constant 0 : i32
          %dma_start3A_310 = tpu.memref_slice %arg2[%dma_start3A_308, %dma_start3A_309] : memref<10000x128xf32, #tpu.memory_space<hbm>> -> memref<10000x128xf32, #tpu.memory_space<hbm>>
          tpu.enqueue_indirect_dma source(%dma_start3A_310 : memref<10000x128xf32, #tpu.memory_space<hbm>>) target(%arg10 : memref<64x128xf32, #tpu.memory_space<vmem>>) offsets(%dma_start3A_307 : memref<64xi32, #tpu.memory_space<vmem>>) semaphore(%arg15 : memref<!tpu.dma_semaphore, #tpu.memory_space<semaphore_mem>>)
        } else {
        }
        %add3A_288 = arith.constant 3 : i32
        %add3A_289 = arith.addi %mul3A_245, %add3A_288 : i32
        %dma_wait3A_290 = arith.constant 0 : i32
        %dma_wait3A_291 = tpu.memref_slice %arg6[%add3A_289, %dma_wait3A_290] : memref<40x64xi32, #tpu.memory_space<vmem>> -> memref<1x64xi32, #tpu.memory_space<vmem>>
        %dma_wait3A_292 = tpu.memref_squeeze %dma_wait3A_291 : memref<1x64xi32, #tpu.memory_space<vmem>> -> memref<64xi32, #tpu.memory_space<vmem>>
        %dma_wait3A_293 = arith.constant 0 : i32
        %dma_wait3A_294 = arith.constant 0 : i32
        %dma_wait3A_295 = tpu.memref_slice %arg2[%dma_wait3A_293, %dma_wait3A_294] : memref<10000x128xf32, #tpu.memory_space<hbm>> -> memref<10000x128xf32, #tpu.memory_space<hbm>>
        tpu.wait_indirect_dma semaphore(%arg16 : memref<!tpu.dma_semaphore, #tpu.memory_space<semaphore_mem>>) src(%dma_wait3A_295 : memref<10000x128xf32, #tpu.memory_space<hbm>>) dst(%arg11 : memref<64x128xf32, #tpu.memory_space<vmem>>)
        "tpu.region"() ({
          %run_scoped3A = tpu.sem_alloc : memref<!tpu.dma_semaphore, #tpu.memory_space<semaphore_mem>>
          %dma_start3A_303 = arith.constant 0 : i32
          %dma_start3A_304 = tpu.memref_slice %arg7[%add3A_289, %dma_start3A_303] : memref<40x64xi32, #tpu.memory_space<vmem>> -> memref<1x64xi32, #tpu.memory_space<vmem>>
          %dma_start3A_305 = tpu.memref_squeeze %dma_start3A_304 : memref<1x64xi32, #tpu.memory_space<vmem>> -> memref<64xi32, #tpu.memory_space<vmem>>
          %dma_start3A_306 = arith.constant 0 : i32
          %dma_start3A_307 = arith.constant 0 : i32
          %dma_start3A_308 = tpu.memref_slice %arg12[%dma_start3A_306, %dma_start3A_307] : memref<10112x128xf32, #tpu.memory_space<vmem_shared>> -> memref<10112x128xf32, #tpu.memory_space<vmem_shared>>
          tpu.enqueue_indirect_dma source(%arg11 : memref<64x128xf32, #tpu.memory_space<vmem>>) target(%dma_start3A_308 : memref<10112x128xf32, #tpu.memory_space<vmem_shared>>) offsets(%dma_start3A_305 : memref<64xi32, #tpu.memory_space<vmem>>) semaphore(%run_scoped3A : memref<!tpu.dma_semaphore, #tpu.memory_space<semaphore_mem>>) {add = true}
          %dma_wait3A_309 = arith.constant 0 : i32
          %dma_wait3A_310 = tpu.memref_slice %arg7[%add3A_289, %dma_wait3A_309] : memref<40x64xi32, #tpu.memory_space<vmem>> -> memref<1x64xi32, #tpu.memory_space<vmem>>
          %dma_wait3A_311 = tpu.memref_squeeze %dma_wait3A_310 : memref<1x64xi32, #tpu.memory_space<vmem>> -> memref<64xi32, #tpu.memory_space<vmem>>
          %dma_wait3A_312 = arith.constant 0 : i32
          %dma_wait3A_313 = arith.constant 0 : i32
          %dma_wait3A_314 = tpu.memref_slice %arg12[%dma_wait3A_312, %dma_wait3A_313] : memref<10112x128xf32, #tpu.memory_space<vmem_shared>> -> memref<10112x128xf32, #tpu.memory_space<vmem_shared>>
          tpu.wait_indirect_dma semaphore(%run_scoped3A : memref<!tpu.dma_semaphore, #tpu.memory_space<semaphore_mem>>) src(%arg11 : memref<64x128xf32, #tpu.memory_space<vmem>>) dst(%dma_wait3A_314 : memref<10112x128xf32, #tpu.memory_space<vmem_shared>>)
          tpu.yield
        }) : () -> ()
        %add3A_296 = arith.constant 4 : i32
        %add3A_297 = arith.addi %add3A_289, %add3A_296 : i32
        %lt3A_298 = arith.constant 40 : i32
        %lt3A_299 = arith.cmpi slt, %add3A_297, %lt3A_298 : i32
        %convert_element_type3A_300 = arith.extui %lt3A_299 : i1 to i32
        %cond3A_301 = arith.constant 0 : i32
        %cond3A_302 = arith.cmpi ne, %convert_element_type3A_300, %cond3A_301 : i32
        scf.if %cond3A_302 {
          %add3A_303 = arith.constant 4 : i32
          %add3A_304 = arith.addi %add3A_289, %add3A_303 : i32
          %dma_start3A_305 = arith.constant 0 : i32
          %dma_start3A_306 = tpu.memref_slice %arg6[%add3A_304, %dma_start3A_305] : memref<40x64xi32, #tpu.memory_space<vmem>> -> memref<1x64xi32, #tpu.memory_space<vmem>>
          %dma_start3A_307 = tpu.memref_squeeze %dma_start3A_306 : memref<1x64xi32, #tpu.memory_space<vmem>> -> memref<64xi32, #tpu.memory_space<vmem>>
          %dma_start3A_308 = arith.constant 0 : i32
          %dma_start3A_309 = arith.constant 0 : i32
          %dma_start3A_310 = tpu.memref_slice %arg2[%dma_start3A_308, %dma_start3A_309] : memref<10000x128xf32, #tpu.memory_space<hbm>> -> memref<10000x128xf32, #tpu.memory_space<hbm>>
          tpu.enqueue_indirect_dma source(%dma_start3A_310 : memref<10000x128xf32, #tpu.memory_space<hbm>>) target(%arg11 : memref<64x128xf32, #tpu.memory_space<vmem>>) offsets(%dma_start3A_307 : memref<64xi32, #tpu.memory_space<vmem>>) semaphore(%arg16 : memref<!tpu.dma_semaphore, #tpu.memory_space<semaphore_mem>>)
        } else {
        }
      }
      %scan3A_242 = arith.constant 10 : i32
    }
    %scan3A_181 = arith.constant 4 : i32
    %barrier3A_182 = arith.constant 0 : index
    tpu.barrier barrier_id(%barrier3A_182)
    %mul3A_183 = arith.constant 632 : i32
    %mul3A_184 = arith.muli %arg1, %mul3A_183 : i32
    %mul3A_185 = arith.constant 632 : i32
    %mul3A_186 = arith.muli %arg1, %mul3A_185 : i32
    "tpu.region"() ({
      %run_scoped3A = tpu.sem_alloc : memref<!tpu.dma_semaphore, #tpu.memory_space<semaphore_mem>>
      %dma_start3A_187 = arith.constant 0 : i32
      %dma_start3A_188 = tpu.memref_slice %arg5[%arg0, %mul3A_186, %dma_start3A_187] : memref<2x10112x128xf32, #tpu.memory_space<hbm>> -> memref<1x632x128xf32, #tpu.memory_space<hbm>>
      %dma_start3A_189 = tpu.memref_squeeze %dma_start3A_188 : memref<1x632x128xf32, #tpu.memory_space<hbm>> -> memref<632x128xf32, #tpu.memory_space<hbm>>
      %dma_start3A_190 = arith.constant 0 : i32
      %dma_start3A_191 = tpu.memref_slice %arg12[%mul3A_184, %dma_start3A_190] : memref<10112x128xf32, #tpu.memory_space<vmem_shared>> -> memref<632x128xf32, #tpu.memory_space<vmem_shared>>
      tpu.enqueue_dma source(%dma_start3A_191 : memref<632x128xf32, #tpu.memory_space<vmem_shared>>) target(%dma_start3A_189 : memref<632x128xf32, #tpu.memory_space<hbm>>) target_semaphore(%run_scoped3A : memref<!tpu.dma_semaphore, #tpu.memory_space<semaphore_mem>>)
      %dma_wait3A_192 = arith.constant 0 : i32
      %dma_wait3A_193 = tpu.memref_slice %arg5[%arg0, %mul3A_186, %dma_wait3A_192] : memref<2x10112x128xf32, #tpu.memory_space<hbm>> -> memref<1x632x128xf32, #tpu.memory_space<hbm>>
      %dma_wait3A_194 = tpu.memref_squeeze %dma_wait3A_193 : memref<1x632x128xf32, #tpu.memory_space<hbm>> -> memref<632x128xf32, #tpu.memory_space<hbm>>
      %dma_wait3A_195 = arith.constant 0 : i32
      %dma_wait3A_196 = tpu.memref_slice %arg12[%mul3A_184, %dma_wait3A_195] : memref<10112x128xf32, #tpu.memory_space<vmem_shared>> -> memref<632x128xf32, #tpu.memory_space<vmem_shared>>
      tpu.wait_dma2 semaphore(%run_scoped3A : memref<!tpu.dma_semaphore, #tpu.memory_space<semaphore_mem>>) src(%dma_wait3A_196 : memref<632x128xf32, #tpu.memory_space<vmem_shared>>) dst(%dma_wait3A_194 : memref<632x128xf32, #tpu.memory_space<hbm>>)
      tpu.yield
    }) : () -> ()
    return
  }
}

#map = affine_map<(d0, d1) -> (0, 0)>
#map1 = affine_map<(d0, d1) -> (0, 0, 0)>
module attributes {stable_mosaic.version = 14 : i64} {
  func.func @_agg_body(%arg0: i32, %arg1: i32, %arg2: memref<10000x128xf32, #tpu.memory_space<hbm>>, %arg3: memref<5120x64xi32, #tpu.memory_space<hbm>>, %arg4: memref<5120x64xi32, #tpu.memory_space<hbm>>, %arg5: memref<2x10112x128xf32, #tpu.memory_space<hbm>>, %arg6: memref<40x64xi32, #tpu.memory_space<vmem>>, %arg7: memref<40x64xi32, #tpu.memory_space<vmem>>, %arg8: memref<64x128xf32, #tpu.memory_space<vmem>>, %arg9: memref<64x128xf32, #tpu.memory_space<vmem>>, %arg10: memref<64x128xf32, #tpu.memory_space<vmem>>, %arg11: memref<64x128xf32, #tpu.memory_space<vmem>>, %arg12: memref<10112x128xf32, #tpu.memory_space<vmem_shared>>, %arg13: memref<!tpu.dma_semaphore, #tpu.memory_space<semaphore_mem>>, %arg14: memref<!tpu.dma_semaphore, #tpu.memory_space<semaphore_mem>>, %arg15: memref<!tpu.dma_semaphore, #tpu.memory_space<semaphore_mem>>, %arg16: memref<!tpu.dma_semaphore, #tpu.memory_space<semaphore_mem>>) attributes {dimension_semantics = [#tpu.dimension_semantics<core_parallel>, #tpu.dimension_semantics<subcore_parallel>], iteration_bounds = array<i64: 2, 16>, scalar_prefetch = 0 : i64, scratch_operands = 11 : i64, tpu.core_type = #tpu.core_type<sc_vector_subcore>, window_params = [{transform_indices = #map}, {transform_indices = #map}, {transform_indices = #map}, {transform_indices = #map1}]} {
    %mul3A = arith.constant 16 : i32
    %mul3A_0 = arith.muli %arg0, %mul3A : i32
    %add3A = arith.addi %mul3A_0, %arg1 : i32
    %scan3A = arith.constant 0 : i32
    %scan3A_1 = arith.constant 0 : i32
    %scan3A_2 = arith.constant 64 : i32
    %scan3A_3 = arith.addi %scan3A_1, %scan3A_2 : i32
    %scan3A_4 = arith.constant 1 : i32
    scf.for %scan3A_187 = %scan3A_1 to %scan3A_3 step %scan3A_4  : i32 {
      %broadcast_in_dim3A = arith.constant 0.000000e+00 : f32
      %broadcast_in_dim3A_188 = vector.broadcast %broadcast_in_dim3A : f32 to vector<16xf32>
      %swap3A = arith.index_cast %scan3A_187 : i32 to index
      %swap3A_189 = arith.constant 0 : index
      %swap3A_190 = tpu.vector_load %arg8[%swap3A, %swap3A_189] {strides = array<i32>} : memref<64x128xf32, #tpu.memory_space<vmem>>, vector<1x16xf32>,
      %swap3A_191 = vector.shape_cast %swap3A_190 : vector<1x16xf32> to vector<16xf32>
      %swap3A_192 = vector.shape_cast %broadcast_in_dim3A_188 : vector<16xf32> to vector<1x16xf32>
      tpu.vector_store %arg8[%swap3A, %swap3A_189], %swap3A_192 {strides = array<i32>} : memref<64x128xf32, #tpu.memory_space<vmem>>, vector<1x16xf32>,
      %broadcast_in_dim3A_193 = arith.constant 0.000000e+00 : f32
      %broadcast_in_dim3A_194 = vector.broadcast %broadcast_in_dim3A_193 : f32 to vector<16xf32>
      %swap3A_195 = arith.index_cast %scan3A_187 : i32 to index
      %swap3A_196 = arith.constant 16 : index
      %swap3A_197 = tpu.vector_load %arg8[%swap3A_195, %swap3A_196] {strides = array<i32>} : memref<64x128xf32, #tpu.memory_space<vmem>>, vector<1x16xf32>,
      %swap3A_198 = vector.shape_cast %swap3A_197 : vector<1x16xf32> to vector<16xf32>
      %swap3A_199 = vector.shape_cast %broadcast_in_dim3A_194 : vector<16xf32> to vector<1x16xf32>
      tpu.vector_store %arg8[%swap3A_195, %swap3A_196], %swap3A_199 {strides = array<i32>} : memref<64x128xf32, #tpu.memory_space<vmem>>, vector<1x16xf32>,
      %broadcast_in_dim3A_200 = arith.constant 0.000000e+00 : f32
      %broadcast_in_dim3A_201 = vector.broadcast %broadcast_in_dim3A_200 : f32 to vector<16xf32>
      %swap3A_202 = arith.index_cast %scan3A_187 : i32 to index
      %swap3A_203 = arith.constant 32 : index
      %swap3A_204 = tpu.vector_load %arg8[%swap3A_202, %swap3A_203] {strides = array<i32>} : memref<64x128xf32, #tpu.memory_space<vmem>>, vector<1x16xf32>,
      %swap3A_205 = vector.shape_cast %swap3A_204 : vector<1x16xf32> to vector<16xf32>
      %swap3A_206 = vector.shape_cast %broadcast_in_dim3A_201 : vector<16xf32> to vector<1x16xf32>
      tpu.vector_store %arg8[%swap3A_202, %swap3A_203], %swap3A_206 {strides = array<i32>} : memref<64x128xf32, #tpu.memory_space<vmem>>, vector<1x16xf32>,
      %broadcast_in_dim3A_207 = arith.constant 0.000000e+00 : f32
      %broadcast_in_dim3A_208 = vector.broadcast %broadcast_in_dim3A_207 : f32 to vector<16xf32>
      %swap3A_209 = arith.index_cast %scan3A_187 : i32 to index
      %swap3A_210 = arith.constant 48 : index
      %swap3A_211 = tpu.vector_load %arg8[%swap3A_209, %swap3A_210] {strides = array<i32>} : memref<64x128xf32, #tpu.memory_space<vmem>>, vector<1x16xf32>,
      %swap3A_212 = vector.shape_cast %swap3A_211 : vector<1x16xf32> to vector<16xf32>
      %swap3A_213 = vector.shape_cast %broadcast_in_dim3A_208 : vector<16xf32> to vector<1x16xf32>
      tpu.vector_store %arg8[%swap3A_209, %swap3A_210], %swap3A_213 {strides = array<i32>} : memref<64x128xf32, #tpu.memory_space<vmem>>, vector<1x16xf32>,
      %broadcast_in_dim3A_214 = arith.constant 0.000000e+00 : f32
      %broadcast_in_dim3A_215 = vector.broadcast %broadcast_in_dim3A_214 : f32 to vector<16xf32>
      %swap3A_216 = arith.index_cast %scan3A_187 : i32 to index
      %swap3A_217 = arith.constant 64 : index
      %swap3A_218 = tpu.vector_load %arg8[%swap3A_216, %swap3A_217] {strides = array<i32>} : memref<64x128xf32, #tpu.memory_space<vmem>>, vector<1x16xf32>,
      %swap3A_219 = vector.shape_cast %swap3A_218 : vector<1x16xf32> to vector<16xf32>
      %swap3A_220 = vector.shape_cast %broadcast_in_dim3A_215 : vector<16xf32> to vector<1x16xf32>
      tpu.vector_store %arg8[%swap3A_216, %swap3A_217], %swap3A_220 {strides = array<i32>} : memref<64x128xf32, #tpu.memory_space<vmem>>, vector<1x16xf32>,
      %broadcast_in_dim3A_221 = arith.constant 0.000000e+00 : f32
      %broadcast_in_dim3A_222 = vector.broadcast %broadcast_in_dim3A_221 : f32 to vector<16xf32>
      %swap3A_223 = arith.index_cast %scan3A_187 : i32 to index
      %swap3A_224 = arith.constant 80 : index
      %swap3A_225 = tpu.vector_load %arg8[%swap3A_223, %swap3A_224] {strides = array<i32>} : memref<64x128xf32, #tpu.memory_space<vmem>>, vector<1x16xf32>,
      %swap3A_226 = vector.shape_cast %swap3A_225 : vector<1x16xf32> to vector<16xf32>
      %swap3A_227 = vector.shape_cast %broadcast_in_dim3A_222 : vector<16xf32> to vector<1x16xf32>
      tpu.vector_store %arg8[%swap3A_223, %swap3A_224], %swap3A_227 {strides = array<i32>} : memref<64x128xf32, #tpu.memory_space<vmem>>, vector<1x16xf32>,
      %broadcast_in_dim3A_228 = arith.constant 0.000000e+00 : f32
      %broadcast_in_dim3A_229 = vector.broadcast %broadcast_in_dim3A_228 : f32 to vector<16xf32>
      %swap3A_230 = arith.index_cast %scan3A_187 : i32 to index
      %swap3A_231 = arith.constant 96 : index
      %swap3A_232 = tpu.vector_load %arg8[%swap3A_230, %swap3A_231] {strides = array<i32>} : memref<64x128xf32, #tpu.memory_space<vmem>>, vector<1x16xf32>,
      %swap3A_233 = vector.shape_cast %swap3A_232 : vector<1x16xf32> to vector<16xf32>
      %swap3A_234 = vector.shape_cast %broadcast_in_dim3A_229 : vector<16xf32> to vector<1x16xf32>
      tpu.vector_store %arg8[%swap3A_230, %swap3A_231], %swap3A_234 {strides = array<i32>} : memref<64x128xf32, #tpu.memory_space<vmem>>, vector<1x16xf32>,
      %broadcast_in_dim3A_235 = arith.constant 0.000000e+00 : f32
      %broadcast_in_dim3A_236 = vector.broadcast %broadcast_in_dim3A_235 : f32 to vector<16xf32>
      %swap3A_237 = arith.index_cast %scan3A_187 : i32 to index
      %swap3A_238 = arith.constant 112 : index
      %swap3A_239 = tpu.vector_load %arg8[%swap3A_237, %swap3A_238] {strides = array<i32>} : memref<64x128xf32, #tpu.memory_space<vmem>>, vector<1x16xf32>,
      %swap3A_240 = vector.shape_cast %swap3A_239 : vector<1x16xf32> to vector<16xf32>
      %swap3A_241 = vector.shape_cast %broadcast_in_dim3A_236 : vector<16xf32> to vector<1x16xf32>
      tpu.vector_store %arg8[%swap3A_237, %swap3A_238], %swap3A_241 {strides = array<i32>} : memref<64x128xf32, #tpu.memory_space<vmem>>, vector<1x16xf32>,
    }
    %scan3A_5 = arith.constant 64 : i32
    %mul3A_6 = arith.constant 632 : i32
    %mul3A_7 = arith.muli %arg1, %mul3A_6 : i32
    %add3A_8 = arith.constant 0 : i32
    %add3A_9 = arith.addi %mul3A_7, %add3A_8 : i32
    %dma_start3A = arith.constant 0 : i32
    %dma_start3A_10 = tpu.memref_slice %arg12[%add3A_9, %dma_start3A] : memref<10112x128xf32, #tpu.memory_space<vmem_shared>> -> memref<64x128xf32, #tpu.memory_space<vmem_shared>>
    %dma_start3A_11 = arith.constant 0 : i32
    %dma_start3A_12 = tpu.memref_slice %arg12[%add3A_9, %dma_start3A_11] : memref<10112x128xf32, #tpu.memory_space<vmem_shared>> -> memref<64x128xf32, #tpu.memory_space<vmem_shared>>
    tpu.enqueue_dma source(%arg8 : memref<64x128xf32, #tpu.memory_space<vmem>>) target(%dma_start3A_12 : memref<64x128xf32, #tpu.memory_space<vmem_shared>>) target_semaphore(%arg13 : memref<!tpu.dma_semaphore, #tpu.memory_space<semaphore_mem>>)
    %mul3A_13 = arith.constant 632 : i32
    %mul3A_14 = arith.muli %arg1, %mul3A_13 : i32
    %add3A_15 = arith.constant 64 : i32
    %add3A_16 = arith.addi %mul3A_14, %add3A_15 : i32
    %dma_start3A_17 = arith.constant 0 : i32
    %dma_start3A_18 = tpu.memref_slice %arg12[%add3A_16, %dma_start3A_17] : memref<10112x128xf32, #tpu.memory_space<vmem_shared>> -> memref<64x128xf32, #tpu.memory_space<vmem_shared>>
    %dma_start3A_19 = arith.constant 0 : i32
    %dma_start3A_20 = tpu.memref_slice %arg12[%add3A_16, %dma_start3A_19] : memref<10112x128xf32, #tpu.memory_space<vmem_shared>> -> memref<64x128xf32, #tpu.memory_space<vmem_shared>>
    tpu.enqueue_dma source(%arg8 : memref<64x128xf32, #tpu.memory_space<vmem>>) target(%dma_start3A_20 : memref<64x128xf32, #tpu.memory_space<vmem_shared>>) target_semaphore(%arg14 : memref<!tpu.dma_semaphore, #tpu.memory_space<semaphore_mem>>)
    %mul3A_21 = arith.constant 632 : i32
    %mul3A_22 = arith.muli %arg1, %mul3A_21 : i32
    %add3A_23 = arith.constant 128 : i32
    %add3A_24 = arith.addi %mul3A_22, %add3A_23 : i32
    %dma_start3A_25 = arith.constant 0 : i32
    %dma_start3A_26 = tpu.memref_slice %arg12[%add3A_24, %dma_start3A_25] : memref<10112x128xf32, #tpu.memory_space<vmem_shared>> -> memref<64x128xf32, #tpu.memory_space<vmem_shared>>
    %dma_start3A_27 = arith.constant 0 : i32
    %dma_start3A_28 = tpu.memref_slice %arg12[%add3A_24, %dma_start3A_27] : memref<10112x128xf32, #tpu.memory_space<vmem_shared>> -> memref<64x128xf32, #tpu.memory_space<vmem_shared>>
    tpu.enqueue_dma source(%arg8 : memref<64x128xf32, #tpu.memory_space<vmem>>) target(%dma_start3A_28 : memref<64x128xf32, #tpu.memory_space<vmem_shared>>) target_semaphore(%arg15 : memref<!tpu.dma_semaphore, #tpu.memory_space<semaphore_mem>>)
    %mul3A_29 = arith.constant 632 : i32
    %mul3A_30 = arith.muli %arg1, %mul3A_29 : i32
    %add3A_31 = arith.constant 192 : i32
    %add3A_32 = arith.addi %mul3A_30, %add3A_31 : i32
    %dma_start3A_33 = arith.constant 0 : i32
    %dma_start3A_34 = tpu.memref_slice %arg12[%add3A_32, %dma_start3A_33] : memref<10112x128xf32, #tpu.memory_space<vmem_shared>> -> memref<64x128xf32, #tpu.memory_space<vmem_shared>>
    %dma_start3A_35 = arith.constant 0 : i32
    %dma_start3A_36 = tpu.memref_slice %arg12[%add3A_32, %dma_start3A_35] : memref<10112x128xf32, #tpu.memory_space<vmem_shared>> -> memref<64x128xf32, #tpu.memory_space<vmem_shared>>
    tpu.enqueue_dma source(%arg8 : memref<64x128xf32, #tpu.memory_space<vmem>>) target(%dma_start3A_36 : memref<64x128xf32, #tpu.memory_space<vmem_shared>>) target_semaphore(%arg16 : memref<!tpu.dma_semaphore, #tpu.memory_space<semaphore_mem>>)
    %mul3A_37 = arith.constant 632 : i32
    %mul3A_38 = arith.muli %arg1, %mul3A_37 : i32
    %add3A_39 = arith.constant 256 : i32
    %add3A_40 = arith.addi %mul3A_38, %add3A_39 : i32
    %dma_start3A_41 = arith.constant 0 : i32
    %dma_start3A_42 = tpu.memref_slice %arg12[%add3A_40, %dma_start3A_41] : memref<10112x128xf32, #tpu.memory_space<vmem_shared>> -> memref<64x128xf32, #tpu.memory_space<vmem_shared>>
    %dma_start3A_43 = arith.constant 0 : i32
    %dma_start3A_44 = tpu.memref_slice %arg12[%add3A_40, %dma_start3A_43] : memref<10112x128xf32, #tpu.memory_space<vmem_shared>> -> memref<64x128xf32, #tpu.memory_space<vmem_shared>>
    tpu.enqueue_dma source(%arg8 : memref<64x128xf32, #tpu.memory_space<vmem>>) target(%dma_start3A_44 : memref<64x128xf32, #tpu.memory_space<vmem_shared>>) target_semaphore(%arg13 : memref<!tpu.dma_semaphore, #tpu.memory_space<semaphore_mem>>)
    %mul3A_45 = arith.constant 632 : i32
    %mul3A_46 = arith.muli %arg1, %mul3A_45 : i32
    %add3A_47 = arith.constant 320 : i32
    %add3A_48 = arith.addi %mul3A_46, %add3A_47 : i32
    %dma_start3A_49 = arith.constant 0 : i32
    %dma_start3A_50 = tpu.memref_slice %arg12[%add3A_48, %dma_start3A_49] : memref<10112x128xf32, #tpu.memory_space<vmem_shared>> -> memref<64x128xf32, #tpu.memory_space<vmem_shared>>
    %dma_start3A_51 = arith.constant 0 : i32
    %dma_start3A_52 = tpu.memref_slice %arg12[%add3A_48, %dma_start3A_51] : memref<10112x128xf32, #tpu.memory_space<vmem_shared>> -> memref<64x128xf32, #tpu.memory_space<vmem_shared>>
    tpu.enqueue_dma source(%arg8 : memref<64x128xf32, #tpu.memory_space<vmem>>) target(%dma_start3A_52 : memref<64x128xf32, #tpu.memory_space<vmem_shared>>) target_semaphore(%arg14 : memref<!tpu.dma_semaphore, #tpu.memory_space<semaphore_mem>>)
    %mul3A_53 = arith.constant 632 : i32
    %mul3A_54 = arith.muli %arg1, %mul3A_53 : i32
    %add3A_55 = arith.constant 384 : i32
    %add3A_56 = arith.addi %mul3A_54, %add3A_55 : i32
    %dma_start3A_57 = arith.constant 0 : i32
    %dma_start3A_58 = tpu.memref_slice %arg12[%add3A_56, %dma_start3A_57] : memref<10112x128xf32, #tpu.memory_space<vmem_shared>> -> memref<64x128xf32, #tpu.memory_space<vmem_shared>>
    %dma_start3A_59 = arith.constant 0 : i32
    %dma_start3A_60 = tpu.memref_slice %arg12[%add3A_56, %dma_start3A_59] : memref<10112x128xf32, #tpu.memory_space<vmem_shared>> -> memref<64x128xf32, #tpu.memory_space<vmem_shared>>
    tpu.enqueue_dma source(%arg8 : memref<64x128xf32, #tpu.memory_space<vmem>>) target(%dma_start3A_60 : memref<64x128xf32, #tpu.memory_space<vmem_shared>>) target_semaphore(%arg15 : memref<!tpu.dma_semaphore, #tpu.memory_space<semaphore_mem>>)
    %mul3A_61 = arith.constant 632 : i32
    %mul3A_62 = arith.muli %arg1, %mul3A_61 : i32
    %add3A_63 = arith.constant 448 : i32
    %add3A_64 = arith.addi %mul3A_62, %add3A_63 : i32
    %dma_start3A_65 = arith.constant 0 : i32
    %dma_start3A_66 = tpu.memref_slice %arg12[%add3A_64, %dma_start3A_65] : memref<10112x128xf32, #tpu.memory_space<vmem_shared>> -> memref<64x128xf32, #tpu.memory_space<vmem_shared>>
    %dma_start3A_67 = arith.constant 0 : i32
    %dma_start3A_68 = tpu.memref_slice %arg12[%add3A_64, %dma_start3A_67] : memref<10112x128xf32, #tpu.memory_space<vmem_shared>> -> memref<64x128xf32, #tpu.memory_space<vmem_shared>>
    tpu.enqueue_dma source(%arg8 : memref<64x128xf32, #tpu.memory_space<vmem>>) target(%dma_start3A_68 : memref<64x128xf32, #tpu.memory_space<vmem_shared>>) target_semaphore(%arg16 : memref<!tpu.dma_semaphore, #tpu.memory_space<semaphore_mem>>)
    %mul3A_69 = arith.constant 632 : i32
    %mul3A_70 = arith.muli %arg1, %mul3A_69 : i32
    %add3A_71 = arith.constant 512 : i32
    %add3A_72 = arith.addi %mul3A_70, %add3A_71 : i32
    %dma_start3A_73 = arith.constant 0 : i32
    %dma_start3A_74 = tpu.memref_slice %arg12[%add3A_72, %dma_start3A_73] : memref<10112x128xf32, #tpu.memory_space<vmem_shared>> -> memref<64x128xf32, #tpu.memory_space<vmem_shared>>
    %dma_start3A_75 = arith.constant 0 : i32
    %dma_start3A_76 = tpu.memref_slice %arg12[%add3A_72, %dma_start3A_75] : memref<10112x128xf32, #tpu.memory_space<vmem_shared>> -> memref<64x128xf32, #tpu.memory_space<vmem_shared>>
    tpu.enqueue_dma source(%arg8 : memref<64x128xf32, #tpu.memory_space<vmem>>) target(%dma_start3A_76 : memref<64x128xf32, #tpu.memory_space<vmem_shared>>) target_semaphore(%arg13 : memref<!tpu.dma_semaphore, #tpu.memory_space<semaphore_mem>>)
    %mul3A_77 = arith.constant 632 : i32
    %mul3A_78 = arith.muli %arg1, %mul3A_77 : i32
    %add3A_79 = arith.constant 576 : i32
    %add3A_80 = arith.addi %mul3A_78, %add3A_79 : i32
    %dma_start3A_81 = arith.constant 0 : i32
    %dma_start3A_82 = arith.constant 0 : i32
    %dma_start3A_83 = tpu.memref_slice %arg8[%dma_start3A_81, %dma_start3A_82] : memref<64x128xf32, #tpu.memory_space<vmem>> -> memref<56x128xf32, #tpu.memory_space<vmem>>
    %dma_start3A_84 = arith.constant 0 : i32
    %dma_start3A_85 = tpu.memref_slice %arg12[%add3A_80, %dma_start3A_84] : memref<10112x128xf32, #tpu.memory_space<vmem_shared>> -> memref<56x128xf32, #tpu.memory_space<vmem_shared>>
    %dma_start3A_86 = arith.constant 0 : i32
    %dma_start3A_87 = tpu.memref_slice %arg12[%add3A_80, %dma_start3A_86] : memref<10112x128xf32, #tpu.memory_space<vmem_shared>> -> memref<56x128xf32, #tpu.memory_space<vmem_shared>>
    %dma_start3A_88 = arith.constant 0 : i32
    %dma_start3A_89 = arith.constant 0 : i32
    %dma_start3A_90 = tpu.memref_slice %arg8[%dma_start3A_88, %dma_start3A_89] : memref<64x128xf32, #tpu.memory_space<vmem>> -> memref<56x128xf32, #tpu.memory_space<vmem>>
    tpu.enqueue_dma source(%dma_start3A_90 : memref<56x128xf32, #tpu.memory_space<vmem>>) target(%dma_start3A_87 : memref<56x128xf32, #tpu.memory_space<vmem_shared>>) target_semaphore(%arg14 : memref<!tpu.dma_semaphore, #tpu.memory_space<semaphore_mem>>)
    %mul3A_91 = arith.constant 632 : i32
    %mul3A_92 = arith.muli %arg1, %mul3A_91 : i32
    %add3A_93 = arith.constant 0 : i32
    %add3A_94 = arith.addi %mul3A_92, %add3A_93 : i32
    %dma_wait3A = arith.constant 0 : i32
    %dma_wait3A_95 = tpu.memref_slice %arg12[%add3A_94, %dma_wait3A] : memref<10112x128xf32, #tpu.memory_space<vmem_shared>> -> memref<64x128xf32, #tpu.memory_space<vmem_shared>>
    %dma_wait3A_96 = arith.constant 0 : i32
    %dma_wait3A_97 = tpu.memref_slice %arg12[%add3A_94, %dma_wait3A_96] : memref<10112x128xf32, #tpu.memory_space<vmem_shared>> -> memref<64x128xf32, #tpu.memory_space<vmem_shared>>
    tpu.wait_dma2 semaphore(%arg13 : memref<!tpu.dma_semaphore, #tpu.memory_space<semaphore_mem>>) src(%arg8 : memref<64x128xf32, #tpu.memory_space<vmem>>) dst(%dma_wait3A_97 : memref<64x128xf32, #tpu.memory_space<vmem_shared>>)
    %mul3A_98 = arith.constant 632 : i32
    %mul3A_99 = arith.muli %arg1, %mul3A_98 : i32
    %add3A_100 = arith.constant 64 : i32
    %add3A_101 = arith.addi %mul3A_99, %add3A_100 : i32
    %dma_wait3A_102 = arith.constant 0 : i32
    %dma_wait3A_103 = tpu.memref_slice %arg12[%add3A_101, %dma_wait3A_102] : memref<10112x128xf32, #tpu.memory_space<vmem_shared>> -> memref<64x128xf32, #tpu.memory_space<vmem_shared>>
    %dma_wait3A_104 = arith.constant 0 : i32
    %dma_wait3A_105 = tpu.memref_slice %arg12[%add3A_101, %dma_wait3A_104] : memref<10112x128xf32, #tpu.memory_space<vmem_shared>> -> memref<64x128xf32, #tpu.memory_space<vmem_shared>>
    tpu.wait_dma2 semaphore(%arg14 : memref<!tpu.dma_semaphore, #tpu.memory_space<semaphore_mem>>) src(%arg8 : memref<64x128xf32, #tpu.memory_space<vmem>>) dst(%dma_wait3A_105 : memref<64x128xf32, #tpu.memory_space<vmem_shared>>)
    %mul3A_106 = arith.constant 632 : i32
    %mul3A_107 = arith.muli %arg1, %mul3A_106 : i32
    %add3A_108 = arith.constant 128 : i32
    %add3A_109 = arith.addi %mul3A_107, %add3A_108 : i32
    %dma_wait3A_110 = arith.constant 0 : i32
    %dma_wait3A_111 = tpu.memref_slice %arg12[%add3A_109, %dma_wait3A_110] : memref<10112x128xf32, #tpu.memory_space<vmem_shared>> -> memref<64x128xf32, #tpu.memory_space<vmem_shared>>
    %dma_wait3A_112 = arith.constant 0 : i32
    %dma_wait3A_113 = tpu.memref_slice %arg12[%add3A_109, %dma_wait3A_112] : memref<10112x128xf32, #tpu.memory_space<vmem_shared>> -> memref<64x128xf32, #tpu.memory_space<vmem_shared>>
    tpu.wait_dma2 semaphore(%arg15 : memref<!tpu.dma_semaphore, #tpu.memory_space<semaphore_mem>>) src(%arg8 : memref<64x128xf32, #tpu.memory_space<vmem>>) dst(%dma_wait3A_113 : memref<64x128xf32, #tpu.memory_space<vmem_shared>>)
    %mul3A_114 = arith.constant 632 : i32
    %mul3A_115 = arith.muli %arg1, %mul3A_114 : i32
    %add3A_116 = arith.constant 192 : i32
    %add3A_117 = arith.addi %mul3A_115, %add3A_116 : i32
    %dma_wait3A_118 = arith.constant 0 : i32
    %dma_wait3A_119 = tpu.memref_slice %arg12[%add3A_117, %dma_wait3A_118] : memref<10112x128xf32, #tpu.memory_space<vmem_shared>> -> memref<64x128xf32, #tpu.memory_space<vmem_shared>>
    %dma_wait3A_120 = arith.constant 0 : i32
    %dma_wait3A_121 = tpu.memref_slice %arg12[%add3A_117, %dma_wait3A_120] : memref<10112x128xf32, #tpu.memory_space<vmem_shared>> -> memref<64x128xf32, #tpu.memory_space<vmem_shared>>
    tpu.wait_dma2 semaphore(%arg16 : memref<!tpu.dma_semaphore, #tpu.memory_space<semaphore_mem>>) src(%arg8 : memref<64x128xf32, #tpu.memory_space<vmem>>) dst(%dma_wait3A_121 : memref<64x128xf32, #tpu.memory_space<vmem_shared>>)
    %mul3A_122 = arith.constant 632 : i32
    %mul3A_123 = arith.muli %arg1, %mul3A_122 : i32
    %add3A_124 = arith.constant 256 : i32
    %add3A_125 = arith.addi %mul3A_123, %add3A_124 : i32
    %dma_wait3A_126 = arith.constant 0 : i32
    %dma_wait3A_127 = tpu.memref_slice %arg12[%add3A_125, %dma_wait3A_126] : memref<10112x128xf32, #tpu.memory_space<vmem_shared>> -> memref<64x128xf32, #tpu.memory_space<vmem_shared>>
    %dma_wait3A_128 = arith.constant 0 : i32
    %dma_wait3A_129 = tpu.memref_slice %arg12[%add3A_125, %dma_wait3A_128] : memref<10112x128xf32, #tpu.memory_space<vmem_shared>> -> memref<64x128xf32, #tpu.memory_space<vmem_shared>>
    tpu.wait_dma2 semaphore(%arg13 : memref<!tpu.dma_semaphore, #tpu.memory_space<semaphore_mem>>) src(%arg8 : memref<64x128xf32, #tpu.memory_space<vmem>>) dst(%dma_wait3A_129 : memref<64x128xf32, #tpu.memory_space<vmem_shared>>)
    %mul3A_130 = arith.constant 632 : i32
    %mul3A_131 = arith.muli %arg1, %mul3A_130 : i32
    %add3A_132 = arith.constant 320 : i32
    %add3A_133 = arith.addi %mul3A_131, %add3A_132 : i32
    %dma_wait3A_134 = arith.constant 0 : i32
    %dma_wait3A_135 = tpu.memref_slice %arg12[%add3A_133, %dma_wait3A_134] : memref<10112x128xf32, #tpu.memory_space<vmem_shared>> -> memref<64x128xf32, #tpu.memory_space<vmem_shared>>
    %dma_wait3A_136 = arith.constant 0 : i32
    %dma_wait3A_137 = tpu.memref_slice %arg12[%add3A_133, %dma_wait3A_136] : memref<10112x128xf32, #tpu.memory_space<vmem_shared>> -> memref<64x128xf32, #tpu.memory_space<vmem_shared>>
    tpu.wait_dma2 semaphore(%arg14 : memref<!tpu.dma_semaphore, #tpu.memory_space<semaphore_mem>>) src(%arg8 : memref<64x128xf32, #tpu.memory_space<vmem>>) dst(%dma_wait3A_137 : memref<64x128xf32, #tpu.memory_space<vmem_shared>>)
    %mul3A_138 = arith.constant 632 : i32
    %mul3A_139 = arith.muli %arg1, %mul3A_138 : i32
    %add3A_140 = arith.constant 384 : i32
    %add3A_141 = arith.addi %mul3A_139, %add3A_140 : i32
    %dma_wait3A_142 = arith.constant 0 : i32
    %dma_wait3A_143 = tpu.memref_slice %arg12[%add3A_141, %dma_wait3A_142] : memref<10112x128xf32, #tpu.memory_space<vmem_shared>> -> memref<64x128xf32, #tpu.memory_space<vmem_shared>>
    %dma_wait3A_144 = arith.constant 0 : i32
    %dma_wait3A_145 = tpu.memref_slice %arg12[%add3A_141, %dma_wait3A_144] : memref<10112x128xf32, #tpu.memory_space<vmem_shared>> -> memref<64x128xf32, #tpu.memory_space<vmem_shared>>
    tpu.wait_dma2 semaphore(%arg15 : memref<!tpu.dma_semaphore, #tpu.memory_space<semaphore_mem>>) src(%arg8 : memref<64x128xf32, #tpu.memory_space<vmem>>) dst(%dma_wait3A_145 : memref<64x128xf32, #tpu.memory_space<vmem_shared>>)
    %mul3A_146 = arith.constant 632 : i32
    %mul3A_147 = arith.muli %arg1, %mul3A_146 : i32
    %add3A_148 = arith.constant 448 : i32
    %add3A_149 = arith.addi %mul3A_147, %add3A_148 : i32
    %dma_wait3A_150 = arith.constant 0 : i32
    %dma_wait3A_151 = tpu.memref_slice %arg12[%add3A_149, %dma_wait3A_150] : memref<10112x128xf32, #tpu.memory_space<vmem_shared>> -> memref<64x128xf32, #tpu.memory_space<vmem_shared>>
    %dma_wait3A_152 = arith.constant 0 : i32
    %dma_wait3A_153 = tpu.memref_slice %arg12[%add3A_149, %dma_wait3A_152] : memref<10112x128xf32, #tpu.memory_space<vmem_shared>> -> memref<64x128xf32, #tpu.memory_space<vmem_shared>>
    tpu.wait_dma2 semaphore(%arg16 : memref<!tpu.dma_semaphore, #tpu.memory_space<semaphore_mem>>) src(%arg8 : memref<64x128xf32, #tpu.memory_space<vmem>>) dst(%dma_wait3A_153 : memref<64x128xf32, #tpu.memory_space<vmem_shared>>)
    %mul3A_154 = arith.constant 632 : i32
    %mul3A_155 = arith.muli %arg1, %mul3A_154 : i32
    %add3A_156 = arith.constant 512 : i32
    %add3A_157 = arith.addi %mul3A_155, %add3A_156 : i32
    %dma_wait3A_158 = arith.constant 0 : i32
    %dma_wait3A_159 = tpu.memref_slice %arg12[%add3A_157, %dma_wait3A_158] : memref<10112x128xf32, #tpu.memory_space<vmem_shared>> -> memref<64x128xf32, #tpu.memory_space<vmem_shared>>
    %dma_wait3A_160 = arith.constant 0 : i32
    %dma_wait3A_161 = tpu.memref_slice %arg12[%add3A_157, %dma_wait3A_160] : memref<10112x128xf32, #tpu.memory_space<vmem_shared>> -> memref<64x128xf32, #tpu.memory_space<vmem_shared>>
    tpu.wait_dma2 semaphore(%arg13 : memref<!tpu.dma_semaphore, #tpu.memory_space<semaphore_mem>>) src(%arg8 : memref<64x128xf32, #tpu.memory_space<vmem>>) dst(%dma_wait3A_161 : memref<64x128xf32, #tpu.memory_space<vmem_shared>>)
    %mul3A_162 = arith.constant 632 : i32
    %mul3A_163 = arith.muli %arg1, %mul3A_162 : i32
    %add3A_164 = arith.constant 576 : i32
    %add3A_165 = arith.addi %mul3A_163, %add3A_164 : i32
    %dma_wait3A_166 = arith.constant 0 : i32
    %dma_wait3A_167 = arith.constant 0 : i32
    %dma_wait3A_168 = tpu.memref_slice %arg8[%dma_wait3A_166, %dma_wait3A_167] : memref<64x128xf32, #tpu.memory_space<vmem>> -> memref<56x128xf32, #tpu.memory_space<vmem>>
    %dma_wait3A_169 = arith.constant 0 : i32
    %dma_wait3A_170 = tpu.memref_slice %arg12[%add3A_165, %dma_wait3A_169] : memref<10112x128xf32, #tpu.memory_space<vmem_shared>> -> memref<56x128xf32, #tpu.memory_space<vmem_shared>>
    %dma_wait3A_171 = arith.constant 0 : i32
    %dma_wait3A_172 = tpu.memref_slice %arg12[%add3A_165, %dma_wait3A_171] : memref<10112x128xf32, #tpu.memory_space<vmem_shared>> -> memref<56x128xf32, #tpu.memory_space<vmem_shared>>
    %dma_wait3A_173 = arith.constant 0 : i32
    %dma_wait3A_174 = arith.constant 0 : i32
    %dma_wait3A_175 = tpu.memref_slice %arg8[%dma_wait3A_173, %dma_wait3A_174] : memref<64x128xf32, #tpu.memory_space<vmem>> -> memref<56x128xf32, #tpu.memory_space<vmem>>
    tpu.wait_dma2 semaphore(%arg14 : memref<!tpu.dma_semaphore, #tpu.memory_space<semaphore_mem>>) src(%dma_wait3A_175 : memref<56x128xf32, #tpu.memory_space<vmem>>) dst(%dma_wait3A_172 : memref<56x128xf32, #tpu.memory_space<vmem_shared>>)
    %barrier3A = arith.constant 0 : index
    tpu.barrier barrier_id(%barrier3A)
    %scan3A_176 = arith.constant 0 : i32
    %scan3A_177 = arith.constant 0 : i32
    %scan3A_178 = arith.constant 4 : i32
    %scan3A_179 = arith.addi %scan3A_177, %scan3A_178 : i32
    %scan3A_180 = arith.constant 1 : i32
    scf.for %scan3A_187 = %scan3A_177 to %scan3A_179 step %scan3A_180  : i32 {
      %mul3A_188 = arith.constant 160 : i32
      %mul3A_189 = arith.muli %add3A, %mul3A_188 : i32
      %mul3A_190 = arith.constant 40 : i32
      %mul3A_191 = arith.muli %scan3A_187, %mul3A_190 : i32
      %add3A_192 = arith.addi %mul3A_189, %mul3A_191 : i32
      %multiple_of3A = tpu.assume_multiple %add3A_192, 8 : i32
      %dma_start3A_193 = arith.constant 0 : i32
      %dma_start3A_194 = tpu.memref_slice %arg3[%multiple_of3A, %dma_start3A_193] : memref<5120x64xi32, #tpu.memory_space<hbm>> -> memref<40x64xi32, #tpu.memory_space<hbm>>
      %dma_start3A_195 = arith.constant 0 : i32
      %dma_start3A_196 = tpu.memref_slice %arg3[%multiple_of3A, %dma_start3A_195] : memref<5120x64xi32, #tpu.memory_space<hbm>> -> memref<40x64xi32, #tpu.memory_space<hbm>>
      tpu.enqueue_dma source(%dma_start3A_196 : memref<40x64xi32, #tpu.memory_space<hbm>>) target(%arg6 : memref<40x64xi32, #tpu.memory_space<vmem>>) target_semaphore(%arg13 : memref<!tpu.dma_semaphore, #tpu.memory_space<semaphore_mem>>)
      %dma_start3A_197 = arith.constant 0 : i32
      %dma_start3A_198 = tpu.memref_slice %arg4[%multiple_of3A, %dma_start3A_197] : memref<5120x64xi32, #tpu.memory_space<hbm>> -> memref<40x64xi32, #tpu.memory_space<hbm>>
      %dma_start3A_199 = arith.constant 0 : i32
      %dma_start3A_200 = tpu.memref_slice %arg4[%multiple_of3A, %dma_start3A_199] : memref<5120x64xi32, #tpu.memory_space<hbm>> -> memref<40x64xi32, #tpu.memory_space<hbm>>
      tpu.enqueue_dma source(%dma_start3A_200 : memref<40x64xi32, #tpu.memory_space<hbm>>) target(%arg7 : memref<40x64xi32, #tpu.memory_space<vmem>>) target_semaphore(%arg14 : memref<!tpu.dma_semaphore, #tpu.memory_space<semaphore_mem>>)
      %dma_wait3A_201 = arith.constant 0 : i32
      %dma_wait3A_202 = tpu.memref_slice %arg3[%multiple_of3A, %dma_wait3A_201] : memref<5120x64xi32, #tpu.memory_space<hbm>> -> memref<40x64xi32, #tpu.memory_space<hbm>>
      %dma_wait3A_203 = arith.constant 0 : i32
      %dma_wait3A_204 = tpu.memref_slice %arg3[%multiple_of3A, %dma_wait3A_203] : memref<5120x64xi32, #tpu.memory_space<hbm>> -> memref<40x64xi32, #tpu.memory_space<hbm>>
      tpu.wait_dma2 semaphore(%arg13 : memref<!tpu.dma_semaphore, #tpu.memory_space<semaphore_mem>>) src(%dma_wait3A_204 : memref<40x64xi32, #tpu.memory_space<hbm>>) dst(%arg6 : memref<40x64xi32, #tpu.memory_space<vmem>>)
      %dma_wait3A_205 = arith.constant 0 : i32
      %dma_wait3A_206 = tpu.memref_slice %arg4[%multiple_of3A, %dma_wait3A_205] : memref<5120x64xi32, #tpu.memory_space<hbm>> -> memref<40x64xi32, #tpu.memory_space<hbm>>
      %dma_wait3A_207 = arith.constant 0 : i32
      %dma_wait3A_208 = tpu.memref_slice %arg4[%multiple_of3A, %dma_wait3A_207] : memref<5120x64xi32, #tpu.memory_space<hbm>> -> memref<40x64xi32, #tpu.memory_space<hbm>>
      tpu.wait_dma2 semaphore(%arg14 : memref<!tpu.dma_semaphore, #tpu.memory_space<semaphore_mem>>) src(%dma_wait3A_208 : memref<40x64xi32, #tpu.memory_space<hbm>>) dst(%arg7 : memref<40x64xi32, #tpu.memory_space<vmem>>)
      %dma_start3A_209 = arith.constant 0 : i32
      %dma_start3A_210 = arith.constant 0 : i32
      %dma_start3A_211 = tpu.memref_slice %arg6[%dma_start3A_209, %dma_start3A_210] : memref<40x64xi32, #tpu.memory_space<vmem>> -> memref<1x64xi32, #tpu.memory_space<vmem>>
      %dma_start3A_212 = tpu.memref_squeeze %dma_start3A_211 : memref<1x64xi32, #tpu.memory_space<vmem>> -> memref<64xi32, #tpu.memory_space<vmem>>
      %dma_start3A_213 = arith.constant 0 : i32
      %dma_start3A_214 = arith.constant 0 : i32
      %dma_start3A_215 = tpu.memref_slice %arg2[%dma_start3A_213, %dma_start3A_214] : memref<10000x128xf32, #tpu.memory_space<hbm>> -> memref<10000x128xf32, #tpu.memory_space<hbm>>
      tpu.enqueue_indirect_dma source(%dma_start3A_215 : memref<10000x128xf32, #tpu.memory_space<hbm>>) target(%arg8 : memref<64x128xf32, #tpu.memory_space<vmem>>) offsets(%dma_start3A_212 : memref<64xi32, #tpu.memory_space<vmem>>) semaphore(%arg13 : memref<!tpu.dma_semaphore, #tpu.memory_space<semaphore_mem>>)
      %dma_start3A_216 = arith.constant 1 : i32
      %dma_start3A_217 = arith.constant 0 : i32
      %dma_start3A_218 = tpu.memref_slice %arg6[%dma_start3A_216, %dma_start3A_217] : memref<40x64xi32, #tpu.memory_space<vmem>> -> memref<1x64xi32, #tpu.memory_space<vmem>>
      %dma_start3A_219 = tpu.memref_squeeze %dma_start3A_218 : memref<1x64xi32, #tpu.memory_space<vmem>> -> memref<64xi32, #tpu.memory_space<vmem>>
      %dma_start3A_220 = arith.constant 0 : i32
      %dma_start3A_221 = arith.constant 0 : i32
      %dma_start3A_222 = tpu.memref_slice %arg2[%dma_start3A_220, %dma_start3A_221] : memref<10000x128xf32, #tpu.memory_space<hbm>> -> memref<10000x128xf32, #tpu.memory_space<hbm>>
      tpu.enqueue_indirect_dma source(%dma_start3A_222 : memref<10000x128xf32, #tpu.memory_space<hbm>>) target(%arg9 : memref<64x128xf32, #tpu.memory_space<vmem>>) offsets(%dma_start3A_219 : memref<64xi32, #tpu.memory_space<vmem>>) semaphore(%arg14 : memref<!tpu.dma_semaphore, #tpu.memory_space<semaphore_mem>>)
      %dma_start3A_223 = arith.constant 2 : i32
      %dma_start3A_224 = arith.constant 0 : i32
      %dma_start3A_225 = tpu.memref_slice %arg6[%dma_start3A_223, %dma_start3A_224] : memref<40x64xi32, #tpu.memory_space<vmem>> -> memref<1x64xi32, #tpu.memory_space<vmem>>
      %dma_start3A_226 = tpu.memref_squeeze %dma_start3A_225 : memref<1x64xi32, #tpu.memory_space<vmem>> -> memref<64xi32, #tpu.memory_space<vmem>>
      %dma_start3A_227 = arith.constant 0 : i32
      %dma_start3A_228 = arith.constant 0 : i32
      %dma_start3A_229 = tpu.memref_slice %arg2[%dma_start3A_227, %dma_start3A_228] : memref<10000x128xf32, #tpu.memory_space<hbm>> -> memref<10000x128xf32, #tpu.memory_space<hbm>>
      tpu.enqueue_indirect_dma source(%dma_start3A_229 : memref<10000x128xf32, #tpu.memory_space<hbm>>) target(%arg10 : memref<64x128xf32, #tpu.memory_space<vmem>>) offsets(%dma_start3A_226 : memref<64xi32, #tpu.memory_space<vmem>>) semaphore(%arg15 : memref<!tpu.dma_semaphore, #tpu.memory_space<semaphore_mem>>)
      %dma_start3A_230 = arith.constant 3 : i32
      %dma_start3A_231 = arith.constant 0 : i32
      %dma_start3A_232 = tpu.memref_slice %arg6[%dma_start3A_230, %dma_start3A_231] : memref<40x64xi32, #tpu.memory_space<vmem>> -> memref<1x64xi32, #tpu.memory_space<vmem>>
      %dma_start3A_233 = tpu.memref_squeeze %dma_start3A_232 : memref<1x64xi32, #tpu.memory_space<vmem>> -> memref<64xi32, #tpu.memory_space<vmem>>
      %dma_start3A_234 = arith.constant 0 : i32
      %dma_start3A_235 = arith.constant 0 : i32
      %dma_start3A_236 = tpu.memref_slice %arg2[%dma_start3A_234, %dma_start3A_235] : memref<10000x128xf32, #tpu.memory_space<hbm>> -> memref<10000x128xf32, #tpu.memory_space<hbm>>
      tpu.enqueue_indirect_dma source(%dma_start3A_236 : memref<10000x128xf32, #tpu.memory_space<hbm>>) target(%arg11 : memref<64x128xf32, #tpu.memory_space<vmem>>) offsets(%dma_start3A_233 : memref<64xi32, #tpu.memory_space<vmem>>) semaphore(%arg16 : memref<!tpu.dma_semaphore, #tpu.memory_space<semaphore_mem>>)
      %scan3A_237 = arith.constant 0 : i32
      %scan3A_238 = arith.constant 0 : i32
      %scan3A_239 = arith.constant 10 : i32
      %scan3A_240 = arith.addi %scan3A_238, %scan3A_239 : i32
      %scan3A_241 = arith.constant 1 : i32
      scf.for %scan3A_243 = %scan3A_238 to %scan3A_240 step %scan3A_241  : i32 {
        %mul3A_244 = arith.constant 4 : i32
        %mul3A_245 = arith.muli %scan3A_243, %mul3A_244 : i32
        %add3A_246 = arith.constant 0 : i32
        %add3A_247 = arith.addi %mul3A_245, %add3A_246 : i32
        %dma_wait3A_248 = arith.constant 0 : i32
        %dma_wait3A_249 = tpu.memref_slice %arg6[%add3A_247, %dma_wait3A_248] : memref<40x64xi32, #tpu.memory_space<vmem>> -> memref<1x64xi32, #tpu.memory_space<vmem>>
        %dma_wait3A_250 = tpu.memref_squeeze %dma_wait3A_249 : memref<1x64xi32, #tpu.memory_space<vmem>> -> memref<64xi32, #tpu.memory_space<vmem>>
        %dma_wait3A_251 = arith.constant 0 : i32
        %dma_wait3A_252 = arith.constant 0 : i32
        %dma_wait3A_253 = tpu.memref_slice %arg2[%dma_wait3A_251, %dma_wait3A_252] : memref<10000x128xf32, #tpu.memory_space<hbm>> -> memref<10000x128xf32, #tpu.memory_space<hbm>>
        tpu.wait_indirect_dma semaphore(%arg13 : memref<!tpu.dma_semaphore, #tpu.memory_space<semaphore_mem>>) src(%dma_wait3A_253 : memref<10000x128xf32, #tpu.memory_space<hbm>>) dst(%arg8 : memref<64x128xf32, #tpu.memory_space<vmem>>)
        "tpu.region"() ({
          %run_scoped3A = tpu.sem_alloc : memref<!tpu.dma_semaphore, #tpu.memory_space<semaphore_mem>>
          %dma_start3A_303 = arith.constant 0 : i32
          %dma_start3A_304 = tpu.memref_slice %arg7[%add3A_247, %dma_start3A_303] : memref<40x64xi32, #tpu.memory_space<vmem>> -> memref<1x64xi32, #tpu.memory_space<vmem>>
          %dma_start3A_305 = tpu.memref_squeeze %dma_start3A_304 : memref<1x64xi32, #tpu.memory_space<vmem>> -> memref<64xi32, #tpu.memory_space<vmem>>
          %dma_start3A_306 = arith.constant 0 : i32
          %dma_start3A_307 = arith.constant 0 : i32
          %dma_start3A_308 = tpu.memref_slice %arg12[%dma_start3A_306, %dma_start3A_307] : memref<10112x128xf32, #tpu.memory_space<vmem_shared>> -> memref<10112x128xf32, #tpu.memory_space<vmem_shared>>
          tpu.enqueue_indirect_dma source(%arg8 : memref<64x128xf32, #tpu.memory_space<vmem>>) target(%dma_start3A_308 : memref<10112x128xf32, #tpu.memory_space<vmem_shared>>) offsets(%dma_start3A_305 : memref<64xi32, #tpu.memory_space<vmem>>) semaphore(%run_scoped3A : memref<!tpu.dma_semaphore, #tpu.memory_space<semaphore_mem>>) {add = true}
          %dma_wait3A_309 = arith.constant 0 : i32
          %dma_wait3A_310 = tpu.memref_slice %arg7[%add3A_247, %dma_wait3A_309] : memref<40x64xi32, #tpu.memory_space<vmem>> -> memref<1x64xi32, #tpu.memory_space<vmem>>
          %dma_wait3A_311 = tpu.memref_squeeze %dma_wait3A_310 : memref<1x64xi32, #tpu.memory_space<vmem>> -> memref<64xi32, #tpu.memory_space<vmem>>
          %dma_wait3A_312 = arith.constant 0 : i32
          %dma_wait3A_313 = arith.constant 0 : i32
          %dma_wait3A_314 = tpu.memref_slice %arg12[%dma_wait3A_312, %dma_wait3A_313] : memref<10112x128xf32, #tpu.memory_space<vmem_shared>> -> memref<10112x128xf32, #tpu.memory_space<vmem_shared>>
          tpu.wait_indirect_dma semaphore(%run_scoped3A : memref<!tpu.dma_semaphore, #tpu.memory_space<semaphore_mem>>) src(%arg8 : memref<64x128xf32, #tpu.memory_space<vmem>>) dst(%dma_wait3A_314 : memref<10112x128xf32, #tpu.memory_space<vmem_shared>>)
          tpu.yield
        }) : () -> ()
        %add3A_254 = arith.constant 4 : i32
        %add3A_255 = arith.addi %add3A_247, %add3A_254 : i32
        %lt3A = arith.constant 40 : i32
        %lt3A_256 = arith.cmpi slt, %add3A_255, %lt3A : i32
        %convert_element_type3A = arith.extui %lt3A_256 : i1 to i32
        %cond3A = arith.constant 0 : i32
        %cond3A_257 = arith.cmpi ne, %convert_element_type3A, %cond3A : i32
        scf.if %cond3A_257 {
          %add3A_303 = arith.constant 4 : i32
          %add3A_304 = arith.addi %add3A_247, %add3A_303 : i32
          %dma_start3A_305 = arith.constant 0 : i32
          %dma_start3A_306 = tpu.memref_slice %arg6[%add3A_304, %dma_start3A_305] : memref<40x64xi32, #tpu.memory_space<vmem>> -> memref<1x64xi32, #tpu.memory_space<vmem>>
          %dma_start3A_307 = tpu.memref_squeeze %dma_start3A_306 : memref<1x64xi32, #tpu.memory_space<vmem>> -> memref<64xi32, #tpu.memory_space<vmem>>
          %dma_start3A_308 = arith.constant 0 : i32
          %dma_start3A_309 = arith.constant 0 : i32
          %dma_start3A_310 = tpu.memref_slice %arg2[%dma_start3A_308, %dma_start3A_309] : memref<10000x128xf32, #tpu.memory_space<hbm>> -> memref<10000x128xf32, #tpu.memory_space<hbm>>
          tpu.enqueue_indirect_dma source(%dma_start3A_310 : memref<10000x128xf32, #tpu.memory_space<hbm>>) target(%arg8 : memref<64x128xf32, #tpu.memory_space<vmem>>) offsets(%dma_start3A_307 : memref<64xi32, #tpu.memory_space<vmem>>) semaphore(%arg13 : memref<!tpu.dma_semaphore, #tpu.memory_space<semaphore_mem>>)
        } else {
        }
        %add3A_258 = arith.constant 1 : i32
        %add3A_259 = arith.addi %mul3A_245, %add3A_258 : i32
        %dma_wait3A_260 = arith.constant 0 : i32
        %dma_wait3A_261 = tpu.memref_slice %arg6[%add3A_259, %dma_wait3A_260] : memref<40x64xi32, #tpu.memory_space<vmem>> -> memref<1x64xi32, #tpu.memory_space<vmem>>
        %dma_wait3A_262 = tpu.memref_squeeze %dma_wait3A_261 : memref<1x64xi32, #tpu.memory_space<vmem>> -> memref<64xi32, #tpu.memory_space<vmem>>
        %dma_wait3A_263 = arith.constant 0 : i32
        %dma_wait3A_264 = arith.constant 0 : i32
        %dma_wait3A_265 = tpu.memref_slice %arg2[%dma_wait3A_263, %dma_wait3A_264] : memref<10000x128xf32, #tpu.memory_space<hbm>> -> memref<10000x128xf32, #tpu.memory_space<hbm>>
        tpu.wait_indirect_dma semaphore(%arg14 : memref<!tpu.dma_semaphore, #tpu.memory_space<semaphore_mem>>) src(%dma_wait3A_265 : memref<10000x128xf32, #tpu.memory_space<hbm>>) dst(%arg9 : memref<64x128xf32, #tpu.memory_space<vmem>>)
        "tpu.region"() ({
          %run_scoped3A = tpu.sem_alloc : memref<!tpu.dma_semaphore, #tpu.memory_space<semaphore_mem>>
          %dma_start3A_303 = arith.constant 0 : i32
          %dma_start3A_304 = tpu.memref_slice %arg7[%add3A_259, %dma_start3A_303] : memref<40x64xi32, #tpu.memory_space<vmem>> -> memref<1x64xi32, #tpu.memory_space<vmem>>
          %dma_start3A_305 = tpu.memref_squeeze %dma_start3A_304 : memref<1x64xi32, #tpu.memory_space<vmem>> -> memref<64xi32, #tpu.memory_space<vmem>>
          %dma_start3A_306 = arith.constant 0 : i32
          %dma_start3A_307 = arith.constant 0 : i32
          %dma_start3A_308 = tpu.memref_slice %arg12[%dma_start3A_306, %dma_start3A_307] : memref<10112x128xf32, #tpu.memory_space<vmem_shared>> -> memref<10112x128xf32, #tpu.memory_space<vmem_shared>>
          tpu.enqueue_indirect_dma source(%arg9 : memref<64x128xf32, #tpu.memory_space<vmem>>) target(%dma_start3A_308 : memref<10112x128xf32, #tpu.memory_space<vmem_shared>>) offsets(%dma_start3A_305 : memref<64xi32, #tpu.memory_space<vmem>>) semaphore(%run_scoped3A : memref<!tpu.dma_semaphore, #tpu.memory_space<semaphore_mem>>) {add = true}
          %dma_wait3A_309 = arith.constant 0 : i32
          %dma_wait3A_310 = tpu.memref_slice %arg7[%add3A_259, %dma_wait3A_309] : memref<40x64xi32, #tpu.memory_space<vmem>> -> memref<1x64xi32, #tpu.memory_space<vmem>>
          %dma_wait3A_311 = tpu.memref_squeeze %dma_wait3A_310 : memref<1x64xi32, #tpu.memory_space<vmem>> -> memref<64xi32, #tpu.memory_space<vmem>>
          %dma_wait3A_312 = arith.constant 0 : i32
          %dma_wait3A_313 = arith.constant 0 : i32
          %dma_wait3A_314 = tpu.memref_slice %arg12[%dma_wait3A_312, %dma_wait3A_313] : memref<10112x128xf32, #tpu.memory_space<vmem_shared>> -> memref<10112x128xf32, #tpu.memory_space<vmem_shared>>
          tpu.wait_indirect_dma semaphore(%run_scoped3A : memref<!tpu.dma_semaphore, #tpu.memory_space<semaphore_mem>>) src(%arg9 : memref<64x128xf32, #tpu.memory_space<vmem>>) dst(%dma_wait3A_314 : memref<10112x128xf32, #tpu.memory_space<vmem_shared>>)
          tpu.yield
        }) : () -> ()
        %add3A_266 = arith.constant 4 : i32
        %add3A_267 = arith.addi %add3A_259, %add3A_266 : i32
        %lt3A_268 = arith.constant 40 : i32
        %lt3A_269 = arith.cmpi slt, %add3A_267, %lt3A_268 : i32
        %convert_element_type3A_270 = arith.extui %lt3A_269 : i1 to i32
        %cond3A_271 = arith.constant 0 : i32
        %cond3A_272 = arith.cmpi ne, %convert_element_type3A_270, %cond3A_271 : i32
        scf.if %cond3A_272 {
          %add3A_303 = arith.constant 4 : i32
          %add3A_304 = arith.addi %add3A_259, %add3A_303 : i32
          %dma_start3A_305 = arith.constant 0 : i32
          %dma_start3A_306 = tpu.memref_slice %arg6[%add3A_304, %dma_start3A_305] : memref<40x64xi32, #tpu.memory_space<vmem>> -> memref<1x64xi32, #tpu.memory_space<vmem>>
          %dma_start3A_307 = tpu.memref_squeeze %dma_start3A_306 : memref<1x64xi32, #tpu.memory_space<vmem>> -> memref<64xi32, #tpu.memory_space<vmem>>
          %dma_start3A_308 = arith.constant 0 : i32
          %dma_start3A_309 = arith.constant 0 : i32
          %dma_start3A_310 = tpu.memref_slice %arg2[%dma_start3A_308, %dma_start3A_309] : memref<10000x128xf32, #tpu.memory_space<hbm>> -> memref<10000x128xf32, #tpu.memory_space<hbm>>
          tpu.enqueue_indirect_dma source(%dma_start3A_310 : memref<10000x128xf32, #tpu.memory_space<hbm>>) target(%arg9 : memref<64x128xf32, #tpu.memory_space<vmem>>) offsets(%dma_start3A_307 : memref<64xi32, #tpu.memory_space<vmem>>) semaphore(%arg14 : memref<!tpu.dma_semaphore, #tpu.memory_space<semaphore_mem>>)
        } else {
        }
        %add3A_273 = arith.constant 2 : i32
        %add3A_274 = arith.addi %mul3A_245, %add3A_273 : i32
        %dma_wait3A_275 = arith.constant 0 : i32
        %dma_wait3A_276 = tpu.memref_slice %arg6[%add3A_274, %dma_wait3A_275] : memref<40x64xi32, #tpu.memory_space<vmem>> -> memref<1x64xi32, #tpu.memory_space<vmem>>
        %dma_wait3A_277 = tpu.memref_squeeze %dma_wait3A_276 : memref<1x64xi32, #tpu.memory_space<vmem>> -> memref<64xi32, #tpu.memory_space<vmem>>
        %dma_wait3A_278 = arith.constant 0 : i32
        %dma_wait3A_279 = arith.constant 0 : i32
        %dma_wait3A_280 = tpu.memref_slice %arg2[%dma_wait3A_278, %dma_wait3A_279] : memref<10000x128xf32, #tpu.memory_space<hbm>> -> memref<10000x128xf32, #tpu.memory_space<hbm>>
        tpu.wait_indirect_dma semaphore(%arg15 : memref<!tpu.dma_semaphore, #tpu.memory_space<semaphore_mem>>) src(%dma_wait3A_280 : memref<10000x128xf32, #tpu.memory_space<hbm>>) dst(%arg10 : memref<64x128xf32, #tpu.memory_space<vmem>>)
        "tpu.region"() ({
          %run_scoped3A = tpu.sem_alloc : memref<!tpu.dma_semaphore, #tpu.memory_space<semaphore_mem>>
          %dma_start3A_303 = arith.constant 0 : i32
          %dma_start3A_304 = tpu.memref_slice %arg7[%add3A_274, %dma_start3A_303] : memref<40x64xi32, #tpu.memory_space<vmem>> -> memref<1x64xi32, #tpu.memory_space<vmem>>
          %dma_start3A_305 = tpu.memref_squeeze %dma_start3A_304 : memref<1x64xi32, #tpu.memory_space<vmem>> -> memref<64xi32, #tpu.memory_space<vmem>>
          %dma_start3A_306 = arith.constant 0 : i32
          %dma_start3A_307 = arith.constant 0 : i32
          %dma_start3A_308 = tpu.memref_slice %arg12[%dma_start3A_306, %dma_start3A_307] : memref<10112x128xf32, #tpu.memory_space<vmem_shared>> -> memref<10112x128xf32, #tpu.memory_space<vmem_shared>>
          tpu.enqueue_indirect_dma source(%arg10 : memref<64x128xf32, #tpu.memory_space<vmem>>) target(%dma_start3A_308 : memref<10112x128xf32, #tpu.memory_space<vmem_shared>>) offsets(%dma_start3A_305 : memref<64xi32, #tpu.memory_space<vmem>>) semaphore(%run_scoped3A : memref<!tpu.dma_semaphore, #tpu.memory_space<semaphore_mem>>) {add = true}
          %dma_wait3A_309 = arith.constant 0 : i32
          %dma_wait3A_310 = tpu.memref_slice %arg7[%add3A_274, %dma_wait3A_309] : memref<40x64xi32, #tpu.memory_space<vmem>> -> memref<1x64xi32, #tpu.memory_space<vmem>>
          %dma_wait3A_311 = tpu.memref_squeeze %dma_wait3A_310 : memref<1x64xi32, #tpu.memory_space<vmem>> -> memref<64xi32, #tpu.memory_space<vmem>>
          %dma_wait3A_312 = arith.constant 0 : i32
          %dma_wait3A_313 = arith.constant 0 : i32
          %dma_wait3A_314 = tpu.memref_slice %arg12[%dma_wait3A_312, %dma_wait3A_313] : memref<10112x128xf32, #tpu.memory_space<vmem_shared>> -> memref<10112x128xf32, #tpu.memory_space<vmem_shared>>
          tpu.wait_indirect_dma semaphore(%run_scoped3A : memref<!tpu.dma_semaphore, #tpu.memory_space<semaphore_mem>>) src(%arg10 : memref<64x128xf32, #tpu.memory_space<vmem>>) dst(%dma_wait3A_314 : memref<10112x128xf32, #tpu.memory_space<vmem_shared>>)
          tpu.yield
        }) : () -> ()
        %add3A_281 = arith.constant 4 : i32
        %add3A_282 = arith.addi %add3A_274, %add3A_281 : i32
        %lt3A_283 = arith.constant 40 : i32
        %lt3A_284 = arith.cmpi slt, %add3A_282, %lt3A_283 : i32
        %convert_element_type3A_285 = arith.extui %lt3A_284 : i1 to i32
        %cond3A_286 = arith.constant 0 : i32
        %cond3A_287 = arith.cmpi ne, %convert_element_type3A_285, %cond3A_286 : i32
        scf.if %cond3A_287 {
          %add3A_303 = arith.constant 4 : i32
          %add3A_304 = arith.addi %add3A_274, %add3A_303 : i32
          %dma_start3A_305 = arith.constant 0 : i32
          %dma_start3A_306 = tpu.memref_slice %arg6[%add3A_304, %dma_start3A_305] : memref<40x64xi32, #tpu.memory_space<vmem>> -> memref<1x64xi32, #tpu.memory_space<vmem>>
          %dma_start3A_307 = tpu.memref_squeeze %dma_start3A_306 : memref<1x64xi32, #tpu.memory_space<vmem>> -> memref<64xi32, #tpu.memory_space<vmem>>
          %dma_start3A_308 = arith.constant 0 : i32
          %dma_start3A_309 = arith.constant 0 : i32
          %dma_start3A_310 = tpu.memref_slice %arg2[%dma_start3A_308, %dma_start3A_309] : memref<10000x128xf32, #tpu.memory_space<hbm>> -> memref<10000x128xf32, #tpu.memory_space<hbm>>
          tpu.enqueue_indirect_dma source(%dma_start3A_310 : memref<10000x128xf32, #tpu.memory_space<hbm>>) target(%arg10 : memref<64x128xf32, #tpu.memory_space<vmem>>) offsets(%dma_start3A_307 : memref<64xi32, #tpu.memory_space<vmem>>) semaphore(%arg15 : memref<!tpu.dma_semaphore, #tpu.memory_space<semaphore_mem>>)
        } else {
        }
        %add3A_288 = arith.constant 3 : i32
        %add3A_289 = arith.addi %mul3A_245, %add3A_288 : i32
        %dma_wait3A_290 = arith.constant 0 : i32
        %dma_wait3A_291 = tpu.memref_slice %arg6[%add3A_289, %dma_wait3A_290] : memref<40x64xi32, #tpu.memory_space<vmem>> -> memref<1x64xi32, #tpu.memory_space<vmem>>
        %dma_wait3A_292 = tpu.memref_squeeze %dma_wait3A_291 : memref<1x64xi32, #tpu.memory_space<vmem>> -> memref<64xi32, #tpu.memory_space<vmem>>
        %dma_wait3A_293 = arith.constant 0 : i32
        %dma_wait3A_294 = arith.constant 0 : i32
        %dma_wait3A_295 = tpu.memref_slice %arg2[%dma_wait3A_293, %dma_wait3A_294] : memref<10000x128xf32, #tpu.memory_space<hbm>> -> memref<10000x128xf32, #tpu.memory_space<hbm>>
        tpu.wait_indirect_dma semaphore(%arg16 : memref<!tpu.dma_semaphore, #tpu.memory_space<semaphore_mem>>) src(%dma_wait3A_295 : memref<10000x128xf32, #tpu.memory_space<hbm>>) dst(%arg11 : memref<64x128xf32, #tpu.memory_space<vmem>>)
        "tpu.region"() ({
          %run_scoped3A = tpu.sem_alloc : memref<!tpu.dma_semaphore, #tpu.memory_space<semaphore_mem>>
          %dma_start3A_303 = arith.constant 0 : i32
          %dma_start3A_304 = tpu.memref_slice %arg7[%add3A_289, %dma_start3A_303] : memref<40x64xi32, #tpu.memory_space<vmem>> -> memref<1x64xi32, #tpu.memory_space<vmem>>
          %dma_start3A_305 = tpu.memref_squeeze %dma_start3A_304 : memref<1x64xi32, #tpu.memory_space<vmem>> -> memref<64xi32, #tpu.memory_space<vmem>>
          %dma_start3A_306 = arith.constant 0 : i32
          %dma_start3A_307 = arith.constant 0 : i32
          %dma_start3A_308 = tpu.memref_slice %arg12[%dma_start3A_306, %dma_start3A_307] : memref<10112x128xf32, #tpu.memory_space<vmem_shared>> -> memref<10112x128xf32, #tpu.memory_space<vmem_shared>>
          tpu.enqueue_indirect_dma source(%arg11 : memref<64x128xf32, #tpu.memory_space<vmem>>) target(%dma_start3A_308 : memref<10112x128xf32, #tpu.memory_space<vmem_shared>>) offsets(%dma_start3A_305 : memref<64xi32, #tpu.memory_space<vmem>>) semaphore(%run_scoped3A : memref<!tpu.dma_semaphore, #tpu.memory_space<semaphore_mem>>) {add = true}
          %dma_wait3A_309 = arith.constant 0 : i32
          %dma_wait3A_310 = tpu.memref_slice %arg7[%add3A_289, %dma_wait3A_309] : memref<40x64xi32, #tpu.memory_space<vmem>> -> memref<1x64xi32, #tpu.memory_space<vmem>>
          %dma_wait3A_311 = tpu.memref_squeeze %dma_wait3A_310 : memref<1x64xi32, #tpu.memory_space<vmem>> -> memref<64xi32, #tpu.memory_space<vmem>>
          %dma_wait3A_312 = arith.constant 0 : i32
          %dma_wait3A_313 = arith.constant 0 : i32
          %dma_wait3A_314 = tpu.memref_slice %arg12[%dma_wait3A_312, %dma_wait3A_313] : memref<10112x128xf32, #tpu.memory_space<vmem_shared>> -> memref<10112x128xf32, #tpu.memory_space<vmem_shared>>
          tpu.wait_indirect_dma semaphore(%run_scoped3A : memref<!tpu.dma_semaphore, #tpu.memory_space<semaphore_mem>>) src(%arg11 : memref<64x128xf32, #tpu.memory_space<vmem>>) dst(%dma_wait3A_314 : memref<10112x128xf32, #tpu.memory_space<vmem_shared>>)
          tpu.yield
        }) : () -> ()
        %add3A_296 = arith.constant 4 : i32
        %add3A_297 = arith.addi %add3A_289, %add3A_296 : i32
        %lt3A_298 = arith.constant 40 : i32
        %lt3A_299 = arith.cmpi slt, %add3A_297, %lt3A_298 : i32
        %convert_element_type3A_300 = arith.extui %lt3A_299 : i1 to i32
        %cond3A_301 = arith.constant 0 : i32
        %cond3A_302 = arith.cmpi ne, %convert_element_type3A_300, %cond3A_301 : i32
        scf.if %cond3A_302 {
          %add3A_303 = arith.constant 4 : i32
          %add3A_304 = arith.addi %add3A_289, %add3A_303 : i32
          %dma_start3A_305 = arith.constant 0 : i32
          %dma_start3A_306 = tpu.memref_slice %arg6[%add3A_304, %dma_start3A_305] : memref<40x64xi32, #tpu.memory_space<vmem>> -> memref<1x64xi32, #tpu.memory_space<vmem>>
          %dma_start3A_307 = tpu.memref_squeeze %dma_start3A_306 : memref<1x64xi32, #tpu.memory_space<vmem>> -> memref<64xi32, #tpu.memory_space<vmem>>
          %dma_start3A_308 = arith.constant 0 : i32
          %dma_start3A_309 = arith.constant 0 : i32
          %dma_start3A_310 = tpu.memref_slice %arg2[%dma_start3A_308, %dma_start3A_309] : memref<10000x128xf32, #tpu.memory_space<hbm>> -> memref<10000x128xf32, #tpu.memory_space<hbm>>
          tpu.enqueue_indirect_dma source(%dma_start3A_310 : memref<10000x128xf32, #tpu.memory_space<hbm>>) target(%arg11 : memref<64x128xf32, #tpu.memory_space<vmem>>) offsets(%dma_start3A_307 : memref<64xi32, #tpu.memory_space<vmem>>) semaphore(%arg16 : memref<!tpu.dma_semaphore, #tpu.memory_space<semaphore_mem>>)
        } else {
        }
      }
      %scan3A_242 = arith.constant 10 : i32
    }
    %scan3A_181 = arith.constant 4 : i32
    %barrier3A_182 = arith.constant 0 : index
    tpu.barrier barrier_id(%barrier3A_182)
    %mul3A_183 = arith.constant 632 : i32
    %mul3A_184 = arith.muli %arg1, %mul3A_183 : i32
    %mul3A_185 = arith.constant 632 : i32
    %mul3A_186 = arith.muli %arg1, %mul3A_185 : i32
    "tpu.region"() ({
      %run_scoped3A = tpu.sem_alloc : memref<!tpu.dma_semaphore, #tpu.memory_space<semaphore_mem>>
      %dma_start3A_187 = arith.constant 0 : i32
      %dma_start3A_188 = tpu.memref_slice %arg5[%arg0, %mul3A_186, %dma_start3A_187] : memref<2x10112x128xf32, #tpu.memory_space<hbm>> -> memref<1x632x128xf32, #tpu.memory_space<hbm>>
      %dma_start3A_189 = tpu.memref_squeeze %dma_start3A_188 : memref<1x632x128xf32, #tpu.memory_space<hbm>> -> memref<632x128xf32, #tpu.memory_space<hbm>>
      %dma_start3A_190 = arith.constant 0 : i32
      %dma_start3A_191 = tpu.memref_slice %arg12[%mul3A_184, %dma_start3A_190] : memref<10112x128xf32, #tpu.memory_space<vmem_shared>> -> memref<632x128xf32, #tpu.memory_space<vmem_shared>>
      tpu.enqueue_dma source(%dma_start3A_191 : memref<632x128xf32, #tpu.memory_space<vmem_shared>>) target(%dma_start3A_189 : memref<632x128xf32, #tpu.memory_space<hbm>>) target_semaphore(%run_scoped3A : memref<!tpu.dma_semaphore, #tpu.memory_space<semaphore_mem>>)
      %dma_wait3A_192 = arith.constant 0 : i32
      %dma_wait3A_193 = tpu.memref_slice %arg5[%arg0, %mul3A_186, %dma_wait3A_192] : memref<2x10112x128xf32, #tpu.memory_space<hbm>> -> memref<1x632x128xf32, #tpu.memory_space<hbm>>
      %dma_wait3A_194 = tpu.memref_squeeze %dma_wait3A_193 : memref<1x632x128xf32, #tpu.memory_space<hbm>> -> memref<632x128xf32, #tpu.memory_space<hbm>>
      %dma_wait3A_195 = arith.constant 0 : i32
      %dma_wait3A_196 = tpu.memref_slice %arg12[%mul3A_184, %dma_wait3A_195] : memref<10112x128xf32, #tpu.memory_space<vmem_shared>> -> memref<632x128xf32, #tpu.memory_space<vmem_shared>>
      tpu.wait_dma2 semaphore(%run_scoped3A : memref<!tpu.dma_semaphore, #tpu.memory_space<semaphore_mem>>) src(%dma_wait3A_196 : memref<632x128xf32, #tpu.memory_space<vmem_shared>>) dst(%dma_wait3A_194 : memref<632x128xf32, #tpu.memory_space<hbm>>)
      tpu.yield
    }) : () -> ()
    return
  }
}

#map = affine_map<(d0, d1) -> (0, 0)>
#map1 = affine_map<(d0, d1) -> (0)>
module attributes {stable_mosaic.version = 14 : i64} {
  func.func @_deg_body(%arg0: i32, %arg1: i32, %arg2: memref<2560x128xi32, #tpu.memory_space<hbm>>, %arg3: memref<20480xf32, #tpu.memory_space<hbm>>, %arg4: memref<80x128xi32, #tpu.memory_space<vmem>>, %arg5: memref<128xf32, #tpu.memory_space<vmem>>, %arg6: memref<640xf32, #tpu.memory_space<vmem>>, %arg7: memref<10240xf32, #tpu.memory_space<vmem_shared>>, %arg8: memref<!tpu.dma_semaphore, #tpu.memory_space<semaphore_mem>>) attributes {dimension_semantics = [#tpu.dimension_semantics<core_parallel>, #tpu.dimension_semantics<subcore_parallel>], iteration_bounds = array<i64: 2, 16>, scalar_prefetch = 0 : i64, scratch_operands = 5 : i64, tpu.core_type = #tpu.core_type<sc_vector_subcore>, window_params = [{transform_indices = #map}, {transform_indices = #map1}]} {
    %mul3A = arith.constant 16 : i32
    %mul3A_0 = arith.muli %arg0, %mul3A : i32
    %add3A = arith.addi %mul3A_0, %arg1 : i32
    %broadcast_in_dim3A = arith.constant 1.000000e+00 : f32
    %broadcast_in_dim3A_1 = vector.broadcast %broadcast_in_dim3A : f32 to vector<16xf32>
    %swap3A = arith.constant 0 : index
    %swap3A_2 = tpu.vector_load %arg5[%swap3A] {strides = array<i32>} : memref<128xf32, #tpu.memory_space<vmem>>, vector<16xf32>,
    %swap3A_3 = vector.shape_cast %swap3A_2 : vector<16xf32> to vector<16xf32>
    %swap3A_4 = vector.shape_cast %broadcast_in_dim3A_1 : vector<16xf32> to vector<16xf32>
    tpu.vector_store %arg5[%swap3A], %swap3A_4 {strides = array<i32>} : memref<128xf32, #tpu.memory_space<vmem>>, vector<16xf32>,
    %broadcast_in_dim3A_5 = arith.constant 1.000000e+00 : f32
    %broadcast_in_dim3A_6 = vector.broadcast %broadcast_in_dim3A_5 : f32 to vector<16xf32>
    %swap3A_7 = arith.constant 16 : index
    %swap3A_8 = tpu.vector_load %arg5[%swap3A_7] {strides = array<i32>} : memref<128xf32, #tpu.memory_space<vmem>>, vector<16xf32>,
    %swap3A_9 = vector.shape_cast %swap3A_8 : vector<16xf32> to vector<16xf32>
    %swap3A_10 = vector.shape_cast %broadcast_in_dim3A_6 : vector<16xf32> to vector<16xf32>
    tpu.vector_store %arg5[%swap3A_7], %swap3A_10 {strides = array<i32>} : memref<128xf32, #tpu.memory_space<vmem>>, vector<16xf32>,
    %broadcast_in_dim3A_11 = arith.constant 1.000000e+00 : f32
    %broadcast_in_dim3A_12 = vector.broadcast %broadcast_in_dim3A_11 : f32 to vector<16xf32>
    %swap3A_13 = arith.constant 32 : index
    %swap3A_14 = tpu.vector_load %arg5[%swap3A_13] {strides = array<i32>} : memref<128xf32, #tpu.memory_space<vmem>>, vector<16xf32>,
    %swap3A_15 = vector.shape_cast %swap3A_14 : vector<16xf32> to vector<16xf32>
    %swap3A_16 = vector.shape_cast %broadcast_in_dim3A_12 : vector<16xf32> to vector<16xf32>
    tpu.vector_store %arg5[%swap3A_13], %swap3A_16 {strides = array<i32>} : memref<128xf32, #tpu.memory_space<vmem>>, vector<16xf32>,
    %broadcast_in_dim3A_17 = arith.constant 1.000000e+00 : f32
    %broadcast_in_dim3A_18 = vector.broadcast %broadcast_in_dim3A_17 : f32 to vector<16xf32>
    %swap3A_19 = arith.constant 48 : index
    %swap3A_20 = tpu.vector_load %arg5[%swap3A_19] {strides = array<i32>} : memref<128xf32, #tpu.memory_space<vmem>>, vector<16xf32>,
    %swap3A_21 = vector.shape_cast %swap3A_20 : vector<16xf32> to vector<16xf32>
    %swap3A_22 = vector.shape_cast %broadcast_in_dim3A_18 : vector<16xf32> to vector<16xf32>
    tpu.vector_store %arg5[%swap3A_19], %swap3A_22 {strides = array<i32>} : memref<128xf32, #tpu.memory_space<vmem>>, vector<16xf32>,
    %broadcast_in_dim3A_23 = arith.constant 1.000000e+00 : f32
    %broadcast_in_dim3A_24 = vector.broadcast %broadcast_in_dim3A_23 : f32 to vector<16xf32>
    %swap3A_25 = arith.constant 64 : index
    %swap3A_26 = tpu.vector_load %arg5[%swap3A_25] {strides = array<i32>} : memref<128xf32, #tpu.memory_space<vmem>>, vector<16xf32>,
    %swap3A_27 = vector.shape_cast %swap3A_26 : vector<16xf32> to vector<16xf32>
    %swap3A_28 = vector.shape_cast %broadcast_in_dim3A_24 : vector<16xf32> to vector<16xf32>
    tpu.vector_store %arg5[%swap3A_25], %swap3A_28 {strides = array<i32>} : memref<128xf32, #tpu.memory_space<vmem>>, vector<16xf32>,
    %broadcast_in_dim3A_29 = arith.constant 1.000000e+00 : f32
    %broadcast_in_dim3A_30 = vector.broadcast %broadcast_in_dim3A_29 : f32 to vector<16xf32>
    %swap3A_31 = arith.constant 80 : index
    %swap3A_32 = tpu.vector_load %arg5[%swap3A_31] {strides = array<i32>} : memref<128xf32, #tpu.memory_space<vmem>>, vector<16xf32>,
    %swap3A_33 = vector.shape_cast %swap3A_32 : vector<16xf32> to vector<16xf32>
    %swap3A_34 = vector.shape_cast %broadcast_in_dim3A_30 : vector<16xf32> to vector<16xf32>
    tpu.vector_store %arg5[%swap3A_31], %swap3A_34 {strides = array<i32>} : memref<128xf32, #tpu.memory_space<vmem>>, vector<16xf32>,
    %broadcast_in_dim3A_35 = arith.constant 1.000000e+00 : f32
    %broadcast_in_dim3A_36 = vector.broadcast %broadcast_in_dim3A_35 : f32 to vector<16xf32>
    %swap3A_37 = arith.constant 96 : index
    %swap3A_38 = tpu.vector_load %arg5[%swap3A_37] {strides = array<i32>} : memref<128xf32, #tpu.memory_space<vmem>>, vector<16xf32>,
    %swap3A_39 = vector.shape_cast %swap3A_38 : vector<16xf32> to vector<16xf32>
    %swap3A_40 = vector.shape_cast %broadcast_in_dim3A_36 : vector<16xf32> to vector<16xf32>
    tpu.vector_store %arg5[%swap3A_37], %swap3A_40 {strides = array<i32>} : memref<128xf32, #tpu.memory_space<vmem>>, vector<16xf32>,
    %broadcast_in_dim3A_41 = arith.constant 1.000000e+00 : f32
    %broadcast_in_dim3A_42 = vector.broadcast %broadcast_in_dim3A_41 : f32 to vector<16xf32>
    %swap3A_43 = arith.constant 112 : index
    %swap3A_44 = tpu.vector_load %arg5[%swap3A_43] {strides = array<i32>} : memref<128xf32, #tpu.memory_space<vmem>>, vector<16xf32>,
    %swap3A_45 = vector.shape_cast %swap3A_44 : vector<16xf32> to vector<16xf32>
    %swap3A_46 = vector.shape_cast %broadcast_in_dim3A_42 : vector<16xf32> to vector<16xf32>
    tpu.vector_store %arg5[%swap3A_43], %swap3A_46 {strides = array<i32>} : memref<128xf32, #tpu.memory_space<vmem>>, vector<16xf32>,
    %broadcast_in_dim3A_47 = arith.constant 0.000000e+00 : f32
    %broadcast_in_dim3A_48 = vector.broadcast %broadcast_in_dim3A_47 : f32 to vector<16xf32>
    %swap3A_49 = arith.constant 0 : index
    %swap3A_50 = tpu.vector_load %arg6[%swap3A_49] {strides = array<i32>} : memref<640xf32, #tpu.memory_space<vmem>>, vector<16xf32>,
    %swap3A_51 = vector.shape_cast %swap3A_50 : vector<16xf32> to vector<16xf32>
    %swap3A_52 = vector.shape_cast %broadcast_in_dim3A_48 : vector<16xf32> to vector<16xf32>
    tpu.vector_store %arg6[%swap3A_49], %swap3A_52 {strides = array<i32>} : memref<640xf32, #tpu.memory_space<vmem>>, vector<16xf32>,
    %broadcast_in_dim3A_53 = arith.constant 0.000000e+00 : f32
    %broadcast_in_dim3A_54 = vector.broadcast %broadcast_in_dim3A_53 : f32 to vector<16xf32>
    %swap3A_55 = arith.constant 16 : index
    %swap3A_56 = tpu.vector_load %arg6[%swap3A_55] {strides = array<i32>} : memref<640xf32, #tpu.memory_space<vmem>>, vector<16xf32>,
    %swap3A_57 = vector.shape_cast %swap3A_56 : vector<16xf32> to vector<16xf32>
    %swap3A_58 = vector.shape_cast %broadcast_in_dim3A_54 : vector<16xf32> to vector<16xf32>
    tpu.vector_store %arg6[%swap3A_55], %swap3A_58 {strides = array<i32>} : memref<640xf32, #tpu.memory_space<vmem>>, vector<16xf32>,
    %broadcast_in_dim3A_59 = arith.constant 0.000000e+00 : f32
    %broadcast_in_dim3A_60 = vector.broadcast %broadcast_in_dim3A_59 : f32 to vector<16xf32>
    %swap3A_61 = arith.constant 32 : index
    %swap3A_62 = tpu.vector_load %arg6[%swap3A_61] {strides = array<i32>} : memref<640xf32, #tpu.memory_space<vmem>>, vector<16xf32>,
    %swap3A_63 = vector.shape_cast %swap3A_62 : vector<16xf32> to vector<16xf32>
    %swap3A_64 = vector.shape_cast %broadcast_in_dim3A_60 : vector<16xf32> to vector<16xf32>
    tpu.vector_store %arg6[%swap3A_61], %swap3A_64 {strides = array<i32>} : memref<640xf32, #tpu.memory_space<vmem>>, vector<16xf32>,
    %broadcast_in_dim3A_65 = arith.constant 0.000000e+00 : f32
    %broadcast_in_dim3A_66 = vector.broadcast %broadcast_in_dim3A_65 : f32 to vector<16xf32>
    %swap3A_67 = arith.constant 48 : index
    %swap3A_68 = tpu.vector_load %arg6[%swap3A_67] {strides = array<i32>} : memref<640xf32, #tpu.memory_space<vmem>>, vector<16xf32>,
    %swap3A_69 = vector.shape_cast %swap3A_68 : vector<16xf32> to vector<16xf32>
    %swap3A_70 = vector.shape_cast %broadcast_in_dim3A_66 : vector<16xf32> to vector<16xf32>
    tpu.vector_store %arg6[%swap3A_67], %swap3A_70 {strides = array<i32>} : memref<640xf32, #tpu.memory_space<vmem>>, vector<16xf32>,
    %broadcast_in_dim3A_71 = arith.constant 0.000000e+00 : f32
    %broadcast_in_dim3A_72 = vector.broadcast %broadcast_in_dim3A_71 : f32 to vector<16xf32>
    %swap3A_73 = arith.constant 64 : index
    %swap3A_74 = tpu.vector_load %arg6[%swap3A_73] {strides = array<i32>} : memref<640xf32, #tpu.memory_space<vmem>>, vector<16xf32>,
    %swap3A_75 = vector.shape_cast %swap3A_74 : vector<16xf32> to vector<16xf32>
    %swap3A_76 = vector.shape_cast %broadcast_in_dim3A_72 : vector<16xf32> to vector<16xf32>
    tpu.vector_store %arg6[%swap3A_73], %swap3A_76 {strides = array<i32>} : memref<640xf32, #tpu.memory_space<vmem>>, vector<16xf32>,
    %broadcast_in_dim3A_77 = arith.constant 0.000000e+00 : f32
    %broadcast_in_dim3A_78 = vector.broadcast %broadcast_in_dim3A_77 : f32 to vector<16xf32>
    %swap3A_79 = arith.constant 80 : index
    %swap3A_80 = tpu.vector_load %arg6[%swap3A_79] {strides = array<i32>} : memref<640xf32, #tpu.memory_space<vmem>>, vector<16xf32>,
    %swap3A_81 = vector.shape_cast %swap3A_80 : vector<16xf32> to vector<16xf32>
    %swap3A_82 = vector.shape_cast %broadcast_in_dim3A_78 : vector<16xf32> to vector<16xf32>
    tpu.vector_store %arg6[%swap3A_79], %swap3A_82 {strides = array<i32>} : memref<640xf32, #tpu.memory_space<vmem>>, vector<16xf32>,
    %broadcast_in_dim3A_83 = arith.constant 0.000000e+00 : f32
    %broadcast_in_dim3A_84 = vector.broadcast %broadcast_in_dim3A_83 : f32 to vector<16xf32>
    %swap3A_85 = arith.constant 96 : index
    %swap3A_86 = tpu.vector_load %arg6[%swap3A_85] {strides = array<i32>} : memref<640xf32, #tpu.memory_space<vmem>>, vector<16xf32>,
    %swap3A_87 = vector.shape_cast %swap3A_86 : vector<16xf32> to vector<16xf32>
    %swap3A_88 = vector.shape_cast %broadcast_in_dim3A_84 : vector<16xf32> to vector<16xf32>
    tpu.vector_store %arg6[%swap3A_85], %swap3A_88 {strides = array<i32>} : memref<640xf32, #tpu.memory_space<vmem>>, vector<16xf32>,
    %broadcast_in_dim3A_89 = arith.constant 0.000000e+00 : f32
    %broadcast_in_dim3A_90 = vector.broadcast %broadcast_in_dim3A_89 : f32 to vector<16xf32>
    %swap3A_91 = arith.constant 112 : index
    %swap3A_92 = tpu.vector_load %arg6[%swap3A_91] {strides = array<i32>} : memref<640xf32, #tpu.memory_space<vmem>>, vector<16xf32>,
    %swap3A_93 = vector.shape_cast %swap3A_92 : vector<16xf32> to vector<16xf32>
    %swap3A_94 = vector.shape_cast %broadcast_in_dim3A_90 : vector<16xf32> to vector<16xf32>
    tpu.vector_store %arg6[%swap3A_91], %swap3A_94 {strides = array<i32>} : memref<640xf32, #tpu.memory_space<vmem>>, vector<16xf32>,
    %broadcast_in_dim3A_95 = arith.constant 0.000000e+00 : f32
    %broadcast_in_dim3A_96 = vector.broadcast %broadcast_in_dim3A_95 : f32 to vector<16xf32>
    %swap3A_97 = arith.constant 128 : index
    %swap3A_98 = tpu.vector_load %arg6[%swap3A_97] {strides = array<i32>} : memref<640xf32, #tpu.memory_space<vmem>>, vector<16xf32>,
    %swap3A_99 = vector.shape_cast %swap3A_98 : vector<16xf32> to vector<16xf32>
    %swap3A_100 = vector.shape_cast %broadcast_in_dim3A_96 : vector<16xf32> to vector<16xf32>
    tpu.vector_store %arg6[%swap3A_97], %swap3A_100 {strides = array<i32>} : memref<640xf32, #tpu.memory_space<vmem>>, vector<16xf32>,
    %broadcast_in_dim3A_101 = arith.constant 0.000000e+00 : f32
    %broadcast_in_dim3A_102 = vector.broadcast %broadcast_in_dim3A_101 : f32 to vector<16xf32>
    %swap3A_103 = arith.constant 144 : index
    %swap3A_104 = tpu.vector_load %arg6[%swap3A_103] {strides = array<i32>} : memref<640xf32, #tpu.memory_space<vmem>>, vector<16xf32>,
    %swap3A_105 = vector.shape_cast %swap3A_104 : vector<16xf32> to vector<16xf32>
    %swap3A_106 = vector.shape_cast %broadcast_in_dim3A_102 : vector<16xf32> to vector<16xf32>
    tpu.vector_store %arg6[%swap3A_103], %swap3A_106 {strides = array<i32>} : memref<640xf32, #tpu.memory_space<vmem>>, vector<16xf32>,
    %broadcast_in_dim3A_107 = arith.constant 0.000000e+00 : f32
    %broadcast_in_dim3A_108 = vector.broadcast %broadcast_in_dim3A_107 : f32 to vector<16xf32>
    %swap3A_109 = arith.constant 160 : index
    %swap3A_110 = tpu.vector_load %arg6[%swap3A_109] {strides = array<i32>} : memref<640xf32, #tpu.memory_space<vmem>>, vector<16xf32>,
    %swap3A_111 = vector.shape_cast %swap3A_110 : vector<16xf32> to vector<16xf32>
    %swap3A_112 = vector.shape_cast %broadcast_in_dim3A_108 : vector<16xf32> to vector<16xf32>
    tpu.vector_store %arg6[%swap3A_109], %swap3A_112 {strides = array<i32>} : memref<640xf32, #tpu.memory_space<vmem>>, vector<16xf32>,
    %broadcast_in_dim3A_113 = arith.constant 0.000000e+00 : f32
    %broadcast_in_dim3A_114 = vector.broadcast %broadcast_in_dim3A_113 : f32 to vector<16xf32>
    %swap3A_115 = arith.constant 176 : index
    %swap3A_116 = tpu.vector_load %arg6[%swap3A_115] {strides = array<i32>} : memref<640xf32, #tpu.memory_space<vmem>>, vector<16xf32>,
    %swap3A_117 = vector.shape_cast %swap3A_116 : vector<16xf32> to vector<16xf32>
    %swap3A_118 = vector.shape_cast %broadcast_in_dim3A_114 : vector<16xf32> to vector<16xf32>
    tpu.vector_store %arg6[%swap3A_115], %swap3A_118 {strides = array<i32>} : memref<640xf32, #tpu.memory_space<vmem>>, vector<16xf32>,
    %broadcast_in_dim3A_119 = arith.constant 0.000000e+00 : f32
    %broadcast_in_dim3A_120 = vector.broadcast %broadcast_in_dim3A_119 : f32 to vector<16xf32>
    %swap3A_121 = arith.constant 192 : index
    %swap3A_122 = tpu.vector_load %arg6[%swap3A_121] {strides = array<i32>} : memref<640xf32, #tpu.memory_space<vmem>>, vector<16xf32>,
    %swap3A_123 = vector.shape_cast %swap3A_122 : vector<16xf32> to vector<16xf32>
    %swap3A_124 = vector.shape_cast %broadcast_in_dim3A_120 : vector<16xf32> to vector<16xf32>
    tpu.vector_store %arg6[%swap3A_121], %swap3A_124 {strides = array<i32>} : memref<640xf32, #tpu.memory_space<vmem>>, vector<16xf32>,
    %broadcast_in_dim3A_125 = arith.constant 0.000000e+00 : f32
    %broadcast_in_dim3A_126 = vector.broadcast %broadcast_in_dim3A_125 : f32 to vector<16xf32>
    %swap3A_127 = arith.constant 208 : index
    %swap3A_128 = tpu.vector_load %arg6[%swap3A_127] {strides = array<i32>} : memref<640xf32, #tpu.memory_space<vmem>>, vector<16xf32>,
    %swap3A_129 = vector.shape_cast %swap3A_128 : vector<16xf32> to vector<16xf32>
    %swap3A_130 = vector.shape_cast %broadcast_in_dim3A_126 : vector<16xf32> to vector<16xf32>
    tpu.vector_store %arg6[%swap3A_127], %swap3A_130 {strides = array<i32>} : memref<640xf32, #tpu.memory_space<vmem>>, vector<16xf32>,
    %broadcast_in_dim3A_131 = arith.constant 0.000000e+00 : f32
    %broadcast_in_dim3A_132 = vector.broadcast %broadcast_in_dim3A_131 : f32 to vector<16xf32>
    %swap3A_133 = arith.constant 224 : index
    %swap3A_134 = tpu.vector_load %arg6[%swap3A_133] {strides = array<i32>} : memref<640xf32, #tpu.memory_space<vmem>>, vector<16xf32>,
    %swap3A_135 = vector.shape_cast %swap3A_134 : vector<16xf32> to vector<16xf32>
    %swap3A_136 = vector.shape_cast %broadcast_in_dim3A_132 : vector<16xf32> to vector<16xf32>
    tpu.vector_store %arg6[%swap3A_133], %swap3A_136 {strides = array<i32>} : memref<640xf32, #tpu.memory_space<vmem>>, vector<16xf32>,
    %broadcast_in_dim3A_137 = arith.constant 0.000000e+00 : f32
    %broadcast_in_dim3A_138 = vector.broadcast %broadcast_in_dim3A_137 : f32 to vector<16xf32>
    %swap3A_139 = arith.constant 240 : index
    %swap3A_140 = tpu.vector_load %arg6[%swap3A_139] {strides = array<i32>} : memref<640xf32, #tpu.memory_space<vmem>>, vector<16xf32>,
    %swap3A_141 = vector.shape_cast %swap3A_140 : vector<16xf32> to vector<16xf32>
    %swap3A_142 = vector.shape_cast %broadcast_in_dim3A_138 : vector<16xf32> to vector<16xf32>
    tpu.vector_store %arg6[%swap3A_139], %swap3A_142 {strides = array<i32>} : memref<640xf32, #tpu.memory_space<vmem>>, vector<16xf32>,
    %broadcast_in_dim3A_143 = arith.constant 0.000000e+00 : f32
    %broadcast_in_dim3A_144 = vector.broadcast %broadcast_in_dim3A_143 : f32 to vector<16xf32>
    %swap3A_145 = arith.constant 256 : index
    %swap3A_146 = tpu.vector_load %arg6[%swap3A_145] {strides = array<i32>} : memref<640xf32, #tpu.memory_space<vmem>>, vector<16xf32>,
    %swap3A_147 = vector.shape_cast %swap3A_146 : vector<16xf32> to vector<16xf32>
    %swap3A_148 = vector.shape_cast %broadcast_in_dim3A_144 : vector<16xf32> to vector<16xf32>
    tpu.vector_store %arg6[%swap3A_145], %swap3A_148 {strides = array<i32>} : memref<640xf32, #tpu.memory_space<vmem>>, vector<16xf32>,
    %broadcast_in_dim3A_149 = arith.constant 0.000000e+00 : f32
    %broadcast_in_dim3A_150 = vector.broadcast %broadcast_in_dim3A_149 : f32 to vector<16xf32>
    %swap3A_151 = arith.constant 272 : index
    %swap3A_152 = tpu.vector_load %arg6[%swap3A_151] {strides = array<i32>} : memref<640xf32, #tpu.memory_space<vmem>>, vector<16xf32>,
    %swap3A_153 = vector.shape_cast %swap3A_152 : vector<16xf32> to vector<16xf32>
    %swap3A_154 = vector.shape_cast %broadcast_in_dim3A_150 : vector<16xf32> to vector<16xf32>
    tpu.vector_store %arg6[%swap3A_151], %swap3A_154 {strides = array<i32>} : memref<640xf32, #tpu.memory_space<vmem>>, vector<16xf32>,
    %broadcast_in_dim3A_155 = arith.constant 0.000000e+00 : f32
    %broadcast_in_dim3A_156 = vector.broadcast %broadcast_in_dim3A_155 : f32 to vector<16xf32>
    %swap3A_157 = arith.constant 288 : index
    %swap3A_158 = tpu.vector_load %arg6[%swap3A_157] {strides = array<i32>} : memref<640xf32, #tpu.memory_space<vmem>>, vector<16xf32>,
    %swap3A_159 = vector.shape_cast %swap3A_158 : vector<16xf32> to vector<16xf32>
    %swap3A_160 = vector.shape_cast %broadcast_in_dim3A_156 : vector<16xf32> to vector<16xf32>
    tpu.vector_store %arg6[%swap3A_157], %swap3A_160 {strides = array<i32>} : memref<640xf32, #tpu.memory_space<vmem>>, vector<16xf32>,
    %broadcast_in_dim3A_161 = arith.constant 0.000000e+00 : f32
    %broadcast_in_dim3A_162 = vector.broadcast %broadcast_in_dim3A_161 : f32 to vector<16xf32>
    %swap3A_163 = arith.constant 304 : index
    %swap3A_164 = tpu.vector_load %arg6[%swap3A_163] {strides = array<i32>} : memref<640xf32, #tpu.memory_space<vmem>>, vector<16xf32>,
    %swap3A_165 = vector.shape_cast %swap3A_164 : vector<16xf32> to vector<16xf32>
    %swap3A_166 = vector.shape_cast %broadcast_in_dim3A_162 : vector<16xf32> to vector<16xf32>
    tpu.vector_store %arg6[%swap3A_163], %swap3A_166 {strides = array<i32>} : memref<640xf32, #tpu.memory_space<vmem>>, vector<16xf32>,
    %broadcast_in_dim3A_167 = arith.constant 0.000000e+00 : f32
    %broadcast_in_dim3A_168 = vector.broadcast %broadcast_in_dim3A_167 : f32 to vector<16xf32>
    %swap3A_169 = arith.constant 320 : index
    %swap3A_170 = tpu.vector_load %arg6[%swap3A_169] {strides = array<i32>} : memref<640xf32, #tpu.memory_space<vmem>>, vector<16xf32>,
    %swap3A_171 = vector.shape_cast %swap3A_170 : vector<16xf32> to vector<16xf32>
    %swap3A_172 = vector.shape_cast %broadcast_in_dim3A_168 : vector<16xf32> to vector<16xf32>
    tpu.vector_store %arg6[%swap3A_169], %swap3A_172 {strides = array<i32>} : memref<640xf32, #tpu.memory_space<vmem>>, vector<16xf32>,
    %broadcast_in_dim3A_173 = arith.constant 0.000000e+00 : f32
    %broadcast_in_dim3A_174 = vector.broadcast %broadcast_in_dim3A_173 : f32 to vector<16xf32>
    %swap3A_175 = arith.constant 336 : index
    %swap3A_176 = tpu.vector_load %arg6[%swap3A_175] {strides = array<i32>} : memref<640xf32, #tpu.memory_space<vmem>>, vector<16xf32>,
    %swap3A_177 = vector.shape_cast %swap3A_176 : vector<16xf32> to vector<16xf32>
    %swap3A_178 = vector.shape_cast %broadcast_in_dim3A_174 : vector<16xf32> to vector<16xf32>
    tpu.vector_store %arg6[%swap3A_175], %swap3A_178 {strides = array<i32>} : memref<640xf32, #tpu.memory_space<vmem>>, vector<16xf32>,
    %broadcast_in_dim3A_179 = arith.constant 0.000000e+00 : f32
    %broadcast_in_dim3A_180 = vector.broadcast %broadcast_in_dim3A_179 : f32 to vector<16xf32>
    %swap3A_181 = arith.constant 352 : index
    %swap3A_182 = tpu.vector_load %arg6[%swap3A_181] {strides = array<i32>} : memref<640xf32, #tpu.memory_space<vmem>>, vector<16xf32>,
    %swap3A_183 = vector.shape_cast %swap3A_182 : vector<16xf32> to vector<16xf32>
    %swap3A_184 = vector.shape_cast %broadcast_in_dim3A_180 : vector<16xf32> to vector<16xf32>
    tpu.vector_store %arg6[%swap3A_181], %swap3A_184 {strides = array<i32>} : memref<640xf32, #tpu.memory_space<vmem>>, vector<16xf32>,
    %broadcast_in_dim3A_185 = arith.constant 0.000000e+00 : f32
    %broadcast_in_dim3A_186 = vector.broadcast %broadcast_in_dim3A_185 : f32 to vector<16xf32>
    %swap3A_187 = arith.constant 368 : index
    %swap3A_188 = tpu.vector_load %arg6[%swap3A_187] {strides = array<i32>} : memref<640xf32, #tpu.memory_space<vmem>>, vector<16xf32>,
    %swap3A_189 = vector.shape_cast %swap3A_188 : vector<16xf32> to vector<16xf32>
    %swap3A_190 = vector.shape_cast %broadcast_in_dim3A_186 : vector<16xf32> to vector<16xf32>
    tpu.vector_store %arg6[%swap3A_187], %swap3A_190 {strides = array<i32>} : memref<640xf32, #tpu.memory_space<vmem>>, vector<16xf32>,
    %broadcast_in_dim3A_191 = arith.constant 0.000000e+00 : f32
    %broadcast_in_dim3A_192 = vector.broadcast %broadcast_in_dim3A_191 : f32 to vector<16xf32>
    %swap3A_193 = arith.constant 384 : index
    %swap3A_194 = tpu.vector_load %arg6[%swap3A_193] {strides = array<i32>} : memref<640xf32, #tpu.memory_space<vmem>>, vector<16xf32>,
    %swap3A_195 = vector.shape_cast %swap3A_194 : vector<16xf32> to vector<16xf32>
    %swap3A_196 = vector.shape_cast %broadcast_in_dim3A_192 : vector<16xf32> to vector<16xf32>
    tpu.vector_store %arg6[%swap3A_193], %swap3A_196 {strides = array<i32>} : memref<640xf32, #tpu.memory_space<vmem>>, vector<16xf32>,
    %broadcast_in_dim3A_197 = arith.constant 0.000000e+00 : f32
    %broadcast_in_dim3A_198 = vector.broadcast %broadcast_in_dim3A_197 : f32 to vector<16xf32>
    %swap3A_199 = arith.constant 400 : index
    %swap3A_200 = tpu.vector_load %arg6[%swap3A_199] {strides = array<i32>} : memref<640xf32, #tpu.memory_space<vmem>>, vector<16xf32>,
    %swap3A_201 = vector.shape_cast %swap3A_200 : vector<16xf32> to vector<16xf32>
    %swap3A_202 = vector.shape_cast %broadcast_in_dim3A_198 : vector<16xf32> to vector<16xf32>
    tpu.vector_store %arg6[%swap3A_199], %swap3A_202 {strides = array<i32>} : memref<640xf32, #tpu.memory_space<vmem>>, vector<16xf32>,
    %broadcast_in_dim3A_203 = arith.constant 0.000000e+00 : f32
    %broadcast_in_dim3A_204 = vector.broadcast %broadcast_in_dim3A_203 : f32 to vector<16xf32>
    %swap3A_205 = arith.constant 416 : index
    %swap3A_206 = tpu.vector_load %arg6[%swap3A_205] {strides = array<i32>} : memref<640xf32, #tpu.memory_space<vmem>>, vector<16xf32>,
    %swap3A_207 = vector.shape_cast %swap3A_206 : vector<16xf32> to vector<16xf32>
    %swap3A_208 = vector.shape_cast %broadcast_in_dim3A_204 : vector<16xf32> to vector<16xf32>
    tpu.vector_store %arg6[%swap3A_205], %swap3A_208 {strides = array<i32>} : memref<640xf32, #tpu.memory_space<vmem>>, vector<16xf32>,
    %broadcast_in_dim3A_209 = arith.constant 0.000000e+00 : f32
    %broadcast_in_dim3A_210 = vector.broadcast %broadcast_in_dim3A_209 : f32 to vector<16xf32>
    %swap3A_211 = arith.constant 432 : index
    %swap3A_212 = tpu.vector_load %arg6[%swap3A_211] {strides = array<i32>} : memref<640xf32, #tpu.memory_space<vmem>>, vector<16xf32>,
    %swap3A_213 = vector.shape_cast %swap3A_212 : vector<16xf32> to vector<16xf32>
    %swap3A_214 = vector.shape_cast %broadcast_in_dim3A_210 : vector<16xf32> to vector<16xf32>
    tpu.vector_store %arg6[%swap3A_211], %swap3A_214 {strides = array<i32>} : memref<640xf32, #tpu.memory_space<vmem>>, vector<16xf32>,
    %broadcast_in_dim3A_215 = arith.constant 0.000000e+00 : f32
    %broadcast_in_dim3A_216 = vector.broadcast %broadcast_in_dim3A_215 : f32 to vector<16xf32>
    %swap3A_217 = arith.constant 448 : index
    %swap3A_218 = tpu.vector_load %arg6[%swap3A_217] {strides = array<i32>} : memref<640xf32, #tpu.memory_space<vmem>>, vector<16xf32>,
    %swap3A_219 = vector.shape_cast %swap3A_218 : vector<16xf32> to vector<16xf32>
    %swap3A_220 = vector.shape_cast %broadcast_in_dim3A_216 : vector<16xf32> to vector<16xf32>
    tpu.vector_store %arg6[%swap3A_217], %swap3A_220 {strides = array<i32>} : memref<640xf32, #tpu.memory_space<vmem>>, vector<16xf32>,
    %broadcast_in_dim3A_221 = arith.constant 0.000000e+00 : f32
    %broadcast_in_dim3A_222 = vector.broadcast %broadcast_in_dim3A_221 : f32 to vector<16xf32>
    %swap3A_223 = arith.constant 464 : index
    %swap3A_224 = tpu.vector_load %arg6[%swap3A_223] {strides = array<i32>} : memref<640xf32, #tpu.memory_space<vmem>>, vector<16xf32>,
    %swap3A_225 = vector.shape_cast %swap3A_224 : vector<16xf32> to vector<16xf32>
    %swap3A_226 = vector.shape_cast %broadcast_in_dim3A_222 : vector<16xf32> to vector<16xf32>
    tpu.vector_store %arg6[%swap3A_223], %swap3A_226 {strides = array<i32>} : memref<640xf32, #tpu.memory_space<vmem>>, vector<16xf32>,
    %broadcast_in_dim3A_227 = arith.constant 0.000000e+00 : f32
    %broadcast_in_dim3A_228 = vector.broadcast %broadcast_in_dim3A_227 : f32 to vector<16xf32>
    %swap3A_229 = arith.constant 480 : index
    %swap3A_230 = tpu.vector_load %arg6[%swap3A_229] {strides = array<i32>} : memref<640xf32, #tpu.memory_space<vmem>>, vector<16xf32>,
    %swap3A_231 = vector.shape_cast %swap3A_230 : vector<16xf32> to vector<16xf32>
    %swap3A_232 = vector.shape_cast %broadcast_in_dim3A_228 : vector<16xf32> to vector<16xf32>
    tpu.vector_store %arg6[%swap3A_229], %swap3A_232 {strides = array<i32>} : memref<640xf32, #tpu.memory_space<vmem>>, vector<16xf32>,
    %broadcast_in_dim3A_233 = arith.constant 0.000000e+00 : f32
    %broadcast_in_dim3A_234 = vector.broadcast %broadcast_in_dim3A_233 : f32 to vector<16xf32>
    %swap3A_235 = arith.constant 496 : index
    %swap3A_236 = tpu.vector_load %arg6[%swap3A_235] {strides = array<i32>} : memref<640xf32, #tpu.memory_space<vmem>>, vector<16xf32>,
    %swap3A_237 = vector.shape_cast %swap3A_236 : vector<16xf32> to vector<16xf32>
    %swap3A_238 = vector.shape_cast %broadcast_in_dim3A_234 : vector<16xf32> to vector<16xf32>
    tpu.vector_store %arg6[%swap3A_235], %swap3A_238 {strides = array<i32>} : memref<640xf32, #tpu.memory_space<vmem>>, vector<16xf32>,
    %broadcast_in_dim3A_239 = arith.constant 0.000000e+00 : f32
    %broadcast_in_dim3A_240 = vector.broadcast %broadcast_in_dim3A_239 : f32 to vector<16xf32>
    %swap3A_241 = arith.constant 512 : index
    %swap3A_242 = tpu.vector_load %arg6[%swap3A_241] {strides = array<i32>} : memref<640xf32, #tpu.memory_space<vmem>>, vector<16xf32>,
    %swap3A_243 = vector.shape_cast %swap3A_242 : vector<16xf32> to vector<16xf32>
    %swap3A_244 = vector.shape_cast %broadcast_in_dim3A_240 : vector<16xf32> to vector<16xf32>
    tpu.vector_store %arg6[%swap3A_241], %swap3A_244 {strides = array<i32>} : memref<640xf32, #tpu.memory_space<vmem>>, vector<16xf32>,
    %broadcast_in_dim3A_245 = arith.constant 0.000000e+00 : f32
    %broadcast_in_dim3A_246 = vector.broadcast %broadcast_in_dim3A_245 : f32 to vector<16xf32>
    %swap3A_247 = arith.constant 528 : index
    %swap3A_248 = tpu.vector_load %arg6[%swap3A_247] {strides = array<i32>} : memref<640xf32, #tpu.memory_space<vmem>>, vector<16xf32>,
    %swap3A_249 = vector.shape_cast %swap3A_248 : vector<16xf32> to vector<16xf32>
    %swap3A_250 = vector.shape_cast %broadcast_in_dim3A_246 : vector<16xf32> to vector<16xf32>
    tpu.vector_store %arg6[%swap3A_247], %swap3A_250 {strides = array<i32>} : memref<640xf32, #tpu.memory_space<vmem>>, vector<16xf32>,
    %broadcast_in_dim3A_251 = arith.constant 0.000000e+00 : f32
    %broadcast_in_dim3A_252 = vector.broadcast %broadcast_in_dim3A_251 : f32 to vector<16xf32>
    %swap3A_253 = arith.constant 544 : index
    %swap3A_254 = tpu.vector_load %arg6[%swap3A_253] {strides = array<i32>} : memref<640xf32, #tpu.memory_space<vmem>>, vector<16xf32>,
    %swap3A_255 = vector.shape_cast %swap3A_254 : vector<16xf32> to vector<16xf32>
    %swap3A_256 = vector.shape_cast %broadcast_in_dim3A_252 : vector<16xf32> to vector<16xf32>
    tpu.vector_store %arg6[%swap3A_253], %swap3A_256 {strides = array<i32>} : memref<640xf32, #tpu.memory_space<vmem>>, vector<16xf32>,
    %broadcast_in_dim3A_257 = arith.constant 0.000000e+00 : f32
    %broadcast_in_dim3A_258 = vector.broadcast %broadcast_in_dim3A_257 : f32 to vector<16xf32>
    %swap3A_259 = arith.constant 560 : index
    %swap3A_260 = tpu.vector_load %arg6[%swap3A_259] {strides = array<i32>} : memref<640xf32, #tpu.memory_space<vmem>>, vector<16xf32>,
    %swap3A_261 = vector.shape_cast %swap3A_260 : vector<16xf32> to vector<16xf32>
    %swap3A_262 = vector.shape_cast %broadcast_in_dim3A_258 : vector<16xf32> to vector<16xf32>
    tpu.vector_store %arg6[%swap3A_259], %swap3A_262 {strides = array<i32>} : memref<640xf32, #tpu.memory_space<vmem>>, vector<16xf32>,
    %broadcast_in_dim3A_263 = arith.constant 0.000000e+00 : f32
    %broadcast_in_dim3A_264 = vector.broadcast %broadcast_in_dim3A_263 : f32 to vector<16xf32>
    %swap3A_265 = arith.constant 576 : index
    %swap3A_266 = tpu.vector_load %arg6[%swap3A_265] {strides = array<i32>} : memref<640xf32, #tpu.memory_space<vmem>>, vector<16xf32>,
    %swap3A_267 = vector.shape_cast %swap3A_266 : vector<16xf32> to vector<16xf32>
    %swap3A_268 = vector.shape_cast %broadcast_in_dim3A_264 : vector<16xf32> to vector<16xf32>
    tpu.vector_store %arg6[%swap3A_265], %swap3A_268 {strides = array<i32>} : memref<640xf32, #tpu.memory_space<vmem>>, vector<16xf32>,
    %broadcast_in_dim3A_269 = arith.constant 0.000000e+00 : f32
    %broadcast_in_dim3A_270 = vector.broadcast %broadcast_in_dim3A_269 : f32 to vector<16xf32>
    %swap3A_271 = arith.constant 592 : index
    %swap3A_272 = tpu.vector_load %arg6[%swap3A_271] {strides = array<i32>} : memref<640xf32, #tpu.memory_space<vmem>>, vector<16xf32>,
    %swap3A_273 = vector.shape_cast %swap3A_272 : vector<16xf32> to vector<16xf32>
    %swap3A_274 = vector.shape_cast %broadcast_in_dim3A_270 : vector<16xf32> to vector<16xf32>
    tpu.vector_store %arg6[%swap3A_271], %swap3A_274 {strides = array<i32>} : memref<640xf32, #tpu.memory_space<vmem>>, vector<16xf32>,
    %broadcast_in_dim3A_275 = arith.constant 0.000000e+00 : f32
    %broadcast_in_dim3A_276 = vector.broadcast %broadcast_in_dim3A_275 : f32 to vector<16xf32>
    %swap3A_277 = arith.constant 608 : index
    %swap3A_278 = tpu.vector_load %arg6[%swap3A_277] {strides = array<i32>} : memref<640xf32, #tpu.memory_space<vmem>>, vector<16xf32>,
    %swap3A_279 = vector.shape_cast %swap3A_278 : vector<16xf32> to vector<16xf32>
    %swap3A_280 = vector.shape_cast %broadcast_in_dim3A_276 : vector<16xf32> to vector<16xf32>
    tpu.vector_store %arg6[%swap3A_277], %swap3A_280 {strides = array<i32>} : memref<640xf32, #tpu.memory_space<vmem>>, vector<16xf32>,
    %broadcast_in_dim3A_281 = arith.constant 0.000000e+00 : f32
    %broadcast_in_dim3A_282 = vector.broadcast %broadcast_in_dim3A_281 : f32 to vector<16xf32>
    %swap3A_283 = arith.constant 624 : index
    %swap3A_284 = tpu.vector_load %arg6[%swap3A_283] {strides = array<i32>} : memref<640xf32, #tpu.memory_space<vmem>>, vector<16xf32>,
    %swap3A_285 = vector.shape_cast %swap3A_284 : vector<16xf32> to vector<16xf32>
    %swap3A_286 = vector.shape_cast %broadcast_in_dim3A_282 : vector<16xf32> to vector<16xf32>
    tpu.vector_store %arg6[%swap3A_283], %swap3A_286 {strides = array<i32>} : memref<640xf32, #tpu.memory_space<vmem>>, vector<16xf32>,
    %mul3A_287 = arith.constant 640 : i32
    %mul3A_288 = arith.muli %arg1, %mul3A_287 : i32
    "tpu.region"() ({
      %run_scoped3A = tpu.sem_alloc : memref<!tpu.dma_semaphore, #tpu.memory_space<semaphore_mem>>
      %dma_start3A = tpu.memref_slice %arg7[%mul3A_288] : memref<10240xf32, #tpu.memory_space<vmem_shared>> -> memref<640xf32, #tpu.memory_space<vmem_shared>>
      %dma_start3A_316 = tpu.memref_slice %arg7[%mul3A_288] : memref<10240xf32, #tpu.memory_space<vmem_shared>> -> memref<640xf32, #tpu.memory_space<vmem_shared>>
      tpu.enqueue_dma source(%arg6 : memref<640xf32, #tpu.memory_space<vmem>>) target(%dma_start3A_316 : memref<640xf32, #tpu.memory_space<vmem_shared>>) target_semaphore(%run_scoped3A : memref<!tpu.dma_semaphore, #tpu.memory_space<semaphore_mem>>)
      %dma_wait3A = tpu.memref_slice %arg7[%mul3A_288] : memref<10240xf32, #tpu.memory_space<vmem_shared>> -> memref<640xf32, #tpu.memory_space<vmem_shared>>
      %dma_wait3A_317 = tpu.memref_slice %arg7[%mul3A_288] : memref<10240xf32, #tpu.memory_space<vmem_shared>> -> memref<640xf32, #tpu.memory_space<vmem_shared>>
      tpu.wait_dma2 semaphore(%run_scoped3A : memref<!tpu.dma_semaphore, #tpu.memory_space<semaphore_mem>>) src(%arg6 : memref<640xf32, #tpu.memory_space<vmem>>) dst(%dma_wait3A_317 : memref<640xf32, #tpu.memory_space<vmem_shared>>)
      tpu.yield
    }) : () -> ()
    %barrier3A = arith.constant 0 : index
    tpu.barrier barrier_id(%barrier3A)
    %mul3A_289 = arith.constant 80 : i32
    %mul3A_290 = arith.muli %add3A, %mul3A_289 : i32
    "tpu.region"() ({
      %run_scoped3A = tpu.sem_alloc : memref<!tpu.dma_semaphore, #tpu.memory_space<semaphore_mem>>
      %dma_start3A = arith.constant 0 : i32
      %dma_start3A_316 = tpu.memref_slice %arg2[%mul3A_290, %dma_start3A] : memref<2560x128xi32, #tpu.memory_space<hbm>> -> memref<80x128xi32, #tpu.memory_space<hbm>>
      %dma_start3A_317 = arith.constant 0 : i32
      %dma_start3A_318 = tpu.memref_slice %arg2[%mul3A_290, %dma_start3A_317] : memref<2560x128xi32, #tpu.memory_space<hbm>> -> memref<80x128xi32, #tpu.memory_space<hbm>>
      tpu.enqueue_dma source(%dma_start3A_318 : memref<80x128xi32, #tpu.memory_space<hbm>>) target(%arg4 : memref<80x128xi32, #tpu.memory_space<vmem>>) target_semaphore(%run_scoped3A : memref<!tpu.dma_semaphore, #tpu.memory_space<semaphore_mem>>)
      %dma_wait3A = arith.constant 0 : i32
      %dma_wait3A_319 = tpu.memref_slice %arg2[%mul3A_290, %dma_wait3A] : memref<2560x128xi32, #tpu.memory_space<hbm>> -> memref<80x128xi32, #tpu.memory_space<hbm>>
      %dma_wait3A_320 = arith.constant 0 : i32
      %dma_wait3A_321 = tpu.memref_slice %arg2[%mul3A_290, %dma_wait3A_320] : memref<2560x128xi32, #tpu.memory_space<hbm>> -> memref<80x128xi32, #tpu.memory_space<hbm>>
      tpu.wait_dma2 semaphore(%run_scoped3A : memref<!tpu.dma_semaphore, #tpu.memory_space<semaphore_mem>>) src(%dma_wait3A_321 : memref<80x128xi32, #tpu.memory_space<hbm>>) dst(%arg4 : memref<80x128xi32, #tpu.memory_space<vmem>>)
      tpu.yield
    }) : () -> ()
    %scan3A = arith.constant 0 : i32
    %scan3A_291 = arith.constant 0 : i32
    %scan3A_292 = arith.constant 8 : i32
    %scan3A_293 = arith.addi %scan3A_291, %scan3A_292 : i32
    %scan3A_294 = arith.constant 1 : i32
    scf.for %scan3A_316 = %scan3A_291 to %scan3A_293 step %scan3A_294  : i32 {
      %dma_start3A = arith.constant 0 : i32
      %dma_start3A_317 = tpu.memref_slice %arg4[%scan3A_316, %dma_start3A] : memref<80x128xi32, #tpu.memory_space<vmem>> -> memref<1x128xi32, #tpu.memory_space<vmem>>
      %dma_start3A_318 = tpu.memref_squeeze %dma_start3A_317 : memref<1x128xi32, #tpu.memory_space<vmem>> -> memref<128xi32, #tpu.memory_space<vmem>>
      %dma_start3A_319 = arith.constant 0 : i32
      %dma_start3A_320 = tpu.memref_slice %arg7[%dma_start3A_319] : memref<10240xf32, #tpu.memory_space<vmem_shared>> -> memref<10240xf32, #tpu.memory_space<vmem_shared>>
      tpu.enqueue_indirect_dma source(%arg5 : memref<128xf32, #tpu.memory_space<vmem>>) target(%dma_start3A_320 : memref<10240xf32, #tpu.memory_space<vmem_shared>>) offsets(%dma_start3A_318 : memref<128xi32, #tpu.memory_space<vmem>>) semaphore(%arg8 : memref<!tpu.dma_semaphore, #tpu.memory_space<semaphore_mem>>) {add = true}
    }
    %scan3A_295 = arith.constant 8 : i32
    %scan3A_296 = arith.constant 0 : i32
    %scan3A_297 = arith.constant 0 : i32
    %scan3A_298 = arith.constant 72 : i32
    %scan3A_299 = arith.addi %scan3A_297, %scan3A_298 : i32
    %scan3A_300 = arith.constant 1 : i32
    scf.for %scan3A_316 = %scan3A_297 to %scan3A_299 step %scan3A_300  : i32 {
      %dma_wait3A = arith.constant 0 : i32
      %dma_wait3A_317 = arith.constant 0 : i32
      %dma_wait3A_318 = tpu.memref_slice %arg4[%dma_wait3A, %dma_wait3A_317] : memref<80x128xi32, #tpu.memory_space<vmem>> -> memref<1x128xi32, #tpu.memory_space<vmem>>
      %dma_wait3A_319 = tpu.memref_squeeze %dma_wait3A_318 : memref<1x128xi32, #tpu.memory_space<vmem>> -> memref<128xi32, #tpu.memory_space<vmem>>
      %dma_wait3A_320 = arith.constant 0 : i32
      %dma_wait3A_321 = tpu.memref_slice %arg7[%dma_wait3A_320] : memref<10240xf32, #tpu.memory_space<vmem_shared>> -> memref<10240xf32, #tpu.memory_space<vmem_shared>>
      tpu.wait_indirect_dma semaphore(%arg8 : memref<!tpu.dma_semaphore, #tpu.memory_space<semaphore_mem>>) src(%arg5 : memref<128xf32, #tpu.memory_space<vmem>>) dst(%dma_wait3A_321 : memref<10240xf32, #tpu.memory_space<vmem_shared>>)
      %add3A_322 = arith.constant 8 : i32
      %add3A_323 = arith.addi %scan3A_316, %add3A_322 : i32
      %dma_start3A = arith.constant 0 : i32
      %dma_start3A_324 = tpu.memref_slice %arg4[%add3A_323, %dma_start3A] : memref<80x128xi32, #tpu.memory_space<vmem>> -> memref<1x128xi32, #tpu.memory_space<vmem>>
      %dma_start3A_325 = tpu.memref_squeeze %dma_start3A_324 : memref<1x128xi32, #tpu.memory_space<vmem>> -> memref<128xi32, #tpu.memory_space<vmem>>
      %dma_start3A_326 = arith.constant 0 : i32
      %dma_start3A_327 = tpu.memref_slice %arg7[%dma_start3A_326] : memref<10240xf32, #tpu.memory_space<vmem_shared>> -> memref<10240xf32, #tpu.memory_space<vmem_shared>>
      tpu.enqueue_indirect_dma source(%arg5 : memref<128xf32, #tpu.memory_space<vmem>>) target(%dma_start3A_327 : memref<10240xf32, #tpu.memory_space<vmem_shared>>) offsets(%dma_start3A_325 : memref<128xi32, #tpu.memory_space<vmem>>) semaphore(%arg8 : memref<!tpu.dma_semaphore, #tpu.memory_space<semaphore_mem>>) {add = true}
    }
    %scan3A_301 = arith.constant 72 : i32
    %scan3A_302 = arith.constant 0 : i32
    %scan3A_303 = arith.constant 0 : i32
    %scan3A_304 = arith.constant 8 : i32
    %scan3A_305 = arith.addi %scan3A_303, %scan3A_304 : i32
    %scan3A_306 = arith.constant 1 : i32
    scf.for %scan3A_316 = %scan3A_303 to %scan3A_305 step %scan3A_306  : i32 {
      %dma_wait3A = arith.constant 0 : i32
      %dma_wait3A_317 = arith.constant 0 : i32
      %dma_wait3A_318 = tpu.memref_slice %arg4[%dma_wait3A, %dma_wait3A_317] : memref<80x128xi32, #tpu.memory_space<vmem>> -> memref<1x128xi32, #tpu.memory_space<vmem>>
      %dma_wait3A_319 = tpu.memref_squeeze %dma_wait3A_318 : memref<1x128xi32, #tpu.memory_space<vmem>> -> memref<128xi32, #tpu.memory_space<vmem>>
      %dma_wait3A_320 = arith.constant 0 : i32
      %dma_wait3A_321 = tpu.memref_slice %arg7[%dma_wait3A_320] : memref<10240xf32, #tpu.memory_space<vmem_shared>> -> memref<10240xf32, #tpu.memory_space<vmem_shared>>
      tpu.wait_indirect_dma semaphore(%arg8 : memref<!tpu.dma_semaphore, #tpu.memory_space<semaphore_mem>>) src(%arg5 : memref<128xf32, #tpu.memory_space<vmem>>) dst(%dma_wait3A_321 : memref<10240xf32, #tpu.memory_space<vmem_shared>>)
    }
    %scan3A_307 = arith.constant 8 : i32
    %barrier3A_308 = arith.constant 0 : index
    tpu.barrier barrier_id(%barrier3A_308)
    %mul3A_309 = arith.constant 640 : i32
    %mul3A_310 = arith.muli %arg1, %mul3A_309 : i32
    %mul3A_311 = arith.constant 10240 : i32
    %mul3A_312 = arith.muli %arg0, %mul3A_311 : i32
    %mul3A_313 = arith.constant 640 : i32
    %mul3A_314 = arith.muli %arg1, %mul3A_313 : i32
    %add3A_315 = arith.addi %mul3A_312, %mul3A_314 : i32
    "tpu.region"() ({
      %run_scoped3A = tpu.sem_alloc : memref<!tpu.dma_semaphore, #tpu.memory_space<semaphore_mem>>
      %dma_start3A = tpu.memref_slice %arg3[%add3A_315] : memref<20480xf32, #tpu.memory_space<hbm>> -> memref<640xf32, #tpu.memory_space<hbm>>
      %dma_start3A_316 = tpu.memref_slice %arg7[%mul3A_310] : memref<10240xf32, #tpu.memory_space<vmem_shared>> -> memref<640xf32, #tpu.memory_space<vmem_shared>>
      tpu.enqueue_dma source(%dma_start3A_316 : memref<640xf32, #tpu.memory_space<vmem_shared>>) target(%dma_start3A : memref<640xf32, #tpu.memory_space<hbm>>) target_semaphore(%run_scoped3A : memref<!tpu.dma_semaphore, #tpu.memory_space<semaphore_mem>>)
      %dma_wait3A = tpu.memref_slice %arg3[%add3A_315] : memref<20480xf32, #tpu.memory_space<hbm>> -> memref<640xf32, #tpu.memory_space<hbm>>
      %dma_wait3A_317 = tpu.memref_slice %arg7[%mul3A_310] : memref<10240xf32, #tpu.memory_space<vmem_shared>> -> memref<640xf32, #tpu.memory_space<vmem_shared>>
      tpu.wait_dma2 semaphore(%run_scoped3A : memref<!tpu.dma_semaphore, #tpu.memory_space<semaphore_mem>>) src(%dma_wait3A_317 : memref<640xf32, #tpu.memory_space<vmem_shared>>) dst(%dma_wait3A : memref<640xf32, #tpu.memory_space<hbm>>)
      tpu.yield
    }) : () -> ()
    return
  }
}

module attributes {stable_mosaic.version = 14 : i64} {
  func.func @_dense1_body(%arg0: i32, %arg1: memref<5000x128xf32, #tpu.memory_space<vmem>>, %arg2: memref<128x128xf32, #tpu.memory_space<vmem>>, %arg3: memref<2x5000x1xf32, #tpu.memory_space<vmem>>, %arg4: memref<5000x128xf32, #tpu.memory_space<vmem>>) attributes {dimension_semantics = [#tpu.dimension_semantics<arbitrary>], iteration_bounds = array<i64: 2>, scalar_prefetch = 0 : i64, scratch_operands = 0 : i64, tpu.core_type = #tpu.core_type<tc>, window_params = [{transform_indices = @transform_0, window_bounds = array<i64: 5000, 128>}, {pipeline_mode = #tpu.pipeline_mode<synchronous>, transform_indices = @transform_1, window_bounds = array<i64: 128, 128>}, {transform_indices = @transform_2, window_bounds = array<i64: 2, 5000, 1>}, {transform_indices = @transform_3, window_bounds = array<i64: 5000, 128>}]} {
    %get3A = arith.constant 0 : index
    %get3A_0 = arith.constant 0 : index
    %get3A_1 = arith.constant 0 : index
    %get3A_2 = vector.load %arg3[%get3A, %get3A_0, %get3A_1] : memref<2x5000x1xf32, #tpu.memory_space<vmem>>, vector<1x5000x1xf32>
    %get3A_3 = vector.shape_cast %get3A_2 : vector<1x5000x1xf32> to vector<5000x1xf32>
    %get3A_4 = arith.constant 1 : index
    %get3A_5 = arith.constant 0 : index
    %get3A_6 = arith.constant 0 : index
    %get3A_7 = vector.load %arg3[%get3A_4, %get3A_5, %get3A_6] : memref<2x5000x1xf32, #tpu.memory_space<vmem>>, vector<1x5000x1xf32>
    %get3A_8 = vector.shape_cast %get3A_7 : vector<1x5000x1xf32> to vector<5000x1xf32>
    %add3A = arith.addf %get3A_3, %get3A_8 : vector<5000x1xf32>
    %add3A_9 = arith.constant 1.000000e+00 : f32
    %add3A_10 = vector.broadcast %add3A_9 : f32 to vector<5000x1xf32>
    %add3A_11 = arith.addf %add3A, %add3A_10 : vector<5000x1xf32>
    %rsqrt3A = math.rsqrt %add3A_11 : vector<5000x1xf32>
    %get3A_12 = arith.constant 0 : index
    %get3A_13 = arith.constant 0 : index
    %get3A_14 = vector.load %arg1[%get3A_12, %get3A_13] : memref<5000x128xf32, #tpu.memory_space<vmem>>, vector<5000x128xf32>
    %get3A_15 = arith.constant 0 : index
    %get3A_16 = arith.constant 0 : index
    %get3A_17 = vector.load %arg2[%get3A_15, %get3A_16] : memref<128x128xf32, #tpu.memory_space<vmem>>, vector<128x128xf32>
    %dot_general3A = arith.constant dense<0.000000e+00> : vector<5000x128xf32>
    %dot_general3A_18 = tpu.matmul %get3A_14, %get3A_17, %dot_general3A {dimension_numbers = #tpu.dot_dimension_numbers<[1], [0], [0], [1], [0, 0, 1, 1], [], []>, transpose_lhs_hint = false} : vector<5000x128xf32>, vector<128x128xf32>, vector<5000x128xf32> -> vector<5000x128xf32>
    %mul3A = vector.broadcast %rsqrt3A : vector<5000x1xf32> to vector<5000x128xf32>
    %mul3A_19 = arith.mulf %mul3A, %dot_general3A_18 : vector<5000x128xf32>
    %swap3A = arith.constant 0 : index
    %swap3A_20 = arith.constant 0 : index
    %swap3A_21 = vector.load %arg4[%swap3A, %swap3A_20] : memref<5000x128xf32, #tpu.memory_space<vmem>>, vector<5000x128xf32>
    tpu.vector_store %arg4[%swap3A, %swap3A_20], %mul3A_19 {strides = array<i32>} : memref<5000x128xf32, #tpu.memory_space<vmem>>, vector<5000x128xf32>,
    return
  }
  func.func @transform_0(%arg0: i32) -> (i32, i32) {
    %c0_i32 = arith.constant 0 : i32
    %c0_i32_0 = arith.constant 0 : i32
    return %arg0, %c0_i32 : i32, i32
  }
  func.func @transform_1(%arg0: i32) -> (i32, i32) {
    %c0_i32 = arith.constant 0 : i32
    %c0_i32_0 = arith.constant 0 : i32
    %c0_i32_1 = arith.constant 0 : i32
    return %c0_i32, %c0_i32_0 : i32, i32
  }
  func.func @transform_2(%arg0: i32) -> (i32, i32, i32) {
    %c0_i32 = arith.constant 0 : i32
    %c0_i32_0 = arith.constant 0 : i32
    %c0_i32_1 = arith.constant 0 : i32
    return %c0_i32, %arg0, %c0_i32_0 : i32, i32, i32
  }
  func.func @transform_3(%arg0: i32) -> (i32, i32) {
    %c0_i32 = arith.constant 0 : i32
    %c0_i32_0 = arith.constant 0 : i32
    return %arg0, %c0_i32 : i32, i32
  }
}

module attributes {stable_mosaic.version = 14 : i64} {
  func.func @_dense2_body(%arg0: i32, %arg1: memref<2x5000x128xf32, #tpu.memory_space<vmem>>, %arg2: memref<5000x128xf32, #tpu.memory_space<vmem>>, %arg3: memref<2x5000x1xf32, #tpu.memory_space<vmem>>, %arg4: memref<1x128xf32, #tpu.memory_space<vmem>>, %arg5: memref<5000x128xf32, #tpu.memory_space<vmem>>) attributes {dimension_semantics = [#tpu.dimension_semantics<arbitrary>], iteration_bounds = array<i64: 2>, scalar_prefetch = 0 : i64, scratch_operands = 0 : i64, tpu.core_type = #tpu.core_type<tc>, window_params = [{transform_indices = @transform_0, window_bounds = array<i64: 2, 5000, 128>}, {transform_indices = @transform_1, window_bounds = array<i64: 5000, 128>}, {transform_indices = @transform_2, window_bounds = array<i64: 2, 5000, 1>}, {pipeline_mode = #tpu.pipeline_mode<synchronous>, transform_indices = @transform_3, window_bounds = array<i64: 1, 128>}, {transform_indices = @transform_4, window_bounds = array<i64: 5000, 128>}]} {
    %get3A = arith.constant 0 : index
    %get3A_0 = arith.constant 0 : index
    %get3A_1 = arith.constant 0 : index
    %get3A_2 = vector.load %arg3[%get3A, %get3A_0, %get3A_1] : memref<2x5000x1xf32, #tpu.memory_space<vmem>>, vector<1x5000x1xf32>
    %get3A_3 = vector.shape_cast %get3A_2 : vector<1x5000x1xf32> to vector<5000x1xf32>
    %get3A_4 = arith.constant 1 : index
    %get3A_5 = arith.constant 0 : index
    %get3A_6 = arith.constant 0 : index
    %get3A_7 = vector.load %arg3[%get3A_4, %get3A_5, %get3A_6] : memref<2x5000x1xf32, #tpu.memory_space<vmem>>, vector<1x5000x1xf32>
    %get3A_8 = vector.shape_cast %get3A_7 : vector<1x5000x1xf32> to vector<5000x1xf32>
    %add3A = arith.addf %get3A_3, %get3A_8 : vector<5000x1xf32>
    %add3A_9 = arith.constant 1.000000e+00 : f32
    %add3A_10 = vector.broadcast %add3A_9 : f32 to vector<5000x1xf32>
    %add3A_11 = arith.addf %add3A, %add3A_10 : vector<5000x1xf32>
    %rsqrt3A = math.rsqrt %add3A_11 : vector<5000x1xf32>
    %get3A_12 = arith.constant 0 : index
    %get3A_13 = arith.constant 0 : index
    %get3A_14 = arith.constant 0 : index
    %get3A_15 = vector.load %arg1[%get3A_12, %get3A_13, %get3A_14] : memref<2x5000x128xf32, #tpu.memory_space<vmem>>, vector<1x5000x128xf32>
    %get3A_16 = vector.shape_cast %get3A_15 : vector<1x5000x128xf32> to vector<5000x128xf32>
    %get3A_17 = arith.constant 1 : index
    %get3A_18 = arith.constant 0 : index
    %get3A_19 = arith.constant 0 : index
    %get3A_20 = vector.load %arg1[%get3A_17, %get3A_18, %get3A_19] : memref<2x5000x128xf32, #tpu.memory_space<vmem>>, vector<1x5000x128xf32>
    %get3A_21 = vector.shape_cast %get3A_20 : vector<1x5000x128xf32> to vector<5000x128xf32>
    %add3A_22 = arith.addf %get3A_16, %get3A_21 : vector<5000x128xf32>
    %get3A_23 = arith.constant 0 : index
    %get3A_24 = arith.constant 0 : index
    %get3A_25 = vector.load %arg2[%get3A_23, %get3A_24] : memref<5000x128xf32, #tpu.memory_space<vmem>>, vector<5000x128xf32>
    %add3A_26 = arith.addf %add3A_22, %get3A_25 : vector<5000x128xf32>
    %mul3A = vector.broadcast %rsqrt3A : vector<5000x1xf32> to vector<5000x128xf32>
    %mul3A_27 = arith.mulf %mul3A, %add3A_26 : vector<5000x128xf32>
    %get3A_28 = arith.constant 0 : index
    %get3A_29 = arith.constant 0 : index
    %get3A_30 = vector.load %arg4[%get3A_28, %get3A_29] : memref<1x128xf32, #tpu.memory_space<vmem>>, vector<1x128xf32>
    %add3A_31 = vector.broadcast %get3A_30 : vector<1x128xf32> to vector<5000x128xf32>
    %add3A_32 = arith.addf %mul3A_27, %add3A_31 : vector<5000x128xf32>
    %max3A = arith.constant 0.000000e+00 : f32
    %max3A_33 = vector.broadcast %max3A : f32 to vector<5000x128xf32>
    %max3A_34 = arith.maximumf %add3A_32, %max3A_33 : vector<5000x128xf32>
    %mul3A_35 = vector.broadcast %rsqrt3A : vector<5000x1xf32> to vector<5000x128xf32>
    %mul3A_36 = arith.mulf %mul3A_35, %max3A_34 : vector<5000x128xf32>
    %swap3A = arith.constant 0 : index
    %swap3A_37 = arith.constant 0 : index
    %swap3A_38 = vector.load %arg5[%swap3A, %swap3A_37] : memref<5000x128xf32, #tpu.memory_space<vmem>>, vector<5000x128xf32>
    tpu.vector_store %arg5[%swap3A, %swap3A_37], %mul3A_36 {strides = array<i32>} : memref<5000x128xf32, #tpu.memory_space<vmem>>, vector<5000x128xf32>,
    return
  }
  func.func @transform_0(%arg0: i32) -> (i32, i32, i32) {
    %c0_i32 = arith.constant 0 : i32
    %c0_i32_0 = arith.constant 0 : i32
    %c0_i32_1 = arith.constant 0 : i32
    return %c0_i32, %arg0, %c0_i32_0 : i32, i32, i32
  }
  func.func @transform_1(%arg0: i32) -> (i32, i32) {
    %c0_i32 = arith.constant 0 : i32
    %c0_i32_0 = arith.constant 0 : i32
    return %arg0, %c0_i32 : i32, i32
  }
  func.func @transform_2(%arg0: i32) -> (i32, i32, i32) {
    %c0_i32 = arith.constant 0 : i32
    %c0_i32_0 = arith.constant 0 : i32
    %c0_i32_1 = arith.constant 0 : i32
    return %c0_i32, %arg0, %c0_i32_0 : i32, i32, i32
  }
  func.func @transform_3(%arg0: i32) -> (i32, i32) {
    %c0_i32 = arith.constant 0 : i32
    %c0_i32_0 = arith.constant 0 : i32
    %c0_i32_1 = arith.constant 0 : i32
    return %c0_i32, %c0_i32_0 : i32, i32
  }
  func.func @transform_4(%arg0: i32) -> (i32, i32) {
    %c0_i32 = arith.constant 0 : i32
    %c0_i32_0 = arith.constant 0 : i32
    return %arg0, %c0_i32 : i32, i32
  }
}

module attributes {stable_mosaic.version = 14 : i64} {
  func.func @_dense3_body(%arg0: i32, %arg1: memref<2x5000x128xf32, #tpu.memory_space<vmem>>, %arg2: memref<5000x128xf32, #tpu.memory_space<vmem>>, %arg3: memref<2x5000x1xf32, #tpu.memory_space<vmem>>, %arg4: memref<128x64xf32, #tpu.memory_space<vmem>>, %arg5: memref<1x64xf32, #tpu.memory_space<vmem>>, %arg6: memref<5000x64xf32, #tpu.memory_space<vmem>>) attributes {dimension_semantics = [#tpu.dimension_semantics<arbitrary>], iteration_bounds = array<i64: 2>, scalar_prefetch = 0 : i64, scratch_operands = 0 : i64, tpu.core_type = #tpu.core_type<tc>, window_params = [{transform_indices = @transform_0, window_bounds = array<i64: 2, 5000, 128>}, {transform_indices = @transform_1, window_bounds = array<i64: 5000, 128>}, {transform_indices = @transform_2, window_bounds = array<i64: 2, 5000, 1>}, {pipeline_mode = #tpu.pipeline_mode<synchronous>, transform_indices = @transform_3, window_bounds = array<i64: 128, 64>}, {pipeline_mode = #tpu.pipeline_mode<synchronous>, transform_indices = @transform_4, window_bounds = array<i64: 1, 64>}, {transform_indices = @transform_5, window_bounds = array<i64: 5000, 64>}]} {
    %get3A = arith.constant 0 : index
    %get3A_0 = arith.constant 0 : index
    %get3A_1 = arith.constant 0 : index
    %get3A_2 = vector.load %arg3[%get3A, %get3A_0, %get3A_1] : memref<2x5000x1xf32, #tpu.memory_space<vmem>>, vector<1x5000x1xf32>
    %get3A_3 = vector.shape_cast %get3A_2 : vector<1x5000x1xf32> to vector<5000x1xf32>
    %get3A_4 = arith.constant 1 : index
    %get3A_5 = arith.constant 0 : index
    %get3A_6 = arith.constant 0 : index
    %get3A_7 = vector.load %arg3[%get3A_4, %get3A_5, %get3A_6] : memref<2x5000x1xf32, #tpu.memory_space<vmem>>, vector<1x5000x1xf32>
    %get3A_8 = vector.shape_cast %get3A_7 : vector<1x5000x1xf32> to vector<5000x1xf32>
    %add3A = arith.addf %get3A_3, %get3A_8 : vector<5000x1xf32>
    %add3A_9 = arith.constant 1.000000e+00 : f32
    %add3A_10 = vector.broadcast %add3A_9 : f32 to vector<5000x1xf32>
    %add3A_11 = arith.addf %add3A, %add3A_10 : vector<5000x1xf32>
    %rsqrt3A = math.rsqrt %add3A_11 : vector<5000x1xf32>
    %get3A_12 = arith.constant 0 : index
    %get3A_13 = arith.constant 0 : index
    %get3A_14 = arith.constant 0 : index
    %get3A_15 = vector.load %arg1[%get3A_12, %get3A_13, %get3A_14] : memref<2x5000x128xf32, #tpu.memory_space<vmem>>, vector<1x5000x128xf32>
    %get3A_16 = vector.shape_cast %get3A_15 : vector<1x5000x128xf32> to vector<5000x128xf32>
    %get3A_17 = arith.constant 1 : index
    %get3A_18 = arith.constant 0 : index
    %get3A_19 = arith.constant 0 : index
    %get3A_20 = vector.load %arg1[%get3A_17, %get3A_18, %get3A_19] : memref<2x5000x128xf32, #tpu.memory_space<vmem>>, vector<1x5000x128xf32>
    %get3A_21 = vector.shape_cast %get3A_20 : vector<1x5000x128xf32> to vector<5000x128xf32>
    %add3A_22 = arith.addf %get3A_16, %get3A_21 : vector<5000x128xf32>
    %get3A_23 = arith.constant 0 : index
    %get3A_24 = arith.constant 0 : index
    %get3A_25 = vector.load %arg2[%get3A_23, %get3A_24] : memref<5000x128xf32, #tpu.memory_space<vmem>>, vector<5000x128xf32>
    %add3A_26 = arith.addf %add3A_22, %get3A_25 : vector<5000x128xf32>
    %get3A_27 = arith.constant 0 : index
    %get3A_28 = arith.constant 0 : index
    %get3A_29 = vector.load %arg4[%get3A_27, %get3A_28] : memref<128x64xf32, #tpu.memory_space<vmem>>, vector<128x64xf32>
    %dot_general3A = arith.constant dense<0.000000e+00> : vector<5000x64xf32>
    %dot_general3A_30 = tpu.matmul %add3A_26, %get3A_29, %dot_general3A {dimension_numbers = #tpu.dot_dimension_numbers<[1], [0], [0], [1], [0, 0, 1, 1], [], []>, transpose_lhs_hint = false} : vector<5000x128xf32>, vector<128x64xf32>, vector<5000x64xf32> -> vector<5000x64xf32>
    %mul3A = vector.broadcast %rsqrt3A : vector<5000x1xf32> to vector<5000x64xf32>
    %mul3A_31 = arith.mulf %mul3A, %dot_general3A_30 : vector<5000x64xf32>
    %get3A_32 = arith.constant 0 : index
    %get3A_33 = arith.constant 0 : index
    %get3A_34 = vector.load %arg5[%get3A_32, %get3A_33] : memref<1x64xf32, #tpu.memory_space<vmem>>, vector<1x64xf32>
    %add3A_35 = vector.broadcast %get3A_34 : vector<1x64xf32> to vector<5000x64xf32>
    %add3A_36 = arith.addf %mul3A_31, %add3A_35 : vector<5000x64xf32>
    %swap3A = arith.constant 0 : index
    %swap3A_37 = arith.constant 0 : index
    %swap3A_38 = vector.load %arg6[%swap3A, %swap3A_37] : memref<5000x64xf32, #tpu.memory_space<vmem>>, vector<5000x64xf32>
    tpu.vector_store %arg6[%swap3A, %swap3A_37], %add3A_36 {strides = array<i32>} : memref<5000x64xf32, #tpu.memory_space<vmem>>, vector<5000x64xf32>,
    return
  }
  func.func @transform_0(%arg0: i32) -> (i32, i32, i32) {
    %c0_i32 = arith.constant 0 : i32
    %c0_i32_0 = arith.constant 0 : i32
    %c0_i32_1 = arith.constant 0 : i32
    return %c0_i32, %arg0, %c0_i32_0 : i32, i32, i32
  }
  func.func @transform_1(%arg0: i32) -> (i32, i32) {
    %c0_i32 = arith.constant 0 : i32
    %c0_i32_0 = arith.constant 0 : i32
    return %arg0, %c0_i32 : i32, i32
  }
  func.func @transform_2(%arg0: i32) -> (i32, i32, i32) {
    %c0_i32 = arith.constant 0 : i32
    %c0_i32_0 = arith.constant 0 : i32
    %c0_i32_1 = arith.constant 0 : i32
    return %c0_i32, %arg0, %c0_i32_0 : i32, i32, i32
  }
  func.func @transform_3(%arg0: i32) -> (i32, i32) {
    %c0_i32 = arith.constant 0 : i32
    %c0_i32_0 = arith.constant 0 : i32
    %c0_i32_1 = arith.constant 0 : i32
    return %c0_i32, %c0_i32_0 : i32, i32
  }
  func.func @transform_4(%arg0: i32) -> (i32, i32) {
    %c0_i32 = arith.constant 0 : i32
    %c0_i32_0 = arith.constant 0 : i32
    %c0_i32_1 = arith.constant 0 : i32
    return %c0_i32, %c0_i32_0 : i32, i32
  }
  func.func @transform_5(%arg0: i32) -> (i32, i32) {
    %c0_i32 = arith.constant 0 : i32
    %c0_i32_0 = arith.constant 0 : i32
    return %arg0, %c0_i32 : i32, i32
  }
}

</mosaic_0001>

<sc_bundles>
// kernel: kernel.11.cloned.1.call-start
scs
__scs_entry_jumppad:
0x0: {  	(pc) =	sbr.rel $0x88, $3  }
0x1: {  	(tag) =	ssettag $0x0;
	lr =	simm.s32 $0x1  }
0x2: {  	[smem:$0x3F9B] =	sst lr;
	_ =	strace $0xD0000000  }
0x3: {  	_ = 	snop  }
0x4: {  	_ = 	snop  }
0x5: {  	_ = 	snop  }
0x6: {  	_ = 	snop  }
0x7: {  	_ = 	snop  }
__scs_overlays_trampoline_lowered:
0x8: {  	[smem:$0x3FAA] =	sst s0  }
0x9: {  	[smem:$0x3FAB] =	sst s1  }
0xa: {  	[smem:$0x3FAC] =	sst s2  }
0xb: {  	[smem:$0x3FAD] =	sst s3  }
0xc: {  	[smem:$0x3FAE] =	sst s4  }
0xd: {  	[smem:$0x3FAF] =	sst s5  }
0xe: {  	[smem:$0x3FB0] =	sst s6  }
0xf: {  	[smem:$0x3FB1] =	sst s7  }
0x10: {  	[smem:$0x3FB2] =	sst s8  }
0x11: {  	[smem:$0x3FB3] =	sst s9;
	s0 =	simm.s32 @!p0 $0x0  }
0x12: {  	s1 =	sld [smem:$0x3F99];
	s0 =	simm.s32 @p0 $0x1  }
0x13: {  	[smem:$0x3FB4] =	sst s0;
	s0 =	simm.s32 @!p1 $0x0  }
0x14: {  	s2 =	sld [smem:$0x3F98];
	s0 =	simm.s32 @p1 $0x1  }
0x15: {  	[smem:$0x3FB5] =	sst s0;
	s0 =	simm.s32 @!p2 $0x0  }
0x16: {  	s3 =	sld [smem:$0x3FDB];
	s0 =	simm.s32 @p2 $0x1  }
0x17: {  	s4 =	simm.s32 $0x1BF5;
	[smem:$0x3FB7] =	sst s0  }
0x18: {  	s0 =	sld [smem:$0x3F9A];
	_ =	swait.ge [sflag:s4], $0x0  }
0x19: {  	s7 =	sld [smem:$0x3F9B]  }
0x1a: {  	s8 =	sadd.s32 $0xFFFFE003, lr  }
0x1b: {  	s9 =	sadd.s32 $0xFFFFFEF7, lr;
	s5 =	simm.s32 $0xFFFFFFFF;
	p2 =	slt.u32 s8, $0xFFFFF086  }
0x1c: {  	p1 =	slt.u32 s9, $0xF7A;
	s5 =	simm.s32 @!p2 $0x0  }
0x1d: {  	s5 =	simm.s32 @p1 $0x1;
	p0 =	seq.s32 s7, s2  }
0x1e: {  	s7 =	smul.u32 @!p0 $0xF7A, s2;
	p2 =	seq.s32 @!p0 s5, $0x0  }
0x1f: {  	s9 =	smul.u32 $0xF7A, s1;
	s8 =	simm.s32 @!p0 $0x1BF5;
	p2 =	por !p2, p0  }
0x20: {  	[sflag:s8] =	ssyncset.s32 @!p0 $0xFFFFF086;
	s6 =	sadd.s32 @!p0 s3, s7;
	s7 =	simm.s32 @!p0 $0x108  }
0x21: {  	s3 =	sadd.s32 s3, s9;
	s6 =	sadd.s32 @!p0 $0x88, s6;
	s7 =	simm.s32 @p2 $0x1082  }
0x22: {  	[simem:s7], [sflag:s8] =	dma.local @!p0 [hbm:s6], $0xF7A  }
0x23: {  	s9 =	sor.u32 $0xD0000000, s2;
	s6 =	simm.s32 $0x108;
	_ =	swait.ge @!p0 [sflag:s8], $0x0  }
0x24: {  	s3 =	sadd.s32 $0x88, s3;
	s6 =	simm.s32 @!p1 $0x1082;
	[sflag:s4] =	ssyncset.s32 $0xFFFFF086  }
0x25: {  	[simem:s6], [sflag:s4] =	dma.local [hbm:s3], $0xF7A  }
0x26: {  	[smem:$0x3F9B] =	sst s1;
	(tag) =	ssettag s2;
	_ =	strace s9  }
0x27: {  	s1 =	sld [smem:$0x3FAB]  }
0x28: {  	s2 =	sld [smem:$0x3FAC]  }
0x29: {  	s4 =	sld [smem:$0x3FAE]  }
0x2a: {  	p0 =	seq.s32 s5, $0x0;
	s5 =	sld [smem:$0x3FAF]  }
0x2b: {  	s6 =	sld [smem:$0x3FB0]  }
0x2c: {  	s7 =	sld [smem:$0x3FB1]  }
0x2d: {  	s3 =	simm.s32 $0x108;
	s8 =	sld [smem:$0x3FB2]  }
0x2e: {  	s3 =	simm.s32 @!p0 $0x1082;
	s9 =	sld [smem:$0x3FB3]  }
0x2f: {  	lr =	sadd.s32 s0, s3;
	s0 =	sld [smem:$0x3FAA]  }
0x30: {  	s3 =	sld [smem:$0x3FAD]  }
0x31: {  	[smem:$0x3FB6] =	sst s10  }
0x32: {  	s10 =	sld [smem:$0x3FB4];
	_ =	sdelay $0x3  }
0x33: {  	p0 =	seq.s32 s10, $0x1;
	s10 =	sld [smem:$0x3FB6];
	_ =	sdelay $0x3  }
0x34: {  	[smem:$0x3FB6] =	sst s10  }
0x35: {  	s10 =	sld [smem:$0x3FB5];
	_ =	sdelay $0x3  }
0x36: {  	p1 =	seq.s32 s10, $0x1;
	s10 =	sld [smem:$0x3FB6];
	_ =	sdelay $0x3  }
0x37: {  	[smem:$0x3FB6] =	sst s10  }
0x38: {  	s10 =	sld [smem:$0x3FB7]  }
0x39: {  	_ = 	snop;
	(pc) =	sbr.ind lr, $3  }
0x3a: {  	_ = 	snop  }
0x3b: {  	_ = 	snop  }
0x3c: {  	p2 =	seq.s32 s10, $0x1;
	s10 =	sld [smem:$0x3FB6]  }
0x3d: {  	_ =	shalt  }
0x3e: {  	_ =	shalt  }
0x3f: {  	_ =	shalt  }
0x40: {  	_ =	shalt  }
0x41: {  	_ =	shalt  }
0x42: {  	_ =	shalt  }
0x43: {  	_ =	shalt  }
0x44: {  	_ =	shalt  }
0x45: {  	_ =	shalt  }
0x46: {  	_ =	shalt  }
0x47: {  	_ =	shalt  }
0x48: {  	_ =	shalt  }
0x49: {  	_ =	shalt  }
0x4a: {  	_ =	shalt  }
0x4b: {  	_ =	shalt  }
0x4c: {  	_ =	shalt  }
0x4d: {  	_ =	shalt  }
0x4e: {  	_ =	shalt  }
0x4f: {  	_ =	shalt  }
0x50: {  	_ =	shalt  }
0x51: {  	_ =	shalt  }
0x52: {  	_ =	shalt  }
0x53: {  	_ =	shalt  }
0x54: {  	_ =	shalt  }
0x55: {  	_ =	shalt  }
0x56: {  	_ =	shalt  }
0x57: {  	_ =	shalt  }
0x58: {  	_ =	shalt  }
0x59: {  	_ =	shalt  }
0x5a: {  	_ =	shalt  }
0x5b: {  	_ =	shalt  }
0x5c: {  	_ =	shalt  }
0x5d: {  	_ =	shalt  }
0x5e: {  	_ =	shalt  }
0x5f: {  	_ =	shalt  }
0x60: {  	_ =	shalt  }
0x61: {  	_ =	shalt  }
0x62: {  	_ =	shalt  }
0x63: {  	_ =	shalt  }
0x64: {  	_ =	shalt  }
0x65: {  	_ =	shalt  }
0x66: {  	_ =	shalt  }
0x67: {  	_ =	shalt  }
0x68: {  	_ =	shalt  }
0x69: {  	_ =	shalt  }
0x6a: {  	_ =	shalt  }
0x6b: {  	_ =	shalt  }
0x6c: {  	_ =	shalt  }
0x6d: {  	_ =	shalt  }
0x6e: {  	_ =	shalt  }
0x6f: {  	_ =	shalt  }
0x70: {  	_ =	shalt  }
0x71: {  	_ =	shalt  }
0x72: {  	_ =	shalt  }
0x73: {  	_ =	shalt  }
0x74: {  	_ =	shalt  }
0x75: {  	_ =	shalt  }
0x76: {  	_ =	shalt  }
0x77: {  	_ =	shalt  }
0x78: {  	_ =	shalt  }
0x79: {  	_ =	shalt  }
0x7a: {  	_ =	shalt  }
0x7b: {  	_ =	shalt  }
0x7c: {  	_ =	shalt  }
0x7d: {  	_ =	shalt  }
0x7e: {  	_ =	shalt  }
0x7f: {  	_ =	shalt  }
0x80: {  	_ =	shalt  }
0x81: {  	_ =	shalt  }
0x82: {  	_ =	shalt  }
0x83: {  	_ =	shalt  }
0x84: {  	_ =	shalt  }
0x85: {  	_ =	shalt  }
0x86: {  	_ =	shalt  }
0x87: {  	_ =	shalt  }
.Lfunc_end0:
.L_simem_size_0:
called_computation.1_lowered:
.L_overlay_start_0:
0x88: {  	s2 =	sld [smem:$0x3FD9]  }
0x89: {  	s3 =	sld [smem:$0x3FFE];
	_ =	sdelay $0x1  }
0x8a: {  	s1 =	srdreg.scid  }
0x8b: {  	s0 =	sand.u32 $0x1, s1  }
0x8c: {  	s16 =	sshll.u32 s0, $0xA;
	s2 =	sadd.s32 s3, s2  }
0x8d: {  	s2 =	sadd.s32 s2, s16  }
0x8e: {  	[smem:$0x3FC2] =	sst s2  }
0x8f: {  	_ = 	snop  }
0x90: {  	(tm) =	ssettm $0x1  }
0x91: {  	s17 =	sld [smem:$0x3FFB];
	_ =	sdelay $0x3  }
0x92: {  	_ =	strace s17  }
0x93: {  	s2 =	sld [smem:$0x3FFC];
	_ =	sdelay $0x3  }
0x94: {  	_ =	strace s2  }
0x95: {  	s2 =	sld [smem:$0x3FFD];
	_ =	sdelay $0x3  }
0x96: {  	_ =	strace s2  }
0x97: {  	_ =	strace $0x8FFFFFFF  }
0x98: {  	s18 =	sld [smem:$0x3FDB];
	_ =	sdelay $0x1  }
0x99: {  	s19 =	simm.s32 $_scs_section_size  }
0x9a: {  	s4 =	simm.s32 $_size__tile_overlayer_lowered;
	s5 =	simm.s32 $_tile_overlayer_lowered  }
0x9b: {  	s22 =	simm.s32 $0x1BFF;
	s21 =	sshll.u32 s5, $0x1;
	s2 =	sadd.s32 s19, s18  }
0x9c: {  	s6 =	simm.s32 $0x0;
	s20 =	sshll.u32 s4, $0x1;
	s4 =	sadd.s32 s21, s2  }
0x9d: {  	[timem:s6], [sflag:s22] =	dma.local [hbm:s4], s20  }
0x9e: {  	_ =	swait.ge [sflag:s22], s20  }
0x9f: {  	s3 =	ssub.s32 $0x0, s20;
	[sflag:s22] =	ssyncset.done $0x0  }
0xa0: {  	[sflag:s22] =	ssyncadd.s32 s3;
	_ =	sdelay $0x1  }
0xa1: {  	s23 =	simm.s32 $0x1B8B  }
0xa2: {  	_ =	swait.ge [sflag:s23], $0x1  }
0xa3: {  	[sflag:s23] =	ssyncset.done $0x0  }
0xa4: {  	s25 =	simm.s32 $0x1B8E;
	s24 =	sld [smem:$0x3FFE];
	[sflag:s23] =	ssyncadd.s32 $0xFFFFFFFF  }
0xa5: {  	s26 =	simm.s32 $execute0_lowered;
	[smem:$0x3FD2] =	sst s25  }
0xa6: {  	s4 =	sshll.u32 s26, $0x1;
	_ =	strace $0x80000049;
	[dreg:$0x1] =	wrdreg $0xFFFFFFFF  }
0xa7: {  	s28 =	simm.s32 $_size_execute0_lowered;
	s2 =	sadd.s32 s2, s4;
	[dreg:$0x0] =	wrdreg $0x0  }
0xa8: {  	s4 =	sshll.u32 s28, $0x1;
	[dreg:$0x2] =	wrdreg s2  }
0xa9: {  	[dreg:$0x3] =	wrdreg s4  }
0xaa: {  	[dreg:$0x4] =	wrdreg $0xC0  }
0xab: {  	_ =	task [dreg:s6], $0x5FFFF  }
0xac: {  	[dreg:$0x1] =	wrdreg $0xFFFFFFFF  }
0xad: {  	[dreg:$0x0] =	wrdreg $0x60  }
0xae: {  	[dreg:$0x2] =	wrdreg s24  }
0xaf: {  	[dreg:$0x3] =	wrdreg $0xA8000  }
0xb0: {  	[dreg:$0x4] =	wrdreg $0x9  }
0xb1: {  	_ =	task.clear_ibuf [dreg:s6], $0x5FFFF;
	_ =	strace $0x90000049  }
0xb2: {  	s29 =	simm.s32 $0x9;
	_ =	strace $0x8000004B  }
0xb3: {  	_ =	swait.ge [sflag:s29], $0x1  }
0xb4: {  	[sflag:s29] =	ssyncadd.s32 $0xFFFFFFFF  }
0xb5: {  	_ =	strace $0x9000004B  }
0xb6: {  	_ =	sfence  }
0xb7: {  	s30 =	sld [smem:$0x0];
	_ =	sdelay $0x2  }
0xb8: {  	s31 =	sshll.u32 s1, $0xD;
	s1 =	sshrl.u32 s1, $0x2  }
0xb9: {  	s3 =	sand.u32 $0x4000, s31;
	s1 =	sadd.s32 s1, s30  }
0xba: {  	s0 =	sor.u32 s3, s0;
	s1 =	sshll.u32 s1, $0x11  }
0xbb: {  	s0 =	sor.u32 s1, s0  }
0xbc: {  	s0 =	sadd.s32 $0x8F2B, s0  }
0xbd: {  	[sflag:s0] =	ssyncadd.remote.s32 $0x1  }
0xbe: {  	_ =	sfence.sel $0xFFFF  }
0xbf: {  	[dreg:$0x0] =	wrdreg $0xFFFFFFFF;
	(pc) =	sbr.abs _section_cstart, $3  }
0xc0: {  	[dreg:$0x1] =	wrdreg $0xFFFFFFFF  }
0xc1: {  	_ =	task.clear_ibuf [dreg:s6], $0x2FFFF;
	_ =	strace $0x9FFFFFFF  }
0xc2: {  	(tm) =	ssettm $0x7FFFFFFF  }
0xc3: {  	_ =	shalt  }
tec
execute0_lowered:
.L_overlay_start_1:
0x0: {  	(tag) =	ssettag $0x1  }
0x1: {  	s0 =	rddreg [dreg:$0x0];
	s1 =	srdreg.scid  }
0x2: {  	s2 =	rddreg [dreg:$0x1];
	s10 =	stileid.u32  }
0x3: {  	s3 =	simm.s32 $0x0;
	s1 =	sand.u32 $0x1, s1;
	s6 =	smul.u32 $0x13C00, s10  }
0x4: {  	s28 =	simm.s32 $0x80;
	s29 =	simm.s32 $0x4800;
	s5 =	smul.u32 $0x13C000, s1  }
0x5: {  	s30 =	simm.s32 $0x100;
	s31 =	simm.s32 $0x6800;
	s8 =	smul.u32 $0x4F000, s10  }
0x6: {  	s11 =	simm.s32 $0x2700;
	s4 =	sadd.s32 $0x7B000, s0;
	s6 =	sadd.s32 s6, s5  }
0x7: {  	s8 =	sshrl.u32 s8, $0x2;
	s5 =	sadd.s32 $0x17000, s0;
	s7 =	sshrl.u32 s6, $0x3  }
0x8: {  	s6 =	sadd.s32 $0x3000, s0;
	s0 =	sadd.s32 s7, s0;
	s7 =	sadd.s32 s8, s2  }
0x9: {  	s12 =	simm.s32 $0x2780;
	[smem:$0x7FF] =	sst s3;
	s8 =	sadd.s32 $0x2000, s7  }
0xa: {  	_ =	strace $0x8000004A;
	s19 =	sadd.s32 $0x4000, s7;
	[dreg:$0x3] =	wrdreg s8  }
0xb: {  	s18 =	ssub.s32 $0x2, s1;
	s20 =	sadd.s32 $0x6000, s7;
	[dreg:$0x4] =	wrdreg s19  }
0xc: {  	s1 =	sshll.u32 s1, $0x4;
	s21 =	sadd.s32 $0x8000, s7;
	[dreg:$0x5] =	wrdreg s20  }
0xd: {  	s9 =	sshrl.u32 s18, $0x1;
	s22 =	sadd.s32 $0xA000, s7;
	[dreg:$0x6] =	wrdreg s21  }
0xe: {  	s1 =	sor.u32 s10, s1;
	s23 =	sadd.s32 $0xC000, s7;
	[dreg:$0x7] =	wrdreg s22  }
0xf: {  	s10 =	simm.s32 $0x2680;
	s24 =	sadd.s32 $0xE000, s7;
	[dreg:$0x8] =	wrdreg s23  }
0x10: {  	s9 =	ssub.s32 s18, s9;
	s25 =	sadd.s32 $0x10000, s7;
	[dreg:$0x9] =	wrdreg s24  }
0x11: {  	s17 =	smul.u32 $0xA0, s1;
	s26 =	sadd.s32 $0x12000, s7;
	[dreg:$0xa] =	wrdreg s25  }
0x12: {  	s1 =	simm.s32 $0x8800;
	s0 =	sadd.s32 $0xA2200, s0;
	[dreg:$0xb] =	wrdreg s26  }
0x13: {  	[dreg:$0xc] =	wrdreg s0;
	s19 =	smax.u32 s9, $0x1;
	s20 =	simm.s32 $0x2800  }
0x14: {  	s21 =	simm.s32 $0x1;
	s22 =	simm.s32 $0x2;
	s23 =	simm.s32 $0x3  }
0x15: {  	s24 =	simm.s32 $0x4;
	s25 =	simm.s32 $0x1400;
	s26 =	simm.s32 $0x40  }
0x16: {  	v0 =	vimm.f32 $0.0e+00;
	s0 =	simm.s32 $0x180;
	s8 =	simm.s32 $0x5;
	s9 =	simm.s32 $0x2600  }
.LBB2_1:
0x17: {  	s13 =	simm.s32 $0x0;
	s14 =	simm.s32 $0x200  }
.LBB2_2:
0x18: {  	p0 =	sne.s32 s14, $0x7E00;
	[tilespmem:s13+$0x2870] =	vst v0  }
0x19: {  	[tilespmem:s13+$0x2800] =	vst v0  }
0x1a: {  	[tilespmem:s13+$0x2810] =	vst v0  }
.Ltmp0:
0x1b: {  	[tilespmem:s13+$0x2820] =	vst v0;
	(pc) =	sbr.rel @p0 .LBB2_2-.Ltmp0, $4  }
0x1c: {  	[tilespmem:s13+$0x2830] =	vst v0  }
0x1d: {  	[tilespmem:s13+$0x2840] =	vst v0  }
0x1e: {  	[tilespmem:s13+$0x2850] =	vst v0  }
0x1f: {  	[tilespmem:s13+$0x2860] =	vst v0;
	s13 =	sshra.s32 s14, $0x2;
	s14 =	sadd.s32 $0x200, s14  }
0x20: {  	[tilespmem:s13+$0x2870] =	vst v0  }
0x21: {  	[tilespmem:s13+$0x2800] =	vst v0  }
0x22: {  	[tilespmem:s13+$0x2810] =	vst v0  }
0x23: {  	[tilespmem:s13+$0x2820] =	vst v0  }
0x24: {  	[tilespmem:s13+$0x2830] =	vst v0  }
0x25: {  	[tilespmem:s13+$0x2840] =	vst v0  }
0x26: {  	[tilespmem:s13+$0x2850] =	vst v0  }
0x27: {  	[tilespmem:s13+$0x2860] =	vst v0  }
0x28: {  	[spmem:s7] =	stream.linear.scatter [tilespmem:s20], [sflag:$0x1], $0x2000, $0x38;
	[tilespmem:$0x1E400] =	vst v63  }
0x29: {  	s18 =	rddreg [dreg:$0x3]  }
0x2a: {  	[spmem:s18] =	stream.linear.scatter [tilespmem:s20], [sflag:$0x2], $0x2000, $0x38;
	[tilespmem:$0x1E400] =	vst v63  }
0x2b: {  	s14 =	rddreg [dreg:$0x4]  }
0x2c: {  	[spmem:s14] =	stream.linear.scatter [tilespmem:s20], [sflag:$0x3], $0x2000, $0x38;
	[tilespmem:$0x1E400] =	vst v63  }
0x2d: {  	s15 =	rddreg [dreg:$0x5]  }
0x2e: {  	[spmem:s15] =	stream.linear.scatter [tilespmem:s20], [sflag:$0x4], $0x2000, $0x38;
	[tilespmem:$0x1E400] =	vst v63  }
0x2f: {  	s16 =	rddreg [dreg:$0x6]  }
0x30: {  	[spmem:s16] =	stream.linear.scatter [tilespmem:s20], [sflag:$0x1], $0x2000, $0x38;
	[tilespmem:$0x1E400] =	vst v63  }
0x31: {  	s18 =	rddreg [dreg:$0x7]  }
0x32: {  	[spmem:s18] =	stream.linear.scatter [tilespmem:s20], [sflag:$0x2], $0x2000, $0x38;
	[tilespmem:$0x1E400] =	vst v63  }
0x33: {  	s14 =	rddreg [dreg:$0x8]  }
0x34: {  	[spmem:s14] =	stream.linear.scatter [tilespmem:s20], [sflag:$0x3], $0x2000, $0x38;
	[tilespmem:$0x1E400] =	vst v63  }
0x35: {  	s15 =	rddreg [dreg:$0x9]  }
0x36: {  	[spmem:s15] =	stream.linear.scatter [tilespmem:s20], [sflag:$0x4], $0x2000, $0x38;
	[tilespmem:$0x1E400] =	vst v63  }
0x37: {  	s16 =	rddreg [dreg:$0xa]  }
0x38: {  	[spmem:s16] =	stream.linear.scatter [tilespmem:s20], [sflag:$0x1], $0x2000, $0x38;
	[tilespmem:$0x1E400] =	vst v63  }
0x39: {  	s18 =	rddreg [dreg:$0xb]  }
0x3a: {  	[spmem:s18] =	stream.linear.scatter [tilespmem:s20], [sflag:$0x2], $0x1C00, $0x38;
	[tilespmem:$0x1E400] =	vst v63  }
0x3b: {  	_ =	swait.ge [sflag:s21], $0x2000  }
0x3c: {  	[sflag:s21] =	ssyncset.done $0x0  }
0x3d: {  	[sflag:s21] =	ssyncadd.s32 $0xFFFFE000  }
0x3e: {  	_ =	swait.ge [sflag:s22], $0x2000  }
0x3f: {  	[sflag:s22] =	ssyncset.done $0x0  }
0x40: {  	[sflag:s22] =	ssyncadd.s32 $0xFFFFE000  }
0x41: {  	_ =	swait.ge [sflag:s23], $0x2000  }
0x42: {  	[sflag:s23] =	ssyncset.done $0x0  }
0x43: {  	[sflag:s23] =	ssyncadd.s32 $0xFFFFE000  }
0x44: {  	_ =	swait.ge [sflag:s24], $0x2000  }
0x45: {  	[sflag:s24] =	ssyncset.done $0x0  }
0x46: {  	[sflag:s24] =	ssyncadd.s32 $0xFFFFE000  }
0x47: {  	_ =	swait.ge [sflag:s21], $0x2000  }
0x48: {  	[sflag:s21] =	ssyncset.done $0x0  }
0x49: {  	[sflag:s21] =	ssyncadd.s32 $0xFFFFE000  }
0x4a: {  	_ =	swait.ge [sflag:s22], $0x2000  }
0x4b: {  	[sflag:s22] =	ssyncset.done $0x0  }
0x4c: {  	[sflag:s22] =	ssyncadd.s32 $0xFFFFE000  }
0x4d: {  	_ =	swait.ge [sflag:s23], $0x2000  }
0x4e: {  	[sflag:s23] =	ssyncset.done $0x0  }
0x4f: {  	[sflag:s23] =	ssyncadd.s32 $0xFFFFE000  }
0x50: {  	_ =	swait.ge [sflag:s24], $0x2000  }
0x51: {  	[sflag:s24] =	ssyncset.done $0x0  }
0x52: {  	[sflag:s24] =	ssyncadd.s32 $0xFFFFE000  }
0x53: {  	_ =	swait.ge [sflag:s21], $0x2000  }
0x54: {  	[sflag:s21] =	ssyncset.done $0x0  }
0x55: {  	[sflag:s21] =	ssyncadd.s32 $0xFFFFE000  }
0x56: {  	_ =	swait.ge [sflag:s22], $0x1C00  }
0x57: {  	[sflag:s22] =	ssyncset.done $0x0  }
0x58: {  	[sflag:s22] =	ssyncadd.s32 $0xFFFFE400  }
0x59: {  	s13 =	simm.s32 $0x0;
	s14 =	simm.s32 $0x0;
	[bflag:$0x0] =	sbarrier.arrive $0xFFFF  }
.LBB2_4:
0x5a: {  	s15 =	smul.u32 $0x28, s14;
	_ =	sdelay $0x1  }
0x5b: {  	s15 =	sadd.s32 s17, s15  }
0x5c: {  	s15 =	sshll.u32 s15, $0x4  }
0x5d: {  	s16 =	sadd.s32 s5, s15  }
0x5e: {  	[tilespmem:s13], [sflag:$0x1] =	stream.linear.gather [hbm4b:s16+s13], $0x1400, $0x38;
	[tilespmem:$0x1E400] =	vst v63  }
0x5f: {  	s15 =	sadd.s32 s6, s15  }
0x60: {  	[tilespmem:s25], [sflag:$0x2] =	stream.linear.gather [hbm4b:s15+s13], $0x1400, $0x38;
	[tilespmem:$0x1E400] =	vst v63  }
0x61: {  	_ =	swait.ge [sflag:s21], $0x1400  }
0x62: {  	[sflag:s21] =	ssyncset.done $0x0  }
0x63: {  	[sflag:s21] =	ssyncadd.s32 $0xFFFFEC00  }
0x64: {  	_ =	swait.ge [sflag:s22], $0x1400  }
0x65: {  	[sflag:s22] =	ssyncset.done $0x0  }
0x66: {  	[sflag:s22] =	ssyncadd.s32 $0xFFFFEC00  }
0x67: {  	[tilespmem:s20], [sflag:$0x1] =	stream.indirect.gather [hbm4b:s4+s26], $0x80, s13, s26, $0xb8;
	[tilespmem:$0x1E400] =	vst v63  }
0x68: {  	_ = 	snop  }
0x69: {  	[tilespmem:s29], [sflag:$0x2] =	stream.indirect.gather [hbm4b:s4+s26], $0x80, s28, s26, $0xb8;
	[tilespmem:$0x1E400] =	vst v63  }
0x6a: {  	_ = 	snop  }
0x6b: {  	[tilespmem:s31], [sflag:$0x3] =	stream.indirect.gather [hbm4b:s4+s26], $0x80, s30, s26, $0xb8;
	[tilespmem:$0x1E400] =	vst v63  }
0x6c: {  	_ = 	snop  }
0x6d: {  	[tilespmem:s1], [sflag:$0x4] =	stream.indirect.gather [hbm4b:s4+s26], $0x80, s0, s26, $0xb8;
	[tilespmem:$0x1E400] =	vst v63  }
0x6e: {  	_ =	swait.ge [sflag:s21], $0x2000  }
0x6f: {  	[sflag:s21] =	ssyncset.done $0x0  }
0x70: {  	s18 =	simm.s32 $0x1400;
	[sflag:s21] =	ssyncadd.s32 $0xFFFFE000  }
0x71: {  	[spmem:s2] =	stream.indirect.scatter.add.f32 [tilespmem:s20], [sflag:$0x5], $0x80, s18, s26, $0xb8;
	[tilespmem:$0x1E400] =	vst v63  }
0x72: {  	_ =	swait.ge [sflag:s8], $0x2000  }
0x73: {  	[sflag:s8] =	ssyncset.done $0x0  }
0x74: {  	s16 =	simm.s32 $0x200;
	[sflag:s8] =	ssyncadd.s32 $0xFFFFE000  }
0x75: {  	[tilespmem:s20], [sflag:$0x1] =	stream.indirect.gather [hbm4b:s4+s26], $0x80, s16, s26, $0xb8;
	[tilespmem:$0x1E400] =	vst v63  }
0x76: {  	_ =	swait.ge [sflag:s22], $0x2000  }
0x77: {  	[sflag:s22] =	ssyncset.done $0x0  }
0x78: {  	s18 =	simm.s32 $0x1480;
	[sflag:s22] =	ssyncadd.s32 $0xFFFFE000  }
0x79: {  	[spmem:s2] =	stream.indirect.scatter.add.f32 [tilespmem:s29], [sflag:$0x5], $0x80, s18, s26, $0xb8;
	[tilespmem:$0x1E400] =	vst v63  }
0x7a: {  	_ =	swait.ge [sflag:s8], $0x2000  }
0x7b: {  	[sflag:s8] =	ssyncset.done $0x0  }
0x7c: {  	s16 =	simm.s32 $0x280;
	[sflag:s8] =	ssyncadd.s32 $0xFFFFE000  }
0x7d: {  	[tilespmem:s29], [sflag:$0x2] =	stream.indirect.gather [hbm4b:s4+s26], $0x80, s16, s26, $0xb8;
	[tilespmem:$0x1E400] =	vst v63  }
0x7e: {  	_ =	swait.ge [sflag:s23], $0x2000  }
0x7f: {  	[sflag:s23] =	ssyncset.done $0x0  }
0x80: {  	s18 =	simm.s32 $0x1500;
	[sflag:s23] =	ssyncadd.s32 $0xFFFFE000  }
0x81: {  	[spmem:s2] =	stream.indirect.scatter.add.f32 [tilespmem:s31], [sflag:$0x5], $0x80, s18, s26, $0xb8;
	[tilespmem:$0x1E400] =	vst v63  }
0x82: {  	_ =	swait.ge [sflag:s8], $0x2000  }
0x83: {  	[sflag:s8] =	ssyncset.done $0x0  }
0x84: {  	s16 =	simm.s32 $0x300;
	[sflag:s8] =	ssyncadd.s32 $0xFFFFE000  }
0x85: {  	[tilespmem:s31], [sflag:$0x3] =	stream.indirect.gather [hbm4b:s4+s26], $0x80, s16, s26, $0xb8;
	[tilespmem:$0x1E400] =	vst v63  }
0x86: {  	_ =	swait.ge [sflag:s24], $0x2000  }
0x87: {  	[sflag:s24] =	ssyncset.done $0x0  }
0x88: {  	s18 =	simm.s32 $0x1580;
	[sflag:s24] =	ssyncadd.s32 $0xFFFFE000  }
0x89: {  	[spmem:s2] =	stream.indirect.scatter.add.f32 [tilespmem:s1], [sflag:$0x5], $0x80, s18, s26, $0xb8;
	[tilespmem:$0x1E400] =	vst v63  }
0x8a: {  	_ =	swait.ge [sflag:s8], $0x2000  }
0x8b: {  	[sflag:s8] =	ssyncset.done $0x0  }
0x8c: {  	s15 =	simm.s32 $0x800;
	s16 =	simm.s32 $0x380;
	[sflag:s8] =	ssyncadd.s32 $0xFFFFE000  }
.LBB2_5:
0x8d: {  	[tilespmem:s1], [sflag:$0x4] =	stream.indirect.gather [hbm4b:s4+s26], $0x80, s16, s26, $0xb8;
	[tilespmem:$0x1E400] =	vst v63  }
0x8e: {  	s16 =	smov.u32 s15  }
0x8f: {  	p0 =	sne.s32 s15, $0x4000;
	s15 =	sadd.s32 $0x800, s15;
	_ =	swait.ge [sflag:s21], $0x2000  }
0x90: {  	s16 =	sshra.s32 s16, $0x2;
	[sflag:s21] =	ssyncset.done $0x0  }
0x91: {  	s18 =	sadd.s32 $0x1400, s16;
	[sflag:s21] =	ssyncadd.s32 $0xFFFFE000  }
0x92: {  	[spmem:s2] =	stream.indirect.scatter.add.f32 [tilespmem:s20], [sflag:$0x5], $0x80, s18, s26, $0xb8;
	[tilespmem:$0x1E400] =	vst v63  }
0x93: {  	_ =	swait.ge [sflag:s8], $0x2000  }
0x94: {  	[sflag:s8] =	ssyncset.done $0x0  }
0x95: {  	s18 =	sadd.s32 $0x200, s16;
	[sflag:s8] =	ssyncadd.s32 $0xFFFFE000  }
0x96: {  	[tilespmem:s20], [sflag:$0x1] =	stream.indirect.gather [hbm4b:s4+s26], $0x80, s18, s26, $0xb8;
	[tilespmem:$0x1E400] =	vst v63  }
0x97: {  	_ =	swait.ge [sflag:s22], $0x2000  }
0x98: {  	[sflag:s22] =	ssyncset.done $0x0  }
0x99: {  	s18 =	sadd.s32 $0x1480, s16;
	[sflag:s22] =	ssyncadd.s32 $0xFFFFE000  }
0x9a: {  	[spmem:s2] =	stream.indirect.scatter.add.f32 [tilespmem:s29], [sflag:$0x5], $0x80, s18, s26, $0xb8;
	[tilespmem:$0x1E400] =	vst v63  }
0x9b: {  	_ =	swait.ge [sflag:s8], $0x2000  }
0x9c: {  	[sflag:s8] =	ssyncset.done $0x0  }
0x9d: {  	s18 =	sadd.s32 $0x280, s16;
	[sflag:s8] =	ssyncadd.s32 $0xFFFFE000  }
0x9e: {  	[tilespmem:s29], [sflag:$0x2] =	stream.indirect.gather [hbm4b:s4+s26], $0x80, s18, s26, $0xb8;
	[tilespmem:$0x1E400] =	vst v63  }
0x9f: {  	_ =	swait.ge [sflag:s23], $0x2000  }
0xa0: {  	[sflag:s23] =	ssyncset.done $0x0  }
0xa1: {  	s18 =	sadd.s32 $0x1500, s16;
	[sflag:s23] =	ssyncadd.s32 $0xFFFFE000  }
0xa2: {  	[spmem:s2] =	stream.indirect.scatter.add.f32 [tilespmem:s31], [sflag:$0x5], $0x80, s18, s26, $0xb8;
	[tilespmem:$0x1E400] =	vst v63  }
0xa3: {  	_ =	swait.ge [sflag:s8], $0x2000  }
0xa4: {  	[sflag:s8] =	ssyncset.done $0x0  }
0xa5: {  	s18 =	sadd.s32 $0x300, s16;
	[sflag:s8] =	ssyncadd.s32 $0xFFFFE000  }
0xa6: {  	[tilespmem:s31], [sflag:$0x3] =	stream.indirect.gather [hbm4b:s4+s26], $0x80, s18, s26, $0xb8;
	[tilespmem:$0x1E400] =	vst v63  }
0xa7: {  	_ =	swait.ge [sflag:s24], $0x2000  }
0xa8: {  	[sflag:s24] =	ssyncset.done $0x0  }
.Ltmp1:
0xa9: {  	s18 =	sadd.s32 $0x1580, s16;
	[sflag:s24] =	ssyncadd.s32 $0xFFFFE000;
	(pc) =	sbr.rel @p0 .LBB2_5-.Ltmp1, $4  }
0xaa: {  	[spmem:s2] =	stream.indirect.scatter.add.f32 [tilespmem:s1], [sflag:$0x5], $0x80, s18, s26, $0xb8;
	[tilespmem:$0x1E400] =	vst v63  }
0xab: {  	_ =	swait.ge [sflag:s8], $0x2000  }
0xac: {  	[sflag:s8] =	ssyncset.done $0x0  }
0xad: {  	s16 =	sadd.s32 $0x380, s16;
	[sflag:s8] =	ssyncadd.s32 $0xFFFFE000  }
0xae: {  	[tilespmem:s1], [sflag:$0x4] =	stream.indirect.gather [hbm4b:s4+s26], $0x80, s16, s26, $0xb8;
	[tilespmem:$0x1E400] =	vst v63  }
0xaf: {  	_ =	swait.ge [sflag:s21], $0x2000  }
0xb0: {  	[sflag:s21] =	ssyncset.done $0x0  }
0xb1: {  	[sflag:s21] =	ssyncadd.s32 $0xFFFFE000  }
0xb2: {  	[spmem:s2] =	stream.indirect.scatter.add.f32 [tilespmem:s20], [sflag:$0x5], $0x80, s9, s26, $0xb8;
	[tilespmem:$0x1E400] =	vst v63  }
0xb3: {  	_ =	swait.ge [sflag:s8], $0x2000  }
0xb4: {  	[sflag:s8] =	ssyncset.done $0x0  }
0xb5: {  	[sflag:s8] =	ssyncadd.s32 $0xFFFFE000  }
0xb6: {  	_ =	swait.ge [sflag:s22], $0x2000  }
0xb7: {  	[sflag:s22] =	ssyncset.done $0x0  }
0xb8: {  	[sflag:s22] =	ssyncadd.s32 $0xFFFFE000  }
0xb9: {  	[spmem:s2] =	stream.indirect.scatter.add.f32 [tilespmem:s29], [sflag:$0x5], $0x80, s10, s26, $0xb8;
	[tilespmem:$0x1E400] =	vst v63  }
0xba: {  	_ =	swait.ge [sflag:s8], $0x2000  }
0xbb: {  	[sflag:s8] =	ssyncset.done $0x0  }
0xbc: {  	[sflag:s8] =	ssyncadd.s32 $0xFFFFE000  }
0xbd: {  	_ =	swait.ge [sflag:s23], $0x2000  }
0xbe: {  	[sflag:s23] =	ssyncset.done $0x0  }
0xbf: {  	[sflag:s23] =	ssyncadd.s32 $0xFFFFE000  }
0xc0: {  	[spmem:s2] =	stream.indirect.scatter.add.f32 [tilespmem:s31], [sflag:$0x5], $0x80, s11, s26, $0xb8;
	[tilespmem:$0x1E400] =	vst v63  }
0xc1: {  	_ =	swait.ge [sflag:s8], $0x2000  }
0xc2: {  	[sflag:s8] =	ssyncset.done $0x0  }
0xc3: {  	[sflag:s8] =	ssyncadd.s32 $0xFFFFE000  }
0xc4: {  	s14 =	sadd.s32 $0x1, s14;
	_ =	swait.ge [sflag:s24], $0x2000  }
0xc5: {  	p0 =	sne.s32 s14, $0x4;
	[sflag:s24] =	ssyncset.done $0x0  }
.Ltmp2:
0xc6: {  	[sflag:s24] =	ssyncadd.s32 $0xFFFFE000;
	(pc) =	sbr.rel @p0 .LBB2_4-.Ltmp2, $4  }
0xc7: {  	[spmem:s2] =	stream.indirect.scatter.add.f32 [tilespmem:s1], [sflag:$0x5], $0x80, s12, s26, $0xb8;
	[tilespmem:$0x1E400] =	vst v63  }
0xc8: {  	_ =	swait.ge [sflag:s8], $0x2000  }
0xc9: {  	[sflag:s8] =	ssyncset.done $0x0  }
0xca: {  	[sflag:s8] =	ssyncadd.s32 $0xFFFFE000  }
0xcb: {  	s13 =	stileid.u32;
	[bflag:$0x0] =	sbarrier.arrive $0xFFFF;
	s3 =	sadd.s32 $0x1, s3  }
0xcc: {  	s14 =	sshrl.u32 s7, $0x3;
	s13 =	sshll.u32 s13, $0x6;
	p0 =	sne.s32 s3, s19  }
.Ltmp3:
0xcd: {  	s15 =	rddreg [dreg:$0xc];
	s13 =	sor.u32 $0x1C05, s13;
	(pc) =	sbr.rel @p0 .LBB2_1-.Ltmp3, $4  }
0xce: {  	[hbm:s15], [sflag:s13] =	dma.local [spmem:s14], $0x2780  }
0xcf: {  	_ =	swait.ge [sflag:s8], $0x2780  }
0xd0: {  	[sflag:s8] =	ssyncset.done $0x0  }
0xd1: {  	[sflag:s8] =	ssyncadd.s32 $0xFFFFD880  }
0xd2: {  	_ =	sfence.sel $0x180000  }
0xd3: {  	[bflag:$0x0] =	sbarrier.arrive $0xFFFF  }
0xd4: {  	_ =	strace $0x9000004A  }
0xd5: {  	s0 =	stileid.u32;
	[bflag:$0x2] =	sbarrier.arrive $0xFFFF  }
0xd6: {  	p0 =	sne.s32 s0, $0x0;
	s0 =	rddreg [dreg:$0x2]  }
0xd7: {  	s0 =	sadd.s32 @!p0 $0x100000, s0  }
0xd8: {  	[sflag:s0] =	ssyncadd.tile.s32 @!p0 $0x1;
	_ =	shalt  }
.Lfunc_end2:
_tile_overlayer_lowered:
.L_overlay_start_2:
0xd9: {  	(tag) =	ssettag $0x2  }
0xda: {  	s0 =	rddreg [dreg:$0x0];
	s2 =	stileid.u32  }
0xdb: {  	s1 =	rddreg [dreg:$0x1];
	p0 =	sne.s32 s2, $0x0  }
0xdc: {  	s3 =	rddreg [dreg:$0x2];
	[bflag:$0x3] =	sbarrier.arrive $0xFFFF;
	s2 =	simm.s32 @!p0 $0x1C05  }
0xdd: {  	[timem:s3], [sflag:s2] =	dma.local @!p0 [hbm:s0], s1  }
0xde: {  	s0 =	simm.s32 @!p0 $0x5  }
0xdf: {  	_ =	swait.ge @!p0 [sflag:s0], s1  }
0xe0: {  	s1 =	ssub.s32 @!p0 $0x0, s1;
	[sflag:s0] =	ssyncset.done @!p0 $0x0  }
0xe1: {  	[sflag:s0] =	ssyncadd.s32 @!p0 s1  }
0xe2: {  	[bflag:$0x3] =	sbarrier.arrive $0xFFFF  }
0xe3: {  	_ =	shalt  }

// kernel: kernel.14.cloned.1.call-start
scs
__scs_entry_jumppad:
0x0: {  	(pc) =	sbr.rel $0x88, $3  }
0x1: {  	(tag) =	ssettag $0x0;
	lr =	simm.s32 $0x1  }
0x2: {  	[smem:$0x3F9B] =	sst lr;
	_ =	strace $0xD0000000  }
0x3: {  	_ = 	snop  }
0x4: {  	_ = 	snop  }
0x5: {  	_ = 	snop  }
0x6: {  	_ = 	snop  }
0x7: {  	_ = 	snop  }
__scs_overlays_trampoline_lowered:
0x8: {  	[smem:$0x3FAA] =	sst s0  }
0x9: {  	[smem:$0x3FAB] =	sst s1  }
0xa: {  	[smem:$0x3FAC] =	sst s2  }
0xb: {  	[smem:$0x3FAD] =	sst s3  }
0xc: {  	[smem:$0x3FAE] =	sst s4  }
0xd: {  	[smem:$0x3FAF] =	sst s5  }
0xe: {  	[smem:$0x3FB0] =	sst s6  }
0xf: {  	[smem:$0x3FB1] =	sst s7  }
0x10: {  	[smem:$0x3FB2] =	sst s8  }
0x11: {  	[smem:$0x3FB3] =	sst s9;
	s0 =	simm.s32 @!p0 $0x0  }
0x12: {  	s1 =	sld [smem:$0x3F99];
	s0 =	simm.s32 @p0 $0x1  }
0x13: {  	[smem:$0x3FB4] =	sst s0;
	s0 =	simm.s32 @!p1 $0x0  }
0x14: {  	s2 =	sld [smem:$0x3F98];
	s0 =	simm.s32 @p1 $0x1  }
0x15: {  	[smem:$0x3FB5] =	sst s0;
	s0 =	simm.s32 @!p2 $0x0  }
0x16: {  	s3 =	sld [smem:$0x3FDB];
	s0 =	simm.s32 @p2 $0x1  }
0x17: {  	s4 =	simm.s32 $0x1BF5;
	[smem:$0x3FB7] =	sst s0  }
0x18: {  	s0 =	sld [smem:$0x3F9A];
	_ =	swait.ge [sflag:s4], $0x0  }
0x19: {  	s7 =	sld [smem:$0x3F9B]  }
0x1a: {  	s8 =	sadd.s32 $0xFFFFE003, lr  }
0x1b: {  	s9 =	sadd.s32 $0xFFFFFEF7, lr;
	s5 =	simm.s32 $0xFFFFFFFF;
	p2 =	slt.u32 s8, $0xFFFFF086  }
0x1c: {  	p1 =	slt.u32 s9, $0xF7A;
	s5 =	simm.s32 @!p2 $0x0  }
0x1d: {  	s5 =	simm.s32 @p1 $0x1;
	p0 =	seq.s32 s7, s2  }
0x1e: {  	s7 =	smul.u32 @!p0 $0xF7A, s2;
	p2 =	seq.s32 @!p0 s5, $0x0  }
0x1f: {  	s9 =	smul.u32 $0xF7A, s1;
	s8 =	simm.s32 @!p0 $0x1BF5;
	p2 =	por !p2, p0  }
0x20: {  	[sflag:s8] =	ssyncset.s32 @!p0 $0xFFFFF086;
	s6 =	sadd.s32 @!p0 s3, s7;
	s7 =	simm.s32 @!p0 $0x108  }
0x21: {  	s3 =	sadd.s32 s3, s9;
	s6 =	sadd.s32 @!p0 $0x88, s6;
	s7 =	simm.s32 @p2 $0x1082  }
0x22: {  	[simem:s7], [sflag:s8] =	dma.local @!p0 [hbm:s6], $0xF7A  }
0x23: {  	s9 =	sor.u32 $0xD0000000, s2;
	s6 =	simm.s32 $0x108;
	_ =	swait.ge @!p0 [sflag:s8], $0x0  }
0x24: {  	s3 =	sadd.s32 $0x88, s3;
	s6 =	simm.s32 @!p1 $0x1082;
	[sflag:s4] =	ssyncset.s32 $0xFFFFF086  }
0x25: {  	[simem:s6], [sflag:s4] =	dma.local [hbm:s3], $0xF7A  }
0x26: {  	[smem:$0x3F9B] =	sst s1;
	(tag) =	ssettag s2;
	_ =	strace s9  }
0x27: {  	s1 =	sld [smem:$0x3FAB]  }
0x28: {  	s2 =	sld [smem:$0x3FAC]  }
0x29: {  	s4 =	sld [smem:$0x3FAE]  }
0x2a: {  	p0 =	seq.s32 s5, $0x0;
	s5 =	sld [smem:$0x3FAF]  }
0x2b: {  	s6 =	sld [smem:$0x3FB0]  }
0x2c: {  	s7 =	sld [smem:$0x3FB1]  }
0x2d: {  	s3 =	simm.s32 $0x108;
	s8 =	sld [smem:$0x3FB2]  }
0x2e: {  	s3 =	simm.s32 @!p0 $0x1082;
	s9 =	sld [smem:$0x3FB3]  }
0x2f: {  	lr =	sadd.s32 s0, s3;
	s0 =	sld [smem:$0x3FAA]  }
0x30: {  	s3 =	sld [smem:$0x3FAD]  }
0x31: {  	[smem:$0x3FB6] =	sst s10  }
0x32: {  	s10 =	sld [smem:$0x3FB4];
	_ =	sdelay $0x3  }
0x33: {  	p0 =	seq.s32 s10, $0x1;
	s10 =	sld [smem:$0x3FB6];
	_ =	sdelay $0x3  }
0x34: {  	[smem:$0x3FB6] =	sst s10  }
0x35: {  	s10 =	sld [smem:$0x3FB5];
	_ =	sdelay $0x3  }
0x36: {  	p1 =	seq.s32 s10, $0x1;
	s10 =	sld [smem:$0x3FB6];
	_ =	sdelay $0x3  }
0x37: {  	[smem:$0x3FB6] =	sst s10  }
0x38: {  	s10 =	sld [smem:$0x3FB7]  }
0x39: {  	_ = 	snop;
	(pc) =	sbr.ind lr, $3  }
0x3a: {  	_ = 	snop  }
0x3b: {  	_ = 	snop  }
0x3c: {  	p2 =	seq.s32 s10, $0x1;
	s10 =	sld [smem:$0x3FB6]  }
0x3d: {  	_ =	shalt  }
0x3e: {  	_ =	shalt  }
0x3f: {  	_ =	shalt  }
0x40: {  	_ =	shalt  }
0x41: {  	_ =	shalt  }
0x42: {  	_ =	shalt  }
0x43: {  	_ =	shalt  }
0x44: {  	_ =	shalt  }
0x45: {  	_ =	shalt  }
0x46: {  	_ =	shalt  }
0x47: {  	_ =	shalt  }
0x48: {  	_ =	shalt  }
0x49: {  	_ =	shalt  }
0x4a: {  	_ =	shalt  }
0x4b: {  	_ =	shalt  }
0x4c: {  	_ =	shalt  }
0x4d: {  	_ =	shalt  }
0x4e: {  	_ =	shalt  }
0x4f: {  	_ =	shalt  }
0x50: {  	_ =	shalt  }
0x51: {  	_ =	shalt  }
0x52: {  	_ =	shalt  }
0x53: {  	_ =	shalt  }
0x54: {  	_ =	shalt  }
0x55: {  	_ =	shalt  }
0x56: {  	_ =	shalt  }
0x57: {  	_ =	shalt  }
0x58: {  	_ =	shalt  }
0x59: {  	_ =	shalt  }
0x5a: {  	_ =	shalt  }
0x5b: {  	_ =	shalt  }
0x5c: {  	_ =	shalt  }
0x5d: {  	_ =	shalt  }
0x5e: {  	_ =	shalt  }
0x5f: {  	_ =	shalt  }
0x60: {  	_ =	shalt  }
0x61: {  	_ =	shalt  }
0x62: {  	_ =	shalt  }
0x63: {  	_ =	shalt  }
0x64: {  	_ =	shalt  }
0x65: {  	_ =	shalt  }
0x66: {  	_ =	shalt  }
0x67: {  	_ =	shalt  }
0x68: {  	_ =	shalt  }
0x69: {  	_ =	shalt  }
0x6a: {  	_ =	shalt  }
0x6b: {  	_ =	shalt  }
0x6c: {  	_ =	shalt  }
0x6d: {  	_ =	shalt  }
0x6e: {  	_ =	shalt  }
0x6f: {  	_ =	shalt  }
0x70: {  	_ =	shalt  }
0x71: {  	_ =	shalt  }
0x72: {  	_ =	shalt  }
0x73: {  	_ =	shalt  }
0x74: {  	_ =	shalt  }
0x75: {  	_ =	shalt  }
0x76: {  	_ =	shalt  }
0x77: {  	_ =	shalt  }
0x78: {  	_ =	shalt  }
0x79: {  	_ =	shalt  }
0x7a: {  	_ =	shalt  }
0x7b: {  	_ =	shalt  }
0x7c: {  	_ =	shalt  }
0x7d: {  	_ =	shalt  }
0x7e: {  	_ =	shalt  }
0x7f: {  	_ =	shalt  }
0x80: {  	_ =	shalt  }
0x81: {  	_ =	shalt  }
0x82: {  	_ =	shalt  }
0x83: {  	_ =	shalt  }
0x84: {  	_ =	shalt  }
0x85: {  	_ =	shalt  }
0x86: {  	_ =	shalt  }
0x87: {  	_ =	shalt  }
.Lfunc_end0:
.L_simem_size_0:
called_computation.2_lowered:
.L_overlay_start_0:
0x88: {  	s2 =	sld [smem:$0x3FD9]  }
0x89: {  	s3 =	sld [smem:$0x3FFE];
	_ =	sdelay $0x1  }
0x8a: {  	s1 =	srdreg.scid  }
0x8b: {  	s0 =	sand.u32 $0x1, s1  }
0x8c: {  	s16 =	sshll.u32 s0, $0xA;
	s2 =	sadd.s32 s3, s2  }
0x8d: {  	s2 =	sadd.s32 s2, s16  }
0x8e: {  	[smem:$0x3FC2] =	sst s2  }
0x8f: {  	_ = 	snop  }
0x90: {  	(tm) =	ssettm $0x1  }
0x91: {  	s17 =	sld [smem:$0x3FFB];
	_ =	sdelay $0x3  }
0x92: {  	_ =	strace s17  }
0x93: {  	s2 =	sld [smem:$0x3FFC];
	_ =	sdelay $0x3  }
0x94: {  	_ =	strace s2  }
0x95: {  	s2 =	sld [smem:$0x3FFD];
	_ =	sdelay $0x3  }
0x96: {  	_ =	strace s2  }
0x97: {  	_ =	strace $0x8FFFFFFF  }
0x98: {  	s18 =	sld [smem:$0x3FDB];
	_ =	sdelay $0x1  }
0x99: {  	s19 =	simm.s32 $_scs_section_size  }
0x9a: {  	s4 =	simm.s32 $_size__tile_overlayer_lowered;
	s5 =	simm.s32 $_tile_overlayer_lowered  }
0x9b: {  	s22 =	simm.s32 $0x1BFF;
	s21 =	sshll.u32 s5, $0x1;
	s2 =	sadd.s32 s19, s18  }
0x9c: {  	s6 =	simm.s32 $0x0;
	s20 =	sshll.u32 s4, $0x1;
	s4 =	sadd.s32 s21, s2  }
0x9d: {  	[timem:s6], [sflag:s22] =	dma.local [hbm:s4], s20  }
0x9e: {  	_ =	swait.ge [sflag:s22], s20  }
0x9f: {  	s3 =	ssub.s32 $0x0, s20;
	[sflag:s22] =	ssyncset.done $0x0  }
0xa0: {  	[sflag:s22] =	ssyncadd.s32 s3;
	_ =	sdelay $0x1  }
0xa1: {  	s23 =	simm.s32 $0x1B8B  }
0xa2: {  	_ =	swait.ge [sflag:s23], $0x1  }
0xa3: {  	[sflag:s23] =	ssyncset.done $0x0  }
0xa4: {  	s25 =	simm.s32 $0x1B8E;
	s24 =	sld [smem:$0x3FFE];
	[sflag:s23] =	ssyncadd.s32 $0xFFFFFFFF  }
0xa5: {  	s26 =	simm.s32 $execute0_lowered;
	[smem:$0x3FD2] =	sst s25  }
0xa6: {  	s4 =	sshll.u32 s26, $0x1;
	_ =	strace $0x8000004C;
	[dreg:$0x1] =	wrdreg $0xFFFFFFFF  }
0xa7: {  	s28 =	simm.s32 $_size_execute0_lowered;
	s2 =	sadd.s32 s2, s4;
	[dreg:$0x0] =	wrdreg $0x0  }
0xa8: {  	s4 =	sshll.u32 s28, $0x1;
	[dreg:$0x2] =	wrdreg s2  }
0xa9: {  	[dreg:$0x3] =	wrdreg s4  }
0xaa: {  	[dreg:$0x4] =	wrdreg $0xC0  }
0xab: {  	_ =	task [dreg:s6], $0x5FFFF  }
0xac: {  	[dreg:$0x1] =	wrdreg $0xFFFFFFFF  }
0xad: {  	[dreg:$0x0] =	wrdreg $0x60  }
0xae: {  	[dreg:$0x2] =	wrdreg s24  }
0xaf: {  	[dreg:$0x3] =	wrdreg $0xA8000  }
0xb0: {  	[dreg:$0x4] =	wrdreg $0x9  }
0xb1: {  	_ =	task.clear_ibuf [dreg:s6], $0x5FFFF;
	_ =	strace $0x9000004C  }
0xb2: {  	s29 =	simm.s32 $0x9;
	_ =	strace $0x8000004E  }
0xb3: {  	_ =	swait.ge [sflag:s29], $0x1  }
0xb4: {  	[sflag:s29] =	ssyncadd.s32 $0xFFFFFFFF  }
0xb5: {  	_ =	strace $0x9000004E  }
0xb6: {  	_ =	sfence  }
0xb7: {  	s30 =	sld [smem:$0x0];
	_ =	sdelay $0x2  }
0xb8: {  	s31 =	sshll.u32 s1, $0xD;
	s1 =	sshrl.u32 s1, $0x2  }
0xb9: {  	s3 =	sand.u32 $0x4000, s31;
	s1 =	sadd.s32 s1, s30  }
0xba: {  	s0 =	sor.u32 s3, s0;
	s1 =	sshll.u32 s1, $0x11  }
0xbb: {  	s0 =	sor.u32 s1, s0  }
0xbc: {  	s0 =	sadd.s32 $0x8F2B, s0  }
0xbd: {  	[sflag:s0] =	ssyncadd.remote.s32 $0x1  }
0xbe: {  	_ =	sfence.sel $0xFFFF  }
0xbf: {  	[dreg:$0x0] =	wrdreg $0xFFFFFFFF;
	(pc) =	sbr.abs _section_cstart, $3  }
0xc0: {  	[dreg:$0x1] =	wrdreg $0xFFFFFFFF  }
0xc1: {  	_ =	task.clear_ibuf [dreg:s6], $0x2FFFF;
	_ =	strace $0x9FFFFFFF  }
0xc2: {  	(tm) =	ssettm $0x7FFFFFFF  }
0xc3: {  	_ =	shalt  }
tec
execute0_lowered:
.L_overlay_start_1:
0x0: {  	(tag) =	ssettag $0x1  }
0x1: {  	s0 =	rddreg [dreg:$0x0];
	s1 =	srdreg.scid  }
0x2: {  	s2 =	rddreg [dreg:$0x1];
	s10 =	stileid.u32  }
0x3: {  	s3 =	simm.s32 $0x0;
	s1 =	sand.u32 $0x1, s1;
	s6 =	smul.u32 $0x13C00, s10  }
0x4: {  	s28 =	simm.s32 $0x80;
	s29 =	simm.s32 $0x4800;
	s5 =	smul.u32 $0x13C000, s1  }
0x5: {  	s30 =	simm.s32 $0x100;
	s31 =	simm.s32 $0x6800;
	s8 =	smul.u32 $0x4F000, s10  }
0x6: {  	s11 =	simm.s32 $0x2700;
	s4 =	sadd.s32 $0x7B000, s0;
	s6 =	sadd.s32 s6, s5  }
0x7: {  	s8 =	sshrl.u32 s8, $0x2;
	s5 =	sadd.s32 $0x17000, s0;
	s7 =	sshrl.u32 s6, $0x3  }
0x8: {  	s6 =	sadd.s32 $0x3000, s0;
	s0 =	sadd.s32 s7, s0;
	s7 =	sadd.s32 s8, s2  }
0x9: {  	s12 =	simm.s32 $0x2780;
	[smem:$0x7FF] =	sst s3;
	s8 =	sadd.s32 $0x2000, s7  }
0xa: {  	_ =	strace $0x8000004D;
	s19 =	sadd.s32 $0x4000, s7;
	[dreg:$0x3] =	wrdreg s8  }
0xb: {  	s18 =	ssub.s32 $0x2, s1;
	s20 =	sadd.s32 $0x6000, s7;
	[dreg:$0x4] =	wrdreg s19  }
0xc: {  	s1 =	sshll.u32 s1, $0x4;
	s21 =	sadd.s32 $0x8000, s7;
	[dreg:$0x5] =	wrdreg s20  }
0xd: {  	s9 =	sshrl.u32 s18, $0x1;
	s22 =	sadd.s32 $0xA000, s7;
	[dreg:$0x6] =	wrdreg s21  }
0xe: {  	s1 =	sor.u32 s10, s1;
	s23 =	sadd.s32 $0xC000, s7;
	[dreg:$0x7] =	wrdreg s22  }
0xf: {  	s10 =	simm.s32 $0x2680;
	s24 =	sadd.s32 $0xE000, s7;
	[dreg:$0x8] =	wrdreg s23  }
0x10: {  	s9 =	ssub.s32 s18, s9;
	s25 =	sadd.s32 $0x10000, s7;
	[dreg:$0x9] =	wrdreg s24  }
0x11: {  	s17 =	smul.u32 $0xA0, s1;
	s26 =	sadd.s32 $0x12000, s7;
	[dreg:$0xa] =	wrdreg s25  }
0x12: {  	s1 =	simm.s32 $0x8800;
	s0 =	sadd.s32 $0xA2200, s0;
	[dreg:$0xb] =	wrdreg s26  }
0x13: {  	[dreg:$0xc] =	wrdreg s0;
	s19 =	smax.u32 s9, $0x1;
	s20 =	simm.s32 $0x2800  }
0x14: {  	s21 =	simm.s32 $0x1;
	s22 =	simm.s32 $0x2;
	s23 =	simm.s32 $0x3  }
0x15: {  	s24 =	simm.s32 $0x4;
	s25 =	simm.s32 $0x1400;
	s26 =	simm.s32 $0x40  }
0x16: {  	v0 =	vimm.f32 $0.0e+00;
	s0 =	simm.s32 $0x180;
	s8 =	simm.s32 $0x5;
	s9 =	simm.s32 $0x2600  }
.LBB2_1:
0x17: {  	s13 =	simm.s32 $0x0;
	s14 =	simm.s32 $0x200  }
.LBB2_2:
0x18: {  	p0 =	sne.s32 s14, $0x7E00;
	[tilespmem:s13+$0x2870] =	vst v0  }
0x19: {  	[tilespmem:s13+$0x2800] =	vst v0  }
0x1a: {  	[tilespmem:s13+$0x2810] =	vst v0  }
.Ltmp0:
0x1b: {  	[tilespmem:s13+$0x2820] =	vst v0;
	(pc) =	sbr.rel @p0 .LBB2_2-.Ltmp0, $4  }
0x1c: {  	[tilespmem:s13+$0x2830] =	vst v0  }
0x1d: {  	[tilespmem:s13+$0x2840] =	vst v0  }
0x1e: {  	[tilespmem:s13+$0x2850] =	vst v0  }
0x1f: {  	[tilespmem:s13+$0x2860] =	vst v0;
	s13 =	sshra.s32 s14, $0x2;
	s14 =	sadd.s32 $0x200, s14  }
0x20: {  	[tilespmem:s13+$0x2870] =	vst v0  }
0x21: {  	[tilespmem:s13+$0x2800] =	vst v0  }
0x22: {  	[tilespmem:s13+$0x2810] =	vst v0  }
0x23: {  	[tilespmem:s13+$0x2820] =	vst v0  }
0x24: {  	[tilespmem:s13+$0x2830] =	vst v0  }
0x25: {  	[tilespmem:s13+$0x2840] =	vst v0  }
0x26: {  	[tilespmem:s13+$0x2850] =	vst v0  }
0x27: {  	[tilespmem:s13+$0x2860] =	vst v0  }
0x28: {  	[spmem:s7] =	stream.linear.scatter [tilespmem:s20], [sflag:$0x1], $0x2000, $0x38;
	[tilespmem:$0x1E400] =	vst v63  }
0x29: {  	s18 =	rddreg [dreg:$0x3]  }
0x2a: {  	[spmem:s18] =	stream.linear.scatter [tilespmem:s20], [sflag:$0x2], $0x2000, $0x38;
	[tilespmem:$0x1E400] =	vst v63  }
0x2b: {  	s14 =	rddreg [dreg:$0x4]  }
0x2c: {  	[spmem:s14] =	stream.linear.scatter [tilespmem:s20], [sflag:$0x3], $0x2000, $0x38;
	[tilespmem:$0x1E400] =	vst v63  }
0x2d: {  	s15 =	rddreg [dreg:$0x5]  }
0x2e: {  	[spmem:s15] =	stream.linear.scatter [tilespmem:s20], [sflag:$0x4], $0x2000, $0x38;
	[tilespmem:$0x1E400] =	vst v63  }
0x2f: {  	s16 =	rddreg [dreg:$0x6]  }
0x30: {  	[spmem:s16] =	stream.linear.scatter [tilespmem:s20], [sflag:$0x1], $0x2000, $0x38;
	[tilespmem:$0x1E400] =	vst v63  }
0x31: {  	s18 =	rddreg [dreg:$0x7]  }
0x32: {  	[spmem:s18] =	stream.linear.scatter [tilespmem:s20], [sflag:$0x2], $0x2000, $0x38;
	[tilespmem:$0x1E400] =	vst v63  }
0x33: {  	s14 =	rddreg [dreg:$0x8]  }
0x34: {  	[spmem:s14] =	stream.linear.scatter [tilespmem:s20], [sflag:$0x3], $0x2000, $0x38;
	[tilespmem:$0x1E400] =	vst v63  }
0x35: {  	s15 =	rddreg [dreg:$0x9]  }
0x36: {  	[spmem:s15] =	stream.linear.scatter [tilespmem:s20], [sflag:$0x4], $0x2000, $0x38;
	[tilespmem:$0x1E400] =	vst v63  }
0x37: {  	s16 =	rddreg [dreg:$0xa]  }
0x38: {  	[spmem:s16] =	stream.linear.scatter [tilespmem:s20], [sflag:$0x1], $0x2000, $0x38;
	[tilespmem:$0x1E400] =	vst v63  }
0x39: {  	s18 =	rddreg [dreg:$0xb]  }
0x3a: {  	[spmem:s18] =	stream.linear.scatter [tilespmem:s20], [sflag:$0x2], $0x1C00, $0x38;
	[tilespmem:$0x1E400] =	vst v63  }
0x3b: {  	_ =	swait.ge [sflag:s21], $0x2000  }
0x3c: {  	[sflag:s21] =	ssyncset.done $0x0  }
0x3d: {  	[sflag:s21] =	ssyncadd.s32 $0xFFFFE000  }
0x3e: {  	_ =	swait.ge [sflag:s22], $0x2000  }
0x3f: {  	[sflag:s22] =	ssyncset.done $0x0  }
0x40: {  	[sflag:s22] =	ssyncadd.s32 $0xFFFFE000  }
0x41: {  	_ =	swait.ge [sflag:s23], $0x2000  }
0x42: {  	[sflag:s23] =	ssyncset.done $0x0  }
0x43: {  	[sflag:s23] =	ssyncadd.s32 $0xFFFFE000  }
0x44: {  	_ =	swait.ge [sflag:s24], $0x2000  }
0x45: {  	[sflag:s24] =	ssyncset.done $0x0  }
0x46: {  	[sflag:s24] =	ssyncadd.s32 $0xFFFFE000  }
0x47: {  	_ =	swait.ge [sflag:s21], $0x2000  }
0x48: {  	[sflag:s21] =	ssyncset.done $0x0  }
0x49: {  	[sflag:s21] =	ssyncadd.s32 $0xFFFFE000  }
0x4a: {  	_ =	swait.ge [sflag:s22], $0x2000  }
0x4b: {  	[sflag:s22] =	ssyncset.done $0x0  }
0x4c: {  	[sflag:s22] =	ssyncadd.s32 $0xFFFFE000  }
0x4d: {  	_ =	swait.ge [sflag:s23], $0x2000  }
0x4e: {  	[sflag:s23] =	ssyncset.done $0x0  }
0x4f: {  	[sflag:s23] =	ssyncadd.s32 $0xFFFFE000  }
0x50: {  	_ =	swait.ge [sflag:s24], $0x2000  }
0x51: {  	[sflag:s24] =	ssyncset.done $0x0  }
0x52: {  	[sflag:s24] =	ssyncadd.s32 $0xFFFFE000  }
0x53: {  	_ =	swait.ge [sflag:s21], $0x2000  }
0x54: {  	[sflag:s21] =	ssyncset.done $0x0  }
0x55: {  	[sflag:s21] =	ssyncadd.s32 $0xFFFFE000  }
0x56: {  	_ =	swait.ge [sflag:s22], $0x1C00  }
0x57: {  	[sflag:s22] =	ssyncset.done $0x0  }
0x58: {  	[sflag:s22] =	ssyncadd.s32 $0xFFFFE400  }
0x59: {  	s13 =	simm.s32 $0x0;
	s14 =	simm.s32 $0x0;
	[bflag:$0x0] =	sbarrier.arrive $0xFFFF  }
.LBB2_4:
0x5a: {  	s15 =	smul.u32 $0x28, s14;
	_ =	sdelay $0x1  }
0x5b: {  	s15 =	sadd.s32 s17, s15  }
0x5c: {  	s15 =	sshll.u32 s15, $0x4  }
0x5d: {  	s16 =	sadd.s32 s5, s15  }
0x5e: {  	[tilespmem:s13], [sflag:$0x1] =	stream.linear.gather [hbm4b:s16+s13], $0x1400, $0x38;
	[tilespmem:$0x1E400] =	vst v63  }
0x5f: {  	s15 =	sadd.s32 s6, s15  }
0x60: {  	[tilespmem:s25], [sflag:$0x2] =	stream.linear.gather [hbm4b:s15+s13], $0x1400, $0x38;
	[tilespmem:$0x1E400] =	vst v63  }
0x61: {  	_ =	swait.ge [sflag:s21], $0x1400  }
0x62: {  	[sflag:s21] =	ssyncset.done $0x0  }
0x63: {  	[sflag:s21] =	ssyncadd.s32 $0xFFFFEC00  }
0x64: {  	_ =	swait.ge [sflag:s22], $0x1400  }
0x65: {  	[sflag:s22] =	ssyncset.done $0x0  }
0x66: {  	[sflag:s22] =	ssyncadd.s32 $0xFFFFEC00  }
0x67: {  	[tilespmem:s20], [sflag:$0x1] =	stream.indirect.gather [hbm4b:s4+s26], $0x80, s13, s26, $0xb8;
	[tilespmem:$0x1E400] =	vst v63  }
0x68: {  	_ = 	snop  }
0x69: {  	[tilespmem:s29], [sflag:$0x2] =	stream.indirect.gather [hbm4b:s4+s26], $0x80, s28, s26, $0xb8;
	[tilespmem:$0x1E400] =	vst v63  }
0x6a: {  	_ = 	snop  }
0x6b: {  	[tilespmem:s31], [sflag:$0x3] =	stream.indirect.gather [hbm4b:s4+s26], $0x80, s30, s26, $0xb8;
	[tilespmem:$0x1E400] =	vst v63  }
0x6c: {  	_ = 	snop  }
0x6d: {  	[tilespmem:s1], [sflag:$0x4] =	stream.indirect.gather [hbm4b:s4+s26], $0x80, s0, s26, $0xb8;
	[tilespmem:$0x1E400] =	vst v63  }
0x6e: {  	_ =	swait.ge [sflag:s21], $0x2000  }
0x6f: {  	[sflag:s21] =	ssyncset.done $0x0  }
0x70: {  	s18 =	simm.s32 $0x1400;
	[sflag:s21] =	ssyncadd.s32 $0xFFFFE000  }
0x71: {  	[spmem:s2] =	stream.indirect.scatter.add.f32 [tilespmem:s20], [sflag:$0x5], $0x80, s18, s26, $0xb8;
	[tilespmem:$0x1E400] =	vst v63  }
0x72: {  	_ =	swait.ge [sflag:s8], $0x2000  }
0x73: {  	[sflag:s8] =	ssyncset.done $0x0  }
0x74: {  	s16 =	simm.s32 $0x200;
	[sflag:s8] =	ssyncadd.s32 $0xFFFFE000  }
0x75: {  	[tilespmem:s20], [sflag:$0x1] =	stream.indirect.gather [hbm4b:s4+s26], $0x80, s16, s26, $0xb8;
	[tilespmem:$0x1E400] =	vst v63  }
0x76: {  	_ =	swait.ge [sflag:s22], $0x2000  }
0x77: {  	[sflag:s22] =	ssyncset.done $0x0  }
0x78: {  	s18 =	simm.s32 $0x1480;
	[sflag:s22] =	ssyncadd.s32 $0xFFFFE000  }
0x79: {  	[spmem:s2] =	stream.indirect.scatter.add.f32 [tilespmem:s29], [sflag:$0x5], $0x80, s18, s26, $0xb8;
	[tilespmem:$0x1E400] =	vst v63  }
0x7a: {  	_ =	swait.ge [sflag:s8], $0x2000  }
0x7b: {  	[sflag:s8] =	ssyncset.done $0x0  }
0x7c: {  	s16 =	simm.s32 $0x280;
	[sflag:s8] =	ssyncadd.s32 $0xFFFFE000  }
0x7d: {  	[tilespmem:s29], [sflag:$0x2] =	stream.indirect.gather [hbm4b:s4+s26], $0x80, s16, s26, $0xb8;
	[tilespmem:$0x1E400] =	vst v63  }
0x7e: {  	_ =	swait.ge [sflag:s23], $0x2000  }
0x7f: {  	[sflag:s23] =	ssyncset.done $0x0  }
0x80: {  	s18 =	simm.s32 $0x1500;
	[sflag:s23] =	ssyncadd.s32 $0xFFFFE000  }
0x81: {  	[spmem:s2] =	stream.indirect.scatter.add.f32 [tilespmem:s31], [sflag:$0x5], $0x80, s18, s26, $0xb8;
	[tilespmem:$0x1E400] =	vst v63  }
0x82: {  	_ =	swait.ge [sflag:s8], $0x2000  }
0x83: {  	[sflag:s8] =	ssyncset.done $0x0  }
0x84: {  	s16 =	simm.s32 $0x300;
	[sflag:s8] =	ssyncadd.s32 $0xFFFFE000  }
0x85: {  	[tilespmem:s31], [sflag:$0x3] =	stream.indirect.gather [hbm4b:s4+s26], $0x80, s16, s26, $0xb8;
	[tilespmem:$0x1E400] =	vst v63  }
0x86: {  	_ =	swait.ge [sflag:s24], $0x2000  }
0x87: {  	[sflag:s24] =	ssyncset.done $0x0  }
0x88: {  	s18 =	simm.s32 $0x1580;
	[sflag:s24] =	ssyncadd.s32 $0xFFFFE000  }
0x89: {  	[spmem:s2] =	stream.indirect.scatter.add.f32 [tilespmem:s1], [sflag:$0x5], $0x80, s18, s26, $0xb8;
	[tilespmem:$0x1E400] =	vst v63  }
0x8a: {  	_ =	swait.ge [sflag:s8], $0x2000  }
0x8b: {  	[sflag:s8] =	ssyncset.done $0x0  }
0x8c: {  	s15 =	simm.s32 $0x800;
	s16 =	simm.s32 $0x380;
	[sflag:s8] =	ssyncadd.s32 $0xFFFFE000  }
.LBB2_5:
0x8d: {  	[tilespmem:s1], [sflag:$0x4] =	stream.indirect.gather [hbm4b:s4+s26], $0x80, s16, s26, $0xb8;
	[tilespmem:$0x1E400] =	vst v63  }
0x8e: {  	s16 =	smov.u32 s15  }
0x8f: {  	p0 =	sne.s32 s15, $0x4000;
	s15 =	sadd.s32 $0x800, s15;
	_ =	swait.ge [sflag:s21], $0x2000  }
0x90: {  	s16 =	sshra.s32 s16, $0x2;
	[sflag:s21] =	ssyncset.done $0x0  }
0x91: {  	s18 =	sadd.s32 $0x1400, s16;
	[sflag:s21] =	ssyncadd.s32 $0xFFFFE000  }
0x92: {  	[spmem:s2] =	stream.indirect.scatter.add.f32 [tilespmem:s20], [sflag:$0x5], $0x80, s18, s26, $0xb8;
	[tilespmem:$0x1E400] =	vst v63  }
0x93: {  	_ =	swait.ge [sflag:s8], $0x2000  }
0x94: {  	[sflag:s8] =	ssyncset.done $0x0  }
0x95: {  	s18 =	sadd.s32 $0x200, s16;
	[sflag:s8] =	ssyncadd.s32 $0xFFFFE000  }
0x96: {  	[tilespmem:s20], [sflag:$0x1] =	stream.indirect.gather [hbm4b:s4+s26], $0x80, s18, s26, $0xb8;
	[tilespmem:$0x1E400] =	vst v63  }
0x97: {  	_ =	swait.ge [sflag:s22], $0x2000  }
0x98: {  	[sflag:s22] =	ssyncset.done $0x0  }
0x99: {  	s18 =	sadd.s32 $0x1480, s16;
	[sflag:s22] =	ssyncadd.s32 $0xFFFFE000  }
0x9a: {  	[spmem:s2] =	stream.indirect.scatter.add.f32 [tilespmem:s29], [sflag:$0x5], $0x80, s18, s26, $0xb8;
	[tilespmem:$0x1E400] =	vst v63  }
0x9b: {  	_ =	swait.ge [sflag:s8], $0x2000  }
0x9c: {  	[sflag:s8] =	ssyncset.done $0x0  }
0x9d: {  	s18 =	sadd.s32 $0x280, s16;
	[sflag:s8] =	ssyncadd.s32 $0xFFFFE000  }
0x9e: {  	[tilespmem:s29], [sflag:$0x2] =	stream.indirect.gather [hbm4b:s4+s26], $0x80, s18, s26, $0xb8;
	[tilespmem:$0x1E400] =	vst v63  }
0x9f: {  	_ =	swait.ge [sflag:s23], $0x2000  }
0xa0: {  	[sflag:s23] =	ssyncset.done $0x0  }
0xa1: {  	s18 =	sadd.s32 $0x1500, s16;
	[sflag:s23] =	ssyncadd.s32 $0xFFFFE000  }
0xa2: {  	[spmem:s2] =	stream.indirect.scatter.add.f32 [tilespmem:s31], [sflag:$0x5], $0x80, s18, s26, $0xb8;
	[tilespmem:$0x1E400] =	vst v63  }
0xa3: {  	_ =	swait.ge [sflag:s8], $0x2000  }
0xa4: {  	[sflag:s8] =	ssyncset.done $0x0  }
0xa5: {  	s18 =	sadd.s32 $0x300, s16;
	[sflag:s8] =	ssyncadd.s32 $0xFFFFE000  }
0xa6: {  	[tilespmem:s31], [sflag:$0x3] =	stream.indirect.gather [hbm4b:s4+s26], $0x80, s18, s26, $0xb8;
	[tilespmem:$0x1E400] =	vst v63  }
0xa7: {  	_ =	swait.ge [sflag:s24], $0x2000  }
0xa8: {  	[sflag:s24] =	ssyncset.done $0x0  }
.Ltmp1:
0xa9: {  	s18 =	sadd.s32 $0x1580, s16;
	[sflag:s24] =	ssyncadd.s32 $0xFFFFE000;
	(pc) =	sbr.rel @p0 .LBB2_5-.Ltmp1, $4  }
0xaa: {  	[spmem:s2] =	stream.indirect.scatter.add.f32 [tilespmem:s1], [sflag:$0x5], $0x80, s18, s26, $0xb8;
	[tilespmem:$0x1E400] =	vst v63  }
0xab: {  	_ =	swait.ge [sflag:s8], $0x2000  }
0xac: {  	[sflag:s8] =	ssyncset.done $0x0  }
0xad: {  	s16 =	sadd.s32 $0x380, s16;
	[sflag:s8] =	ssyncadd.s32 $0xFFFFE000  }
0xae: {  	[tilespmem:s1], [sflag:$0x4] =	stream.indirect.gather [hbm4b:s4+s26], $0x80, s16, s26, $0xb8;
	[tilespmem:$0x1E400] =	vst v63  }
0xaf: {  	_ =	swait.ge [sflag:s21], $0x2000  }
0xb0: {  	[sflag:s21] =	ssyncset.done $0x0  }
0xb1: {  	[sflag:s21] =	ssyncadd.s32 $0xFFFFE000  }
0xb2: {  	[spmem:s2] =	stream.indirect.scatter.add.f32 [tilespmem:s20], [sflag:$0x5], $0x80, s9, s26, $0xb8;
	[tilespmem:$0x1E400] =	vst v63  }
0xb3: {  	_ =	swait.ge [sflag:s8], $0x2000  }
0xb4: {  	[sflag:s8] =	ssyncset.done $0x0  }
0xb5: {  	[sflag:s8] =	ssyncadd.s32 $0xFFFFE000  }
0xb6: {  	_ =	swait.ge [sflag:s22], $0x2000  }
0xb7: {  	[sflag:s22] =	ssyncset.done $0x0  }
0xb8: {  	[sflag:s22] =	ssyncadd.s32 $0xFFFFE000  }
0xb9: {  	[spmem:s2] =	stream.indirect.scatter.add.f32 [tilespmem:s29], [sflag:$0x5], $0x80, s10, s26, $0xb8;
	[tilespmem:$0x1E400] =	vst v63  }
0xba: {  	_ =	swait.ge [sflag:s8], $0x2000  }
0xbb: {  	[sflag:s8] =	ssyncset.done $0x0  }
0xbc: {  	[sflag:s8] =	ssyncadd.s32 $0xFFFFE000  }
0xbd: {  	_ =	swait.ge [sflag:s23], $0x2000  }
0xbe: {  	[sflag:s23] =	ssyncset.done $0x0  }
0xbf: {  	[sflag:s23] =	ssyncadd.s32 $0xFFFFE000  }
0xc0: {  	[spmem:s2] =	stream.indirect.scatter.add.f32 [tilespmem:s31], [sflag:$0x5], $0x80, s11, s26, $0xb8;
	[tilespmem:$0x1E400] =	vst v63  }
0xc1: {  	_ =	swait.ge [sflag:s8], $0x2000  }
0xc2: {  	[sflag:s8] =	ssyncset.done $0x0  }
0xc3: {  	[sflag:s8] =	ssyncadd.s32 $0xFFFFE000  }
0xc4: {  	s14 =	sadd.s32 $0x1, s14;
	_ =	swait.ge [sflag:s24], $0x2000  }
0xc5: {  	p0 =	sne.s32 s14, $0x4;
	[sflag:s24] =	ssyncset.done $0x0  }
.Ltmp2:
0xc6: {  	[sflag:s24] =	ssyncadd.s32 $0xFFFFE000;
	(pc) =	sbr.rel @p0 .LBB2_4-.Ltmp2, $4  }
0xc7: {  	[spmem:s2] =	stream.indirect.scatter.add.f32 [tilespmem:s1], [sflag:$0x5], $0x80, s12, s26, $0xb8;
	[tilespmem:$0x1E400] =	vst v63  }
0xc8: {  	_ =	swait.ge [sflag:s8], $0x2000  }
0xc9: {  	[sflag:s8] =	ssyncset.done $0x0  }
0xca: {  	[sflag:s8] =	ssyncadd.s32 $0xFFFFE000  }
0xcb: {  	s13 =	stileid.u32;
	[bflag:$0x0] =	sbarrier.arrive $0xFFFF;
	s3 =	sadd.s32 $0x1, s3  }
0xcc: {  	s14 =	sshrl.u32 s7, $0x3;
	s13 =	sshll.u32 s13, $0x6;
	p0 =	sne.s32 s3, s19  }
.Ltmp3:
0xcd: {  	s15 =	rddreg [dreg:$0xc];
	s13 =	sor.u32 $0x1C05, s13;
	(pc) =	sbr.rel @p0 .LBB2_1-.Ltmp3, $4  }
0xce: {  	[hbm:s15], [sflag:s13] =	dma.local [spmem:s14], $0x2780  }
0xcf: {  	_ =	swait.ge [sflag:s8], $0x2780  }
0xd0: {  	[sflag:s8] =	ssyncset.done $0x0  }
0xd1: {  	[sflag:s8] =	ssyncadd.s32 $0xFFFFD880  }
0xd2: {  	_ =	sfence.sel $0x180000  }
0xd3: {  	[bflag:$0x0] =	sbarrier.arrive $0xFFFF  }
0xd4: {  	_ =	strace $0x9000004D  }
0xd5: {  	s0 =	stileid.u32;
	[bflag:$0x2] =	sbarrier.arrive $0xFFFF  }
0xd6: {  	p0 =	sne.s32 s0, $0x0;
	s0 =	rddreg [dreg:$0x2]  }
0xd7: {  	s0 =	sadd.s32 @!p0 $0x100000, s0  }
0xd8: {  	[sflag:s0] =	ssyncadd.tile.s32 @!p0 $0x1;
	_ =	shalt  }
.Lfunc_end2:
_tile_overlayer_lowered:
.L_overlay_start_2:
0xd9: {  	(tag) =	ssettag $0x2  }
0xda: {  	s0 =	rddreg [dreg:$0x0];
	s2 =	stileid.u32  }
0xdb: {  	s1 =	rddreg [dreg:$0x1];
	p0 =	sne.s32 s2, $0x0  }
0xdc: {  	s3 =	rddreg [dreg:$0x2];
	[bflag:$0x3] =	sbarrier.arrive $0xFFFF;
	s2 =	simm.s32 @!p0 $0x1C05  }
0xdd: {  	[timem:s3], [sflag:s2] =	dma.local @!p0 [hbm:s0], s1  }
0xde: {  	s0 =	simm.s32 @!p0 $0x5  }
0xdf: {  	_ =	swait.ge @!p0 [sflag:s0], s1  }
0xe0: {  	s1 =	ssub.s32 @!p0 $0x0, s1;
	[sflag:s0] =	ssyncset.done @!p0 $0x0  }
0xe1: {  	[sflag:s0] =	ssyncadd.s32 @!p0 s1  }
0xe2: {  	[bflag:$0x3] =	sbarrier.arrive $0xFFFF  }
0xe3: {  	_ =	shalt  }

// kernel: kernel.8.cloned.1.call-start
scs
__scs_entry_jumppad:
0x0: {  	(pc) =	sbr.rel $0x88, $3  }
0x1: {  	(tag) =	ssettag $0x0;
	lr =	simm.s32 $0x1  }
0x2: {  	[smem:$0x3F9B] =	sst lr;
	_ =	strace $0xD0000000  }
0x3: {  	_ = 	snop  }
0x4: {  	_ = 	snop  }
0x5: {  	_ = 	snop  }
0x6: {  	_ = 	snop  }
0x7: {  	_ = 	snop  }
__scs_overlays_trampoline_lowered:
0x8: {  	[smem:$0x3FAA] =	sst s0  }
0x9: {  	[smem:$0x3FAB] =	sst s1  }
0xa: {  	[smem:$0x3FAC] =	sst s2  }
0xb: {  	[smem:$0x3FAD] =	sst s3  }
0xc: {  	[smem:$0x3FAE] =	sst s4  }
0xd: {  	[smem:$0x3FAF] =	sst s5  }
0xe: {  	[smem:$0x3FB0] =	sst s6  }
0xf: {  	[smem:$0x3FB1] =	sst s7  }
0x10: {  	[smem:$0x3FB2] =	sst s8  }
0x11: {  	[smem:$0x3FB3] =	sst s9;
	s0 =	simm.s32 @!p0 $0x0  }
0x12: {  	s1 =	sld [smem:$0x3F99];
	s0 =	simm.s32 @p0 $0x1  }
0x13: {  	[smem:$0x3FB4] =	sst s0;
	s0 =	simm.s32 @!p1 $0x0  }
0x14: {  	s2 =	sld [smem:$0x3F98];
	s0 =	simm.s32 @p1 $0x1  }
0x15: {  	[smem:$0x3FB5] =	sst s0;
	s0 =	simm.s32 @!p2 $0x0  }
0x16: {  	s3 =	sld [smem:$0x3FDB];
	s0 =	simm.s32 @p2 $0x1  }
0x17: {  	s4 =	simm.s32 $0x1BF5;
	[smem:$0x3FB7] =	sst s0  }
0x18: {  	s0 =	sld [smem:$0x3F9A];
	_ =	swait.ge [sflag:s4], $0x0  }
0x19: {  	s7 =	sld [smem:$0x3F9B]  }
0x1a: {  	s8 =	sadd.s32 $0xFFFFE003, lr  }
0x1b: {  	s9 =	sadd.s32 $0xFFFFFEF7, lr;
	s5 =	simm.s32 $0xFFFFFFFF;
	p2 =	slt.u32 s8, $0xFFFFF086  }
0x1c: {  	p1 =	slt.u32 s9, $0xF7A;
	s5 =	simm.s32 @!p2 $0x0  }
0x1d: {  	s5 =	simm.s32 @p1 $0x1;
	p0 =	seq.s32 s7, s2  }
0x1e: {  	s7 =	smul.u32 @!p0 $0xF7A, s2;
	p2 =	seq.s32 @!p0 s5, $0x0  }
0x1f: {  	s9 =	smul.u32 $0xF7A, s1;
	s8 =	simm.s32 @!p0 $0x1BF5;
	p2 =	por !p2, p0  }
0x20: {  	[sflag:s8] =	ssyncset.s32 @!p0 $0xFFFFF086;
	s6 =	sadd.s32 @!p0 s3, s7;
	s7 =	simm.s32 @!p0 $0x108  }
0x21: {  	s3 =	sadd.s32 s3, s9;
	s6 =	sadd.s32 @!p0 $0x88, s6;
	s7 =	simm.s32 @p2 $0x1082  }
0x22: {  	[simem:s7], [sflag:s8] =	dma.local @!p0 [hbm:s6], $0xF7A  }
0x23: {  	s9 =	sor.u32 $0xD0000000, s2;
	s6 =	simm.s32 $0x108;
	_ =	swait.ge @!p0 [sflag:s8], $0x0  }
0x24: {  	s3 =	sadd.s32 $0x88, s3;
	s6 =	simm.s32 @!p1 $0x1082;
	[sflag:s4] =	ssyncset.s32 $0xFFFFF086  }
0x25: {  	[simem:s6], [sflag:s4] =	dma.local [hbm:s3], $0xF7A  }
0x26: {  	[smem:$0x3F9B] =	sst s1;
	(tag) =	ssettag s2;
	_ =	strace s9  }
0x27: {  	s1 =	sld [smem:$0x3FAB]  }
0x28: {  	s2 =	sld [smem:$0x3FAC]  }
0x29: {  	s4 =	sld [smem:$0x3FAE]  }
0x2a: {  	p0 =	seq.s32 s5, $0x0;
	s5 =	sld [smem:$0x3FAF]  }
0x2b: {  	s6 =	sld [smem:$0x3FB0]  }
0x2c: {  	s7 =	sld [smem:$0x3FB1]  }
0x2d: {  	s3 =	simm.s32 $0x108;
	s8 =	sld [smem:$0x3FB2]  }
0x2e: {  	s3 =	simm.s32 @!p0 $0x1082;
	s9 =	sld [smem:$0x3FB3]  }
0x2f: {  	lr =	sadd.s32 s0, s3;
	s0 =	sld [smem:$0x3FAA]  }
0x30: {  	s3 =	sld [smem:$0x3FAD]  }
0x31: {  	[smem:$0x3FB6] =	sst s10  }
0x32: {  	s10 =	sld [smem:$0x3FB4];
	_ =	sdelay $0x3  }
0x33: {  	p0 =	seq.s32 s10, $0x1;
	s10 =	sld [smem:$0x3FB6];
	_ =	sdelay $0x3  }
0x34: {  	[smem:$0x3FB6] =	sst s10  }
0x35: {  	s10 =	sld [smem:$0x3FB5];
	_ =	sdelay $0x3  }
0x36: {  	p1 =	seq.s32 s10, $0x1;
	s10 =	sld [smem:$0x3FB6];
	_ =	sdelay $0x3  }
0x37: {  	[smem:$0x3FB6] =	sst s10  }
0x38: {  	s10 =	sld [smem:$0x3FB7]  }
0x39: {  	_ = 	snop;
	(pc) =	sbr.ind lr, $3  }
0x3a: {  	_ = 	snop  }
0x3b: {  	_ = 	snop  }
0x3c: {  	p2 =	seq.s32 s10, $0x1;
	s10 =	sld [smem:$0x3FB6]  }
0x3d: {  	_ =	shalt  }
0x3e: {  	_ =	shalt  }
0x3f: {  	_ =	shalt  }
0x40: {  	_ =	shalt  }
0x41: {  	_ =	shalt  }
0x42: {  	_ =	shalt  }
0x43: {  	_ =	shalt  }
0x44: {  	_ =	shalt  }
0x45: {  	_ =	shalt  }
0x46: {  	_ =	shalt  }
0x47: {  	_ =	shalt  }
0x48: {  	_ =	shalt  }
0x49: {  	_ =	shalt  }
0x4a: {  	_ =	shalt  }
0x4b: {  	_ =	shalt  }
0x4c: {  	_ =	shalt  }
0x4d: {  	_ =	shalt  }
0x4e: {  	_ =	shalt  }
0x4f: {  	_ =	shalt  }
0x50: {  	_ =	shalt  }
0x51: {  	_ =	shalt  }
0x52: {  	_ =	shalt  }
0x53: {  	_ =	shalt  }
0x54: {  	_ =	shalt  }
0x55: {  	_ =	shalt  }
0x56: {  	_ =	shalt  }
0x57: {  	_ =	shalt  }
0x58: {  	_ =	shalt  }
0x59: {  	_ =	shalt  }
0x5a: {  	_ =	shalt  }
0x5b: {  	_ =	shalt  }
0x5c: {  	_ =	shalt  }
0x5d: {  	_ =	shalt  }
0x5e: {  	_ =	shalt  }
0x5f: {  	_ =	shalt  }
0x60: {  	_ =	shalt  }
0x61: {  	_ =	shalt  }
0x62: {  	_ =	shalt  }
0x63: {  	_ =	shalt  }
0x64: {  	_ =	shalt  }
0x65: {  	_ =	shalt  }
0x66: {  	_ =	shalt  }
0x67: {  	_ =	shalt  }
0x68: {  	_ =	shalt  }
0x69: {  	_ =	shalt  }
0x6a: {  	_ =	shalt  }
0x6b: {  	_ =	shalt  }
0x6c: {  	_ =	shalt  }
0x6d: {  	_ =	shalt  }
0x6e: {  	_ =	shalt  }
0x6f: {  	_ =	shalt  }
0x70: {  	_ =	shalt  }
0x71: {  	_ =	shalt  }
0x72: {  	_ =	shalt  }
0x73: {  	_ =	shalt  }
0x74: {  	_ =	shalt  }
0x75: {  	_ =	shalt  }
0x76: {  	_ =	shalt  }
0x77: {  	_ =	shalt  }
0x78: {  	_ =	shalt  }
0x79: {  	_ =	shalt  }
0x7a: {  	_ =	shalt  }
0x7b: {  	_ =	shalt  }
0x7c: {  	_ =	shalt  }
0x7d: {  	_ =	shalt  }
0x7e: {  	_ =	shalt  }
0x7f: {  	_ =	shalt  }
0x80: {  	_ =	shalt  }
0x81: {  	_ =	shalt  }
0x82: {  	_ =	shalt  }
0x83: {  	_ =	shalt  }
0x84: {  	_ =	shalt  }
0x85: {  	_ =	shalt  }
0x86: {  	_ =	shalt  }
0x87: {  	_ =	shalt  }
.Lfunc_end0:
.L_simem_size_0:
called_computation_lowered:
.L_overlay_start_0:
0x88: {  	s2 =	sld [smem:$0x3FD9]  }
0x89: {  	s3 =	sld [smem:$0x3FFE];
	_ =	sdelay $0x1  }
0x8a: {  	s1 =	srdreg.scid  }
0x8b: {  	s0 =	sand.u32 $0x1, s1  }
0x8c: {  	s17 =	sshll.u32 s0, $0xA;
	s2 =	sadd.s32 s3, s2  }
0x8d: {  	s2 =	sadd.s32 s2, s17  }
0x8e: {  	[smem:$0x3FC2] =	sst s2  }
0x8f: {  	_ = 	snop  }
0x90: {  	s2 =	sld [smem:$0x3FD0];
	(tm) =	ssettm $0x1  }
0x91: {  	s18 =	sld [smem:$0x3FFB];
	_ =	sdelay $0x3  }
0x92: {  	_ =	strace s18  }
0x93: {  	s3 =	sld [smem:$0x3FFC];
	_ =	sdelay $0x3  }
0x94: {  	_ =	strace s3  }
0x95: {  	s3 =	sld [smem:$0x3FFD];
	_ =	sdelay $0x3  }
0x96: {  	_ =	strace s3  }
0x97: {  	_ =	strace $0x8FFFFFFF  }
0x98: {  	s19 =	sld [smem:$0x3FDB];
	_ =	sdelay $0x1  }
0x99: {  	s4 =	simm.s32 $_scs_section_size  }
0x9a: {  	s5 =	simm.s32 $_size__tile_overlayer_lowered;
	s6 =	simm.s32 $_tile_overlayer_lowered  }
0x9b: {  	s22 =	simm.s32 $0x1BFF;
	s21 =	sshll.u32 s6, $0x1;
	s3 =	sadd.s32 s4, s19  }
0x9c: {  	s7 =	simm.s32 $0x0;
	s20 =	sshll.u32 s5, $0x1;
	s5 =	sadd.s32 s21, s3  }
0x9d: {  	[timem:s7], [sflag:s22] =	dma.local [hbm:s5], s20  }
0x9e: {  	_ =	swait.ge [sflag:s22], s20  }
0x9f: {  	s4 =	ssub.s32 $0x0, s20;
	[sflag:s22] =	ssyncset.done $0x0  }
0xa0: {  	[sflag:s22] =	ssyncadd.s32 s4;
	_ =	sdelay $0x1  }
0xa1: {  	s23 =	simm.s32 $0x1B8B  }
0xa2: {  	_ =	swait.ge [sflag:s23], $0x1  }
0xa3: {  	[sflag:s23] =	ssyncset.done $0x0  }
0xa4: {  	s25 =	simm.s32 $0x1B8E;
	s24 =	sld [smem:$0x3FFE];
	[sflag:s23] =	ssyncadd.s32 $0xFFFFFFFF  }
0xa5: {  	s26 =	simm.s32 $execute0_lowered;
	[smem:$0x3FD2] =	sst s25  }
0xa6: {  	s5 =	sshll.u32 s26, $0x1;
	_ =	strace $0x80000046;
	[dreg:$0x1] =	wrdreg $0xFFFFFFFF  }
0xa7: {  	s28 =	simm.s32 $_size_execute0_lowered;
	s3 =	sadd.s32 s3, s5;
	[dreg:$0x0] =	wrdreg $0x0  }
0xa8: {  	s5 =	sshll.u32 s28, $0x1;
	[dreg:$0x2] =	wrdreg s3  }
0xa9: {  	[dreg:$0x3] =	wrdreg s5  }
0xaa: {  	[dreg:$0x4] =	wrdreg $0xC0  }
0xab: {  	_ =	task [dreg:s7], $0x5FFFF  }
0xac: {  	[dreg:$0x1] =	wrdreg $0xFFFFFFFF  }
0xad: {  	[dreg:$0x0] =	wrdreg $0x60  }
0xae: {  	[dreg:$0x2] =	wrdreg s2  }
0xaf: {  	[dreg:$0x3] =	wrdreg s24  }
0xb0: {  	[dreg:$0x4] =	wrdreg $0x2B000  }
0xb1: {  	[dreg:$0x5] =	wrdreg $0x9  }
0xb2: {  	_ =	task.clear_ibuf [dreg:s7], $0x6FFFF;
	_ =	strace $0x90000046  }
0xb3: {  	s29 =	simm.s32 $0x9;
	_ =	strace $0x80000048  }
0xb4: {  	_ =	swait.ge [sflag:s29], $0x1  }
0xb5: {  	[sflag:s29] =	ssyncadd.s32 $0xFFFFFFFF  }
0xb6: {  	_ =	strace $0x90000048  }
0xb7: {  	_ =	sfence  }
0xb8: {  	s30 =	sld [smem:$0x0];
	_ =	sdelay $0x2  }
0xb9: {  	s31 =	sshll.u32 s1, $0xD;
	s1 =	sshrl.u32 s1, $0x2  }
0xba: {  	s3 =	sand.u32 $0x4000, s31;
	s1 =	sadd.s32 s1, s30  }
0xbb: {  	s0 =	sor.u32 s3, s0;
	s1 =	sshll.u32 s1, $0x11  }
0xbc: {  	s0 =	sor.u32 s1, s0  }
0xbd: {  	s0 =	sadd.s32 $0x8F2B, s0  }
0xbe: {  	[sflag:s0] =	ssyncadd.remote.s32 $0x1  }
0xbf: {  	_ =	sfence.sel $0xFFFF  }
0xc0: {  	[dreg:$0x0] =	wrdreg $0xFFFFFFFF;
	(pc) =	sbr.abs _section_cstart, $3  }
0xc1: {  	[dreg:$0x1] =	wrdreg $0xFFFFFFFF  }
0xc2: {  	_ =	task.clear_ibuf [dreg:s7], $0x2FFFF;
	_ =	strace $0x9FFFFFFF  }
0xc3: {  	(tm) =	ssettm $0x7FFFFFFF  }
tec
execute0_lowered:
.L_overlay_start_1:
0x0: {  	(tag) =	ssettag $0x1  }
0x1: {  	s5 =	rddreg [dreg:$0x0]  }
0x2: {  	s4 =	rddreg [dreg:$0x1]  }
0x3: {  	s2 =	rddreg [dreg:$0x2]  }
0x4: {  	s0 =	rddreg [dreg:$0x3]  }
0x5: {  	s6 =	srdreg.scid;
	s1 =	stileid.u32;
	s3 =	simm.s32 $0x0  }
0x6: {  	s11 =	simm.s32 $0x2800;
	s12 =	simm.s32 $0x100;
	s13 =	simm.s32 $0x180  }
0x7: {  	s14 =	simm.s32 $0x200;
	s15 =	simm.s32 $0x280;
	s16 =	simm.s32 $0x300  }
0x8: {  	s17 =	simm.s32 $0x380;
	s18 =	simm.s32 $0x1;
	s21 =	simm.s32 $0x0  }
0x9: {  	s6 =	sand.u32 $0x1, s6;
	s7 =	smul.u32 $0x280, s1;
	[smem:$0x7FF] =	sst s3  }
0xa: {  	s19 =	sshll.u32 s1, $0x6;
	s8 =	smul.u32 $0x2800, s6;
	s9 =	sshll.u32 s6, $0x4  }
0xb: {  	_ =	strace $0x80000047;
	s6 =	ssub.s32 $0x2, s6;
	s9 =	sor.u32 s1, s9  }
0xc: {  	s10 =	sshrl.u32 s6, $0x1;
	s8 =	sadd.s32 s7, s8;
	s9 =	smul.u32 $0x500, s9  }
0xd: {  	s19 =	sor.u32 $0x1C02, s19;
	s10 =	ssub.s32 s6, s10;
	s8 =	sshrl.u32 s8, $0x3  }
0xe: {  	s8 =	sadd.s32 s8, s4;
	s4 =	sadd.s32 s7, s2;
	s5 =	sadd.s32 s5, s9  }
0xf: {  	s7 =	smax.u32 s10, $0x1;
	s9 =	simm.s32 $0x2;
	s10 =	simm.s32 $0x80  }
0x10: {  	v0 =	vimm.f32 $1.000000000e+00;
	v1 =	vimm.f32 $0.0e+00;
	s6 =	sadd.s32 $0x2600, s8;
	s8 =	simm.s32 $0x2880;
	s20 =	sshrl.u32 s4, $0x3  }
.LBB2_1:
0x11: {  	[tilespmem:$0x2800] =	vst v0  }
0x12: {  	[tilespmem:$0x2810] =	vst v0  }
0x13: {  	[tilespmem:$0x2820] =	vst v0  }
0x14: {  	[tilespmem:$0x2830] =	vst v0  }
0x15: {  	[tilespmem:$0x2840] =	vst v0  }
0x16: {  	[tilespmem:$0x2850] =	vst v0  }
0x17: {  	[tilespmem:$0x2860] =	vst v0  }
0x18: {  	[tilespmem:$0x2870] =	vst v0  }
0x19: {  	[tilespmem:$0x2880] =	vst v1  }
0x1a: {  	[tilespmem:$0x2890] =	vst v1  }
0x1b: {  	[tilespmem:$0x28A0] =	vst v1  }
0x1c: {  	[tilespmem:$0x28B0] =	vst v1  }
0x1d: {  	[tilespmem:$0x28C0] =	vst v1  }
0x1e: {  	[tilespmem:$0x28D0] =	vst v1  }
0x1f: {  	[tilespmem:$0x28E0] =	vst v1  }
0x20: {  	[tilespmem:$0x28F0] =	vst v1  }
0x21: {  	[tilespmem:$0x2900] =	vst v1  }
0x22: {  	[tilespmem:$0x2910] =	vst v1  }
0x23: {  	[tilespmem:$0x2920] =	vst v1  }
0x24: {  	[tilespmem:$0x2930] =	vst v1  }
0x25: {  	[tilespmem:$0x2940] =	vst v1  }
0x26: {  	[tilespmem:$0x2950] =	vst v1  }
0x27: {  	[tilespmem:$0x2960] =	vst v1  }
0x28: {  	[tilespmem:$0x2970] =	vst v1  }
0x29: {  	[tilespmem:$0x2980] =	vst v1  }
0x2a: {  	[tilespmem:$0x2990] =	vst v1  }
0x2b: {  	[tilespmem:$0x29A0] =	vst v1  }
0x2c: {  	[tilespmem:$0x29B0] =	vst v1  }
0x2d: {  	[tilespmem:$0x29C0] =	vst v1  }
0x2e: {  	[tilespmem:$0x29D0] =	vst v1  }
0x2f: {  	[tilespmem:$0x29E0] =	vst v1  }
0x30: {  	[tilespmem:$0x29F0] =	vst v1  }
0x31: {  	[tilespmem:$0x2A00] =	vst v1  }
0x32: {  	[tilespmem:$0x2A10] =	vst v1  }
0x33: {  	[tilespmem:$0x2A20] =	vst v1  }
0x34: {  	[tilespmem:$0x2A30] =	vst v1  }
0x35: {  	[tilespmem:$0x2A40] =	vst v1  }
0x36: {  	[tilespmem:$0x2A50] =	vst v1  }
0x37: {  	[tilespmem:$0x2A60] =	vst v1  }
0x38: {  	[tilespmem:$0x2A70] =	vst v1  }
0x39: {  	[tilespmem:$0x2A80] =	vst v1  }
0x3a: {  	[tilespmem:$0x2A90] =	vst v1  }
0x3b: {  	[tilespmem:$0x2AA0] =	vst v1  }
0x3c: {  	[tilespmem:$0x2AB0] =	vst v1  }
0x3d: {  	[tilespmem:$0x2AC0] =	vst v1  }
0x3e: {  	[tilespmem:$0x2AD0] =	vst v1  }
0x3f: {  	[tilespmem:$0x2AE0] =	vst v1  }
0x40: {  	[tilespmem:$0x2AF0] =	vst v1  }
0x41: {  	[spmem:s4] =	stream.linear.scatter [tilespmem:s8], [sflag:$0x2], $0x280, $0x38;
	[tilespmem:$0x2D80] =	vst v63  }
0x42: {  	_ =	swait.ge [sflag:s9], $0x280  }
0x43: {  	[sflag:s9] =	ssyncset.done $0x0  }
0x44: {  	[sflag:s9] =	ssyncadd.s32 $0xFFFFFD80  }
0x45: {  	[bflag:$0x0] =	sbarrier.arrive $0xFFFF  }
0x46: {  	[tilespmem:s3], [sflag:$0x2] =	stream.linear.gather [hbm4b:s5+s3], $0x2800, $0x38;
	[tilespmem:$0x2D80] =	vst v63  }
0x47: {  	_ =	swait.ge [sflag:s9], $0x2800  }
0x48: {  	[sflag:s9] =	ssyncset.done $0x0  }
0x49: {  	[sflag:s9] =	ssyncadd.s32 $0xFFFFD800  }
0x4a: {  	[spmem:s2] =	stream.indirect.scatter.add.f32 [tilespmem:s11], [sflag:$0x1], $0x1, s3, s10, $0xb8;
	[tilespmem:$0x2D80] =	vst v63  }
0x4b: {  	_ = 	snop  }
0x4c: {  	[spmem:s2] =	stream.indirect.scatter.add.f32 [tilespmem:s11], [sflag:$0x1], $0x1, s10, s10, $0xb8;
	[tilespmem:$0x2D80] =	vst v63  }
0x4d: {  	_ = 	snop  }
0x4e: {  	[spmem:s2] =	stream.indirect.scatter.add.f32 [tilespmem:s11], [sflag:$0x1], $0x1, s12, s10, $0xb8;
	[tilespmem:$0x2D80] =	vst v63  }
0x4f: {  	_ = 	snop  }
0x50: {  	[spmem:s2] =	stream.indirect.scatter.add.f32 [tilespmem:s11], [sflag:$0x1], $0x1, s13, s10, $0xb8;
	[tilespmem:$0x2D80] =	vst v63  }
0x51: {  	_ = 	snop  }
0x52: {  	[spmem:s2] =	stream.indirect.scatter.add.f32 [tilespmem:s11], [sflag:$0x1], $0x1, s14, s10, $0xb8;
	[tilespmem:$0x2D80] =	vst v63  }
0x53: {  	_ = 	snop  }
0x54: {  	[spmem:s2] =	stream.indirect.scatter.add.f32 [tilespmem:s11], [sflag:$0x1], $0x1, s15, s10, $0xb8;
	[tilespmem:$0x2D80] =	vst v63  }
0x55: {  	_ = 	snop  }
0x56: {  	[spmem:s2] =	stream.indirect.scatter.add.f32 [tilespmem:s11], [sflag:$0x1], $0x1, s16, s10, $0xb8;
	[tilespmem:$0x2D80] =	vst v63  }
0x57: {  	_ = 	snop  }
0x58: {  	[spmem:s2] =	stream.indirect.scatter.add.f32 [tilespmem:s11], [sflag:$0x1], $0x1, s17, s10, $0xb8;
	[tilespmem:$0x2D80] =	vst v63  }
0x59: {  	_ =	swait.ge [sflag:s18], $0x80  }
0x5a: {  	[sflag:s18] =	ssyncset.done $0x0  }
0x5b: {  	s22 =	simm.s32 $0x1200;
	s23 =	simm.s32 $0x400;
	[sflag:s18] =	ssyncadd.s32 $0xFFFFFF80  }
.LBB2_2:
0x5c: {  	[spmem:s2] =	stream.indirect.scatter.add.f32 [tilespmem:s11], [sflag:$0x1], $0x1, s23, s10, $0xb8;
	[tilespmem:$0x2D80] =	vst v63  }
0x5d: {  	s23 =	smov.u32 s22;
	p0 =	sne.s32 s22, $0x9E00  }
.Ltmp0:
0x5e: {  	s22 =	sadd.s32 $0x200, s22;
	(pc) =	sbr.rel @p0 .LBB2_2-.Ltmp0, $4  }
0x5f: {  	_ = 	snop  }
0x60: {  	_ =	swait.ge [sflag:s18], $0x80  }
0x61: {  	[sflag:s18] =	ssyncset.done $0x0  }
0x62: {  	s23 =	sshra.s32 s23, $0x2;
	[sflag:s18] =	ssyncadd.s32 $0xFFFFFF80  }
0x63: {  	[spmem:s2] =	stream.indirect.scatter.add.f32 [tilespmem:s11], [sflag:$0x1], $0x1, s23, s10, $0xb8;
	[tilespmem:$0x2D80] =	vst v63  }
0x64: {  	_ =	swait.ge [sflag:s18], $0x80  }
0x65: {  	[sflag:s18] =	ssyncset.done $0x0  }
0x66: {  	[sflag:s18] =	ssyncadd.s32 $0xFFFFFF80  }
0x67: {  	_ =	swait.ge [sflag:s18], $0x80  }
0x68: {  	[sflag:s18] =	ssyncset.done $0x0  }
0x69: {  	[sflag:s18] =	ssyncadd.s32 $0xFFFFFF80  }
0x6a: {  	_ =	swait.ge [sflag:s18], $0x80  }
0x6b: {  	[sflag:s18] =	ssyncset.done $0x0  }
0x6c: {  	[sflag:s18] =	ssyncadd.s32 $0xFFFFFF80  }
0x6d: {  	_ =	swait.ge [sflag:s18], $0x80  }
0x6e: {  	[sflag:s18] =	ssyncset.done $0x0  }
0x6f: {  	[sflag:s18] =	ssyncadd.s32 $0xFFFFFF80  }
0x70: {  	_ =	swait.ge [sflag:s18], $0x80  }
0x71: {  	[sflag:s18] =	ssyncset.done $0x0  }
0x72: {  	[sflag:s18] =	ssyncadd.s32 $0xFFFFFF80  }
0x73: {  	_ =	swait.ge [sflag:s18], $0x80  }
0x74: {  	[sflag:s18] =	ssyncset.done $0x0  }
0x75: {  	[sflag:s18] =	ssyncadd.s32 $0xFFFFFF80  }
0x76: {  	_ =	swait.ge [sflag:s18], $0x80  }
0x77: {  	[sflag:s18] =	ssyncset.done $0x0  }
0x78: {  	[sflag:s18] =	ssyncadd.s32 $0xFFFFFF80  }
0x79: {  	_ =	swait.ge [sflag:s18], $0x80  }
0x7a: {  	s21 =	sadd.s32 $0x1, s21;
	[sflag:s18] =	ssyncset.done $0x0  }
0x7b: {  	p0 =	sne.s32 s21, s7;
	[sflag:s18] =	ssyncadd.s32 $0xFFFFFF80  }
.Ltmp1:
0x7c: {  	[bflag:$0x0] =	sbarrier.arrive $0xFFFF;
	(pc) =	sbr.rel @p0 .LBB2_1-.Ltmp1, $4  }
0x7d: {  	[hbm:s6], [sflag:s19] =	dma.local [spmem:s20], $0x50  }
0x7e: {  	_ =	swait.ge [sflag:s9], $0x50  }
0x7f: {  	[sflag:s9] =	ssyncset.done $0x0  }
0x80: {  	[sflag:s9] =	ssyncadd.s32 $0xFFFFFFB0  }
0x81: {  	_ =	sfence.sel $0x180000  }
0x82: {  	[bflag:$0x0] =	sbarrier.arrive $0xFFFF  }
0x83: {  	p0 =	sne.s32 s1, $0x0;
	_ =	strace $0x90000047  }
0x84: {  	s0 =	sadd.s32 @!p0 $0x100000, s0;
	[bflag:$0x2] =	sbarrier.arrive $0xFFFF  }
0x85: {  	[sflag:s0] =	ssyncadd.tile.s32 @!p0 $0x1;
	_ =	shalt  }
.Lfunc_end2:
_tile_overlayer_lowered:
.L_overlay_start_2:
0x86: {  	(tag) =	ssettag $0x2  }
0x87: {  	s0 =	rddreg [dreg:$0x0];
	s2 =	stileid.u32  }
0x88: {  	s1 =	rddreg [dreg:$0x1];
	p0 =	sne.s32 s2, $0x0  }
0x89: {  	s3 =	rddreg [dreg:$0x2];
	[bflag:$0x3] =	sbarrier.arrive $0xFFFF;
	s2 =	simm.s32 @!p0 $0x1C02  }
0x8a: {  	[timem:s3], [sflag:s2] =	dma.local @!p0 [hbm:s0], s1  }
0x8b: {  	s0 =	simm.s32 @!p0 $0x2  }
0x8c: {  	_ =	swait.ge @!p0 [sflag:s0], s1  }
0x8d: {  	s1 =	ssub.s32 @!p0 $0x0, s1;
	[sflag:s0] =	ssyncset.done @!p0 $0x0  }
0x8e: {  	[sflag:s0] =	ssyncadd.s32 @!p0 s1  }
0x8f: {  	[bflag:$0x3] =	sbarrier.arrive $0xFFFF  }
0x90: {  	_ =	shalt  }

</sc_bundles>
